<compile_context>
chip_gen: v7x
topology: tpu7x:2x2x1
jax: 0.10.2.dev20260603
libtpu: 0.0.44.dev20260713+nightly
codegen_flags: <defaults>
</compile_context>

<pallas_src>
import functools

import jax
import jax.numpy as jnp
from jax import lax
from jax.experimental import pallas as pl
from jax.experimental.pallas import tpu as pltpu
from jax.experimental.pallas import tpu_sc as plsc

N = 10000
E = 320000
DF = 128
DH = 16
NCLS = 10

NC = 2
NS = 16
NW = NC * NS
EPT = E // NW
B = 125
NB = EPT // B
RPT = 624
TAIL0 = RPT * NS
TAILN = N - TAIL0

@functools.cache
def _sc_kernels():
    mesh = plsc.VectorSubcoreMesh(core_axis_name="c", subcore_axis_name="s")
    params = pltpu.CompilerParams(use_tc_tiling_on_sc=False)

    @functools.partial(
        pl.kernel,
        out_type=jax.ShapeDtypeStruct((NC, N, DH), jnp.float32),
        mesh=mesh,
        compiler_params=params,
        scratch_types=[
            pltpu.VMEM((NB, B), jnp.int32),
            pltpu.VMEM((B, DH), jnp.float32),
            pltpu.VMEM_SHARED((N, DH), jnp.float32),
        ],
    )
    def sc_degree(edge_hbm, ones_hbm, out_hbm, dst_v, ones_v, acc):
        c = lax.axis_index("c")
        s = lax.axis_index("s")
        wid = s * NC + c
        pltpu.sync_copy(ones_hbm.at[pl.ds(s * RPT, RPT)], acc.at[pl.ds(s * RPT, RPT)])

        @pl.when(s == NS - 1)
        def _():
            pltpu.sync_copy(ones_hbm.at[pl.ds(TAIL0, TAILN)], acc.at[pl.ds(TAIL0, TAILN)])

        pltpu.sync_copy(ones_hbm.at[pl.ds(0, B)], ones_v)
        pltpu.sync_copy(edge_hbm.at[1, wid], dst_v)
        plsc.subcore_barrier()

        def body(j, carry):
            pltpu.sync_copy(ones_v, acc.at[dst_v.at[j]], add=True)
            return carry

        lax.fori_loop(0, NB, body, 0)
        plsc.subcore_barrier()
        pltpu.sync_copy(acc.at[pl.ds(s * RPT, RPT)], out_hbm.at[c, pl.ds(s * RPT, RPT)])

        @pl.when(s == NS - 1)
        def _():
            pltpu.sync_copy(acc.at[pl.ds(TAIL0, TAILN)], out_hbm.at[c, pl.ds(TAIL0, TAILN)])

    @functools.partial(
        pl.kernel,
        out_type=jax.ShapeDtypeStruct((NC, N, DH), jnp.float32),
        mesh=mesh,
        compiler_params=params,
        scratch_types=[
            pltpu.VMEM((NB, B), jnp.int32),
            pltpu.VMEM((NB, B), jnp.int32),
            pltpu.VMEM((8, B, DH), jnp.float32),
            pltpu.VMEM_SHARED((N, DH), jnp.float32),
            [pltpu.SemaphoreType.DMA] * 8,
        ],
    )
    def sc_agg(g_hbm, edge_hbm, out_hbm, src_v, dst_v, msg, acc, sems):
        c = lax.axis_index("c")
        s = lax.axis_index("s")
        wid = s * NC + c
        pltpu.sync_copy(g_hbm.at[pl.ds(s * RPT, RPT)], acc.at[pl.ds(s * RPT, RPT)])

        @pl.when(s == NS - 1)
        def _():
            pltpu.sync_copy(g_hbm.at[pl.ds(TAIL0, TAILN)], acc.at[pl.ds(TAIL0, TAILN)])

        pltpu.sync_copy(edge_hbm.at[0, wid], src_v)
        pltpu.sync_copy(edge_hbm.at[1, wid], dst_v)
        plsc.subcore_barrier()

        for k in range(7):
            pltpu.async_copy(g_hbm.at[src_v.at[k]], msg.at[k], sems[k])
        ngrp = NB // 8

        def body(g, carry):
            j0 = 8 * g
            for k in range(8):
                j = j0 + k
                kn = (k + 7) % 8
                pltpu.make_async_copy(g_hbm.at[src_v.at[j]], msg.at[k], sems[k]).wait()

                @pl.when(j + 7 < NB)
                def _():
                    pltpu.async_copy(g_hbm.at[src_v.at[j + 7]], msg.at[kn], sems[kn])

                pltpu.sync_copy(msg.at[k], acc.at[dst_v.at[j]], add=True)
            return carry

        lax.fori_loop(0, ngrp, body, 0)
        plsc.subcore_barrier()
        pltpu.sync_copy(acc.at[pl.ds(s * RPT, RPT)], out_hbm.at[c, pl.ds(s * RPT, RPT)])

        @pl.when(s == NS - 1)
        def _():
            pltpu.sync_copy(acc.at[pl.ds(TAIL0, TAILN)], out_hbm.at[c, pl.ds(TAIL0, TAILN)])

    return sc_degree, sc_agg


NP = N // 8
GP = 8


def _tc1a_body(x3_ref, w1_ref, b1_ref, h_ref):
    w1 = w1_ref[...]
    h = jnp.concatenate(
        [
            jnp.dot(x3_ref[:, j, :], w1, preferred_element_type=jnp.float32)
            for j in range(GP)
        ],
        axis=1,
    )
    h_ref[...] = h + b1_ref[...]


def _tc1b_body(degp_ref, h_ref, g_ref, dinv_ref):
    deg = degp_ref[0] + degp_ref[1] - 1.0
    dinv = lax.rsqrt(deg)
    g_ref[...] = h_ref[...] * dinv
    dinv_ref[...] = dinv


def _tc2_body(p_ref, g1_ref, dinv_ref, m2_ref, b2_ref, g2_ref):
    agg = p_ref[0] + p_ref[1] - g1_ref[...]
    out1 = jnp.maximum(dinv_ref[...] * agg, 0.0)
    h2 = jnp.dot(out1, m2_ref[...], preferred_element_type=jnp.float32)
    g2_ref[...] = (h2 + b2_ref[...]) * dinv_ref[...]


def _tc3_body(p_ref, g2_ref, dinv_ref, s0_ref, y_ref):
    out2 = dinv_ref[...] * (p_ref[0] + p_ref[1] - g2_ref[...])
    lane = lax.broadcasted_iota(jnp.int32, (NP, GP * DH), 1)
    mask = (lane % DH) < NCLS
    zm = jnp.where(mask, out2, 0.0)
    s0 = s0_ref[...]
    mean = jnp.dot(zm, s0, preferred_element_type=jnp.float32) * (1.0 / NCLS)
    e = jnp.where(mask, jnp.exp(out2 - mean), 0.0)
    tot = jnp.dot(e, s0, preferred_element_type=jnp.float32)
    y_ref[...] = e / tot


_full = lambda shape: pl.BlockSpec(shape, lambda: tuple(0 for _ in shape))

_tc1a = pl.pallas_call(
    _tc1a_body,
    in_specs=[
        _full((NP, GP, DF)),
        _full((DF, DH)),
        _full((1, GP * DH)),
    ],
    out_specs=_full((NP, GP * DH)),
    out_shape=jax.ShapeDtypeStruct((NP, GP * DH), jnp.float32),
)

_tc1b = pl.pallas_call(
    _tc1b_body,
    in_specs=[
        _full((NC, NP, GP * DH)),
        _full((NP, GP * DH)),
    ],
    out_specs=[_full((NP, GP * DH)), _full((NP, GP * DH))],
    out_shape=[
        jax.ShapeDtypeStruct((NP, GP * DH), jnp.float32),
        jax.ShapeDtypeStruct((NP, GP * DH), jnp.float32),
    ],
)

_tc2 = pl.pallas_call(
    _tc2_body,
    in_specs=[
        _full((NC, NP, GP * DH)),
        _full((NP, GP * DH)),
        _full((NP, GP * DH)),
        _full((GP * DH, GP * DH)),
        _full((1, GP * DH)),
    ],
    out_specs=_full((NP, GP * DH)),
    out_shape=jax.ShapeDtypeStruct((NP, GP * DH), jnp.float32),
)

_tc3 = pl.pallas_call(
    _tc3_body,
    in_specs=[
        _full((NC, NP, GP * DH)),
        _full((NP, GP * DH)),
        _full((NP, GP * DH)),
        _full((GP * DH, GP * DH)),
    ],
    out_specs=_full((NP, GP * DH)),
    out_shape=jax.ShapeDtypeStruct((NP, GP * DH), jnp.float32),
)


@jax.jit
def kernel(x, edge_index, W1, b1, W2, b2):
    ei = edge_index.astype(jnp.int32).reshape(2, NW, NB, B)

    ones_nd = jnp.ones((N, DH), jnp.float32)

    _sc_degree, _sc_agg = _sc_kernels()
    degp = _sc_degree(ei, ones_nd)

    x3 = x.reshape(NP, GP, DF)
    b1t = jnp.tile(b1, GP).reshape(1, GP * DH)
    h1_p = _tc1a(x3, W1, b1t)
    g1_p, dinv_p = _tc1b(degp.reshape(NC, NP, GP * DH), h1_p)

    p1 = _sc_agg(g1_p.reshape(N, DH), ei)
    w2p = jnp.zeros((DH, DH), jnp.float32).at[:, :NCLS].set(W2)
    m2 = jnp.kron(jnp.eye(GP, dtype=jnp.float32), w2p)
    b2p = jnp.zeros((DH,), jnp.float32).at[:NCLS].set(b2)
    b2t = jnp.tile(b2p, GP).reshape(1, GP * DH)
    g2_p = _tc2(p1.reshape(NC, NP, GP * DH), g1_p, dinv_p, m2, b2t)

    p2 = _sc_agg(g2_p.reshape(N, DH), ei)
    s0 = jnp.kron(jnp.eye(GP, dtype=jnp.float32), jnp.ones((DH, DH), jnp.float32))
    y_p = _tc3(p2.reshape(NC, NP, GP * DH), g2_p, dinv_p, s0)
    return y_p.reshape(N, DH)[:, :NCLS]

# --- scband reference (transcript-rebuilt; emitter-appended) ---
"""Pipeline reference for scband-traffic-gnn-39127152067222 (READ-ONLY COPY).

The authoritative reference and input builder live on the scoring server;
editing this copy changes nothing except your own understanding.
"""

import jax, jax.numpy as jnp
import numpy as np

N_NODES = 10000
N_EDGES = 320000
D_FEAT = 128
D_HID = 16
N_CLASSES = 10


def setup_inputs(seed: int = 0) -> dict:
    key = jax.random.key(seed)
    k_x, k_ei, k_w1, k_b1, k_w2, k_b2 = jax.random.split(key, 6)
    x = jax.random.normal(k_x, (N_NODES, D_FEAT), dtype=jnp.float32)
    edge_index = jax.random.randint(k_ei, (2, N_EDGES), 0, N_NODES, dtype=jnp.int64)
    # GCNConv parameters (glorot-style scale)
    W1 = jax.random.normal(k_w1, (D_FEAT, D_HID), dtype=jnp.float32) * (1.0 / np.sqrt(D_FEAT))
    b1 = jnp.zeros((D_HID,), dtype=jnp.float32)
    W2 = jax.random.normal(k_w2, (D_HID, N_CLASSES), dtype=jnp.float32) * (1.0 / np.sqrt(D_HID))
    b2 = jnp.zeros((N_CLASSES,), dtype=jnp.float32)
    return {"x": x, "edge_index": edge_index, "W1": W1, "b1": b1, "W2": W2, "b2": b2}


def _gcn_conv(x, src, dst, W, b, n_nodes):
    # GCNConv: add self-loops, symmetric normalization, linear transform, aggregate
    loop = jnp.arange(n_nodes, dtype=src.dtype)
    src_sl = jnp.concatenate([src, loop])
    dst_sl = jnp.concatenate([dst, loop])
    deg = jnp.zeros((n_nodes,), dtype=jnp.float32).at[dst_sl].add(1.0)
    dinv = jnp.where(deg > 0, deg ** -0.5, 0.0)
    norm = dinv[src_sl] * dinv[dst_sl]
    h = x @ W + b
    msg = h[src_sl] * norm[:, None]
    out = jnp.zeros((n_nodes, h.shape[1]), dtype=h.dtype).at[dst_sl].add(msg)
    return out


def reference(x, edge_index, W1, b1, W2, b2):
    src = edge_index[0]
    dst = edge_index[1]
    h = _gcn_conv(x, src, dst, W1, b1, N_NODES)
    h = jax.nn.relu(h)
    # F.dropout in eval mode is identity (deterministic reference)
    h = _gcn_conv(h, src, dst, W2, b2, N_NODES)
    return jax.nn.softmax(h, axis=1)

if __name__ == "__main__":
    import jax
    _d = setup_inputs()
    print(jax.jit(kernel)(*tuple(_d.values())))

</pallas_src>

<mosaic_0001>
#map = affine_map<(d0, d1) -> (0, 0)>
#map1 = affine_map<(d0, d1) -> (0, 0, 0, 0)>
#map2 = affine_map<(d0, d1) -> (0, 0, 0)>
module attributes {stable_mosaic.version = 14 : i64} {
  func.func @sc_agg(%arg0: i32, %arg1: i32, %arg2: memref<10000x16xf32, #tpu.memory_space<hbm>>, %arg3: memref<2x32x80x125xi32, #tpu.memory_space<hbm>>, %arg4: memref<2x10000x16xf32, #tpu.memory_space<hbm>>, %arg5: memref<80x125xi32, #tpu.memory_space<vmem>>, %arg6: memref<80x125xi32, #tpu.memory_space<vmem>>, %arg7: memref<8x125x16xf32, #tpu.memory_space<vmem>>, %arg8: memref<10000x16xf32, #tpu.memory_space<vmem_shared>>, %arg9: memref<!tpu.dma_semaphore, #tpu.memory_space<semaphore_mem>>, %arg10: memref<!tpu.dma_semaphore, #tpu.memory_space<semaphore_mem>>, %arg11: memref<!tpu.dma_semaphore, #tpu.memory_space<semaphore_mem>>, %arg12: memref<!tpu.dma_semaphore, #tpu.memory_space<semaphore_mem>>, %arg13: memref<!tpu.dma_semaphore, #tpu.memory_space<semaphore_mem>>, %arg14: memref<!tpu.dma_semaphore, #tpu.memory_space<semaphore_mem>>, %arg15: memref<!tpu.dma_semaphore, #tpu.memory_space<semaphore_mem>>, %arg16: memref<!tpu.dma_semaphore, #tpu.memory_space<semaphore_mem>>) attributes {dimension_semantics = [#tpu.dimension_semantics<core_parallel>, #tpu.dimension_semantics<subcore_parallel>], iteration_bounds = array<i64: 2, 16>, scalar_prefetch = 0 : i64, scratch_operands = 12 : i64, tpu.core_type = #tpu.core_type<sc_vector_subcore>, window_params = [{transform_indices = #map}, {transform_indices = #map1}, {transform_indices = #map2}]} {
    %mul3A = arith.constant 2 : i32
    %mul3A_0 = arith.muli %arg1, %mul3A : i32
    %add3A = arith.addi %mul3A_0, %arg0 : i32
    %mul3A_1 = arith.constant 624 : i32
    %mul3A_2 = arith.muli %arg1, %mul3A_1 : i32
    %mul3A_3 = arith.constant 624 : i32
    %mul3A_4 = arith.muli %arg1, %mul3A_3 : i32
    "tpu.region"() ({
      %run_scoped3A_106 = tpu.sem_alloc : memref<!tpu.dma_semaphore, #tpu.memory_space<semaphore_mem>>
      %dma_start3A_107 = arith.constant 0 : i32
      %dma_start3A_108 = tpu.memref_slice %arg8[%mul3A_4, %dma_start3A_107] : memref<10000x16xf32, #tpu.memory_space<vmem_shared>> -> memref<624x16xf32, #tpu.memory_space<vmem_shared>>
      %dma_start3A_109 = arith.constant 0 : i32
      %dma_start3A_110 = tpu.memref_slice %arg2[%mul3A_2, %dma_start3A_109] : memref<10000x16xf32, #tpu.memory_space<hbm>> -> memref<624x16xf32, #tpu.memory_space<hbm>>
      tpu.enqueue_dma source(%dma_start3A_110 : memref<624x16xf32, #tpu.memory_space<hbm>>) target(%dma_start3A_108 : memref<624x16xf32, #tpu.memory_space<vmem_shared>>) target_semaphore(%run_scoped3A_106 : memref<!tpu.dma_semaphore, #tpu.memory_space<semaphore_mem>>)
      %dma_wait3A = arith.constant 0 : i32
      %dma_wait3A_111 = tpu.memref_slice %arg8[%mul3A_4, %dma_wait3A] : memref<10000x16xf32, #tpu.memory_space<vmem_shared>> -> memref<624x16xf32, #tpu.memory_space<vmem_shared>>
      %dma_wait3A_112 = arith.constant 0 : i32
      %dma_wait3A_113 = tpu.memref_slice %arg2[%mul3A_2, %dma_wait3A_112] : memref<10000x16xf32, #tpu.memory_space<hbm>> -> memref<624x16xf32, #tpu.memory_space<hbm>>
      tpu.wait_dma2 semaphore(%run_scoped3A_106 : memref<!tpu.dma_semaphore, #tpu.memory_space<semaphore_mem>>) src(%dma_wait3A_113 : memref<624x16xf32, #tpu.memory_space<hbm>>) dst(%dma_wait3A_111 : memref<624x16xf32, #tpu.memory_space<vmem_shared>>)
      tpu.yield
    }) : () -> ()
    %eq3A = arith.constant 15 : i32
    %eq3A_5 = arith.cmpi eq, %arg1, %eq3A : i32
    %convert_element_type3A = arith.extui %eq3A_5 : i1 to i32
    %cond3A = arith.constant 0 : i32
    %cond3A_6 = arith.cmpi ne, %convert_element_type3A, %cond3A : i32
    scf.if %cond3A_6 {
      "tpu.region"() ({
        %run_scoped3A_106 = tpu.sem_alloc : memref<!tpu.dma_semaphore, #tpu.memory_space<semaphore_mem>>
        %dma_start3A_107 = arith.constant 9984 : i32
        %dma_start3A_108 = arith.constant 0 : i32
        %dma_start3A_109 = tpu.memref_slice %arg8[%dma_start3A_107, %dma_start3A_108] : memref<10000x16xf32, #tpu.memory_space<vmem_shared>> -> memref<16x16xf32, #tpu.memory_space<vmem_shared>>
        %dma_start3A_110 = arith.constant 9984 : i32
        %dma_start3A_111 = arith.constant 0 : i32
        %dma_start3A_112 = tpu.memref_slice %arg2[%dma_start3A_110, %dma_start3A_111] : memref<10000x16xf32, #tpu.memory_space<hbm>> -> memref<16x16xf32, #tpu.memory_space<hbm>>
        tpu.enqueue_dma source(%dma_start3A_112 : memref<16x16xf32, #tpu.memory_space<hbm>>) target(%dma_start3A_109 : memref<16x16xf32, #tpu.memory_space<vmem_shared>>) target_semaphore(%run_scoped3A_106 : memref<!tpu.dma_semaphore, #tpu.memory_space<semaphore_mem>>)
        %dma_wait3A = arith.constant 9984 : i32
        %dma_wait3A_113 = arith.constant 0 : i32
        %dma_wait3A_114 = tpu.memref_slice %arg8[%dma_wait3A, %dma_wait3A_113] : memref<10000x16xf32, #tpu.memory_space<vmem_shared>> -> memref<16x16xf32, #tpu.memory_space<vmem_shared>>
        %dma_wait3A_115 = arith.constant 9984 : i32
        %dma_wait3A_116 = arith.constant 0 : i32
        %dma_wait3A_117 = tpu.memref_slice %arg2[%dma_wait3A_115, %dma_wait3A_116] : memref<10000x16xf32, #tpu.memory_space<hbm>> -> memref<16x16xf32, #tpu.memory_space<hbm>>
        tpu.wait_dma2 semaphore(%run_scoped3A_106 : memref<!tpu.dma_semaphore, #tpu.memory_space<semaphore_mem>>) src(%dma_wait3A_117 : memref<16x16xf32, #tpu.memory_space<hbm>>) dst(%dma_wait3A_114 : memref<16x16xf32, #tpu.memory_space<vmem_shared>>)
        tpu.yield
      }) : () -> ()
    } else {
    }
    %run_scoped3A = arith.constant 0 : i32
    "tpu.region"() ({
      %run_scoped3A_106 = tpu.sem_alloc : memref<!tpu.dma_semaphore, #tpu.memory_space<semaphore_mem>>
      %dma_start3A_107 = arith.constant 0 : i32
      %dma_start3A_108 = arith.constant 0 : i32
      %dma_start3A_109 = tpu.memref_slice %arg3[%run_scoped3A, %add3A, %dma_start3A_107, %dma_start3A_108] : memref<2x32x80x125xi32, #tpu.memory_space<hbm>> -> memref<1x1x80x125xi32, #tpu.memory_space<hbm>>
      %dma_start3A_110 = tpu.memref_squeeze %dma_start3A_109 : memref<1x1x80x125xi32, #tpu.memory_space<hbm>> -> memref<80x125xi32, #tpu.memory_space<hbm>>
      %dma_start3A_111 = arith.constant 0 : i32
      %dma_start3A_112 = arith.constant 0 : i32
      %dma_start3A_113 = tpu.memref_slice %arg3[%run_scoped3A, %add3A, %dma_start3A_111, %dma_start3A_112] : memref<2x32x80x125xi32, #tpu.memory_space<hbm>> -> memref<1x1x80x125xi32, #tpu.memory_space<hbm>>
      %dma_start3A_114 = tpu.memref_squeeze %dma_start3A_113 : memref<1x1x80x125xi32, #tpu.memory_space<hbm>> -> memref<80x125xi32, #tpu.memory_space<hbm>>
      tpu.enqueue_dma source(%dma_start3A_114 : memref<80x125xi32, #tpu.memory_space<hbm>>) target(%arg5 : memref<80x125xi32, #tpu.memory_space<vmem>>) target_semaphore(%run_scoped3A_106 : memref<!tpu.dma_semaphore, #tpu.memory_space<semaphore_mem>>)
      %dma_wait3A = arith.constant 0 : i32
      %dma_wait3A_115 = arith.constant 0 : i32
      %dma_wait3A_116 = tpu.memref_slice %arg3[%run_scoped3A, %add3A, %dma_wait3A, %dma_wait3A_115] : memref<2x32x80x125xi32, #tpu.memory_space<hbm>> -> memref<1x1x80x125xi32, #tpu.memory_space<hbm>>
      %dma_wait3A_117 = tpu.memref_squeeze %dma_wait3A_116 : memref<1x1x80x125xi32, #tpu.memory_space<hbm>> -> memref<80x125xi32, #tpu.memory_space<hbm>>
      %dma_wait3A_118 = arith.constant 0 : i32
      %dma_wait3A_119 = arith.constant 0 : i32
      %dma_wait3A_120 = tpu.memref_slice %arg3[%run_scoped3A, %add3A, %dma_wait3A_118, %dma_wait3A_119] : memref<2x32x80x125xi32, #tpu.memory_space<hbm>> -> memref<1x1x80x125xi32, #tpu.memory_space<hbm>>
      %dma_wait3A_121 = tpu.memref_squeeze %dma_wait3A_120 : memref<1x1x80x125xi32, #tpu.memory_space<hbm>> -> memref<80x125xi32, #tpu.memory_space<hbm>>
      tpu.wait_dma2 semaphore(%run_scoped3A_106 : memref<!tpu.dma_semaphore, #tpu.memory_space<semaphore_mem>>) src(%dma_wait3A_121 : memref<80x125xi32, #tpu.memory_space<hbm>>) dst(%arg5 : memref<80x125xi32, #tpu.memory_space<vmem>>)
      tpu.yield
    }) : () -> ()
    %run_scoped3A_7 = arith.constant 1 : i32
    "tpu.region"() ({
      %run_scoped3A_106 = tpu.sem_alloc : memref<!tpu.dma_semaphore, #tpu.memory_space<semaphore_mem>>
      %dma_start3A_107 = arith.constant 0 : i32
      %dma_start3A_108 = arith.constant 0 : i32
      %dma_start3A_109 = tpu.memref_slice %arg3[%run_scoped3A_7, %add3A, %dma_start3A_107, %dma_start3A_108] : memref<2x32x80x125xi32, #tpu.memory_space<hbm>> -> memref<1x1x80x125xi32, #tpu.memory_space<hbm>>
      %dma_start3A_110 = tpu.memref_squeeze %dma_start3A_109 : memref<1x1x80x125xi32, #tpu.memory_space<hbm>> -> memref<80x125xi32, #tpu.memory_space<hbm>>
      %dma_start3A_111 = arith.constant 0 : i32
      %dma_start3A_112 = arith.constant 0 : i32
      %dma_start3A_113 = tpu.memref_slice %arg3[%run_scoped3A_7, %add3A, %dma_start3A_111, %dma_start3A_112] : memref<2x32x80x125xi32, #tpu.memory_space<hbm>> -> memref<1x1x80x125xi32, #tpu.memory_space<hbm>>
      %dma_start3A_114 = tpu.memref_squeeze %dma_start3A_113 : memref<1x1x80x125xi32, #tpu.memory_space<hbm>> -> memref<80x125xi32, #tpu.memory_space<hbm>>
      tpu.enqueue_dma source(%dma_start3A_114 : memref<80x125xi32, #tpu.memory_space<hbm>>) target(%arg6 : memref<80x125xi32, #tpu.memory_space<vmem>>) target_semaphore(%run_scoped3A_106 : memref<!tpu.dma_semaphore, #tpu.memory_space<semaphore_mem>>)
      %dma_wait3A = arith.constant 0 : i32
      %dma_wait3A_115 = arith.constant 0 : i32
      %dma_wait3A_116 = tpu.memref_slice %arg3[%run_scoped3A_7, %add3A, %dma_wait3A, %dma_wait3A_115] : memref<2x32x80x125xi32, #tpu.memory_space<hbm>> -> memref<1x1x80x125xi32, #tpu.memory_space<hbm>>
      %dma_wait3A_117 = tpu.memref_squeeze %dma_wait3A_116 : memref<1x1x80x125xi32, #tpu.memory_space<hbm>> -> memref<80x125xi32, #tpu.memory_space<hbm>>
      %dma_wait3A_118 = arith.constant 0 : i32
      %dma_wait3A_119 = arith.constant 0 : i32
      %dma_wait3A_120 = tpu.memref_slice %arg3[%run_scoped3A_7, %add3A, %dma_wait3A_118, %dma_wait3A_119] : memref<2x32x80x125xi32, #tpu.memory_space<hbm>> -> memref<1x1x80x125xi32, #tpu.memory_space<hbm>>
      %dma_wait3A_121 = tpu.memref_squeeze %dma_wait3A_120 : memref<1x1x80x125xi32, #tpu.memory_space<hbm>> -> memref<80x125xi32, #tpu.memory_space<hbm>>
      tpu.wait_dma2 semaphore(%run_scoped3A_106 : memref<!tpu.dma_semaphore, #tpu.memory_space<semaphore_mem>>) src(%dma_wait3A_121 : memref<80x125xi32, #tpu.memory_space<hbm>>) dst(%arg6 : memref<80x125xi32, #tpu.memory_space<vmem>>)
      tpu.yield
    }) : () -> ()
    %barrier3A = arith.constant 0 : index
    tpu.barrier barrier_id(%barrier3A)
    %dma_start3A = arith.constant 0 : i32
    %dma_start3A_8 = arith.constant 0 : i32
    %dma_start3A_9 = arith.constant 0 : i32
    %dma_start3A_10 = arith.constant 0 : i32
    %dma_start3A_11 = tpu.memref_slice %arg7[%dma_start3A_8, %dma_start3A_9, %dma_start3A_10] : memref<8x125x16xf32, #tpu.memory_space<vmem>> -> memref<1x125x16xf32, #tpu.memory_space<vmem>>
    %dma_start3A_12 = tpu.memref_squeeze %dma_start3A_11 : memref<1x125x16xf32, #tpu.memory_space<vmem>> -> memref<125x16xf32, #tpu.memory_space<vmem>>
    %dma_start3A_13 = arith.constant 0 : i32
    %dma_start3A_14 = tpu.memref_slice %arg5[%dma_start3A, %dma_start3A_13] : memref<80x125xi32, #tpu.memory_space<vmem>> -> memref<1x125xi32, #tpu.memory_space<vmem>>
    %dma_start3A_15 = tpu.memref_squeeze %dma_start3A_14 : memref<1x125xi32, #tpu.memory_space<vmem>> -> memref<125xi32, #tpu.memory_space<vmem>>
    %dma_start3A_16 = arith.constant 0 : i32
    %dma_start3A_17 = arith.constant 0 : i32
    %dma_start3A_18 = tpu.memref_slice %arg2[%dma_start3A_16, %dma_start3A_17] : memref<10000x16xf32, #tpu.memory_space<hbm>> -> memref<10000x16xf32, #tpu.memory_space<hbm>>
    tpu.enqueue_indirect_dma source(%dma_start3A_18 : memref<10000x16xf32, #tpu.memory_space<hbm>>) target(%dma_start3A_12 : memref<125x16xf32, #tpu.memory_space<vmem>>) offsets(%dma_start3A_15 : memref<125xi32, #tpu.memory_space<vmem>>) semaphore(%arg9 : memref<!tpu.dma_semaphore, #tpu.memory_space<semaphore_mem>>)
    %dma_start3A_19 = arith.constant 1 : i32
    %dma_start3A_20 = arith.constant 1 : i32
    %dma_start3A_21 = arith.constant 0 : i32
    %dma_start3A_22 = arith.constant 0 : i32
    %dma_start3A_23 = tpu.memref_slice %arg7[%dma_start3A_20, %dma_start3A_21, %dma_start3A_22] : memref<8x125x16xf32, #tpu.memory_space<vmem>> -> memref<1x125x16xf32, #tpu.memory_space<vmem>>
    %dma_start3A_24 = tpu.memref_squeeze %dma_start3A_23 : memref<1x125x16xf32, #tpu.memory_space<vmem>> -> memref<125x16xf32, #tpu.memory_space<vmem>>
    %dma_start3A_25 = arith.constant 0 : i32
    %dma_start3A_26 = tpu.memref_slice %arg5[%dma_start3A_19, %dma_start3A_25] : memref<80x125xi32, #tpu.memory_space<vmem>> -> memref<1x125xi32, #tpu.memory_space<vmem>>
    %dma_start3A_27 = tpu.memref_squeeze %dma_start3A_26 : memref<1x125xi32, #tpu.memory_space<vmem>> -> memref<125xi32, #tpu.memory_space<vmem>>
    %dma_start3A_28 = arith.constant 0 : i32
    %dma_start3A_29 = arith.constant 0 : i32
    %dma_start3A_30 = tpu.memref_slice %arg2[%dma_start3A_28, %dma_start3A_29] : memref<10000x16xf32, #tpu.memory_space<hbm>> -> memref<10000x16xf32, #tpu.memory_space<hbm>>
    tpu.enqueue_indirect_dma source(%dma_start3A_30 : memref<10000x16xf32, #tpu.memory_space<hbm>>) target(%dma_start3A_24 : memref<125x16xf32, #tpu.memory_space<vmem>>) offsets(%dma_start3A_27 : memref<125xi32, #tpu.memory_space<vmem>>) semaphore(%arg10 : memref<!tpu.dma_semaphore, #tpu.memory_space<semaphore_mem>>)
    %dma_start3A_31 = arith.constant 2 : i32
    %dma_start3A_32 = arith.constant 2 : i32
    %dma_start3A_33 = arith.constant 0 : i32
    %dma_start3A_34 = arith.constant 0 : i32
    %dma_start3A_35 = tpu.memref_slice %arg7[%dma_start3A_32, %dma_start3A_33, %dma_start3A_34] : memref<8x125x16xf32, #tpu.memory_space<vmem>> -> memref<1x125x16xf32, #tpu.memory_space<vmem>>
    %dma_start3A_36 = tpu.memref_squeeze %dma_start3A_35 : memref<1x125x16xf32, #tpu.memory_space<vmem>> -> memref<125x16xf32, #tpu.memory_space<vmem>>
    %dma_start3A_37 = arith.constant 0 : i32
    %dma_start3A_38 = tpu.memref_slice %arg5[%dma_start3A_31, %dma_start3A_37] : memref<80x125xi32, #tpu.memory_space<vmem>> -> memref<1x125xi32, #tpu.memory_space<vmem>>
    %dma_start3A_39 = tpu.memref_squeeze %dma_start3A_38 : memref<1x125xi32, #tpu.memory_space<vmem>> -> memref<125xi32, #tpu.memory_space<vmem>>
    %dma_start3A_40 = arith.constant 0 : i32
    %dma_start3A_41 = arith.constant 0 : i32
    %dma_start3A_42 = tpu.memref_slice %arg2[%dma_start3A_40, %dma_start3A_41] : memref<10000x16xf32, #tpu.memory_space<hbm>> -> memref<10000x16xf32, #tpu.memory_space<hbm>>
    tpu.enqueue_indirect_dma source(%dma_start3A_42 : memref<10000x16xf32, #tpu.memory_space<hbm>>) target(%dma_start3A_36 : memref<125x16xf32, #tpu.memory_space<vmem>>) offsets(%dma_start3A_39 : memref<125xi32, #tpu.memory_space<vmem>>) semaphore(%arg11 : memref<!tpu.dma_semaphore, #tpu.memory_space<semaphore_mem>>)
    %dma_start3A_43 = arith.constant 3 : i32
    %dma_start3A_44 = arith.constant 3 : i32
    %dma_start3A_45 = arith.constant 0 : i32
    %dma_start3A_46 = arith.constant 0 : i32
    %dma_start3A_47 = tpu.memref_slice %arg7[%dma_start3A_44, %dma_start3A_45, %dma_start3A_46] : memref<8x125x16xf32, #tpu.memory_space<vmem>> -> memref<1x125x16xf32, #tpu.memory_space<vmem>>
    %dma_start3A_48 = tpu.memref_squeeze %dma_start3A_47 : memref<1x125x16xf32, #tpu.memory_space<vmem>> -> memref<125x16xf32, #tpu.memory_space<vmem>>
    %dma_start3A_49 = arith.constant 0 : i32
    %dma_start3A_50 = tpu.memref_slice %arg5[%dma_start3A_43, %dma_start3A_49] : memref<80x125xi32, #tpu.memory_space<vmem>> -> memref<1x125xi32, #tpu.memory_space<vmem>>
    %dma_start3A_51 = tpu.memref_squeeze %dma_start3A_50 : memref<1x125xi32, #tpu.memory_space<vmem>> -> memref<125xi32, #tpu.memory_space<vmem>>
    %dma_start3A_52 = arith.constant 0 : i32
    %dma_start3A_53 = arith.constant 0 : i32
    %dma_start3A_54 = tpu.memref_slice %arg2[%dma_start3A_52, %dma_start3A_53] : memref<10000x16xf32, #tpu.memory_space<hbm>> -> memref<10000x16xf32, #tpu.memory_space<hbm>>
    tpu.enqueue_indirect_dma source(%dma_start3A_54 : memref<10000x16xf32, #tpu.memory_space<hbm>>) target(%dma_start3A_48 : memref<125x16xf32, #tpu.memory_space<vmem>>) offsets(%dma_start3A_51 : memref<125xi32, #tpu.memory_space<vmem>>) semaphore(%arg12 : memref<!tpu.dma_semaphore, #tpu.memory_space<semaphore_mem>>)
    %dma_start3A_55 = arith.constant 4 : i32
    %dma_start3A_56 = arith.constant 4 : i32
    %dma_start3A_57 = arith.constant 0 : i32
    %dma_start3A_58 = arith.constant 0 : i32
    %dma_start3A_59 = tpu.memref_slice %arg7[%dma_start3A_56, %dma_start3A_57, %dma_start3A_58] : memref<8x125x16xf32, #tpu.memory_space<vmem>> -> memref<1x125x16xf32, #tpu.memory_space<vmem>>
    %dma_start3A_60 = tpu.memref_squeeze %dma_start3A_59 : memref<1x125x16xf32, #tpu.memory_space<vmem>> -> memref<125x16xf32, #tpu.memory_space<vmem>>
    %dma_start3A_61 = arith.constant 0 : i32
    %dma_start3A_62 = tpu.memref_slice %arg5[%dma_start3A_55, %dma_start3A_61] : memref<80x125xi32, #tpu.memory_space<vmem>> -> memref<1x125xi32, #tpu.memory_space<vmem>>
    %dma_start3A_63 = tpu.memref_squeeze %dma_start3A_62 : memref<1x125xi32, #tpu.memory_space<vmem>> -> memref<125xi32, #tpu.memory_space<vmem>>
    %dma_start3A_64 = arith.constant 0 : i32
    %dma_start3A_65 = arith.constant 0 : i32
    %dma_start3A_66 = tpu.memref_slice %arg2[%dma_start3A_64, %dma_start3A_65] : memref<10000x16xf32, #tpu.memory_space<hbm>> -> memref<10000x16xf32, #tpu.memory_space<hbm>>
    tpu.enqueue_indirect_dma source(%dma_start3A_66 : memref<10000x16xf32, #tpu.memory_space<hbm>>) target(%dma_start3A_60 : memref<125x16xf32, #tpu.memory_space<vmem>>) offsets(%dma_start3A_63 : memref<125xi32, #tpu.memory_space<vmem>>) semaphore(%arg13 : memref<!tpu.dma_semaphore, #tpu.memory_space<semaphore_mem>>)
    %dma_start3A_67 = arith.constant 5 : i32
    %dma_start3A_68 = arith.constant 5 : i32
    %dma_start3A_69 = arith.constant 0 : i32
    %dma_start3A_70 = arith.constant 0 : i32
    %dma_start3A_71 = tpu.memref_slice %arg7[%dma_start3A_68, %dma_start3A_69, %dma_start3A_70] : memref<8x125x16xf32, #tpu.memory_space<vmem>> -> memref<1x125x16xf32, #tpu.memory_space<vmem>>
    %dma_start3A_72 = tpu.memref_squeeze %dma_start3A_71 : memref<1x125x16xf32, #tpu.memory_space<vmem>> -> memref<125x16xf32, #tpu.memory_space<vmem>>
    %dma_start3A_73 = arith.constant 0 : i32
    %dma_start3A_74 = tpu.memref_slice %arg5[%dma_start3A_67, %dma_start3A_73] : memref<80x125xi32, #tpu.memory_space<vmem>> -> memref<1x125xi32, #tpu.memory_space<vmem>>
    %dma_start3A_75 = tpu.memref_squeeze %dma_start3A_74 : memref<1x125xi32, #tpu.memory_space<vmem>> -> memref<125xi32, #tpu.memory_space<vmem>>
    %dma_start3A_76 = arith.constant 0 : i32
    %dma_start3A_77 = arith.constant 0 : i32
    %dma_start3A_78 = tpu.memref_slice %arg2[%dma_start3A_76, %dma_start3A_77] : memref<10000x16xf32, #tpu.memory_space<hbm>> -> memref<10000x16xf32, #tpu.memory_space<hbm>>
    tpu.enqueue_indirect_dma source(%dma_start3A_78 : memref<10000x16xf32, #tpu.memory_space<hbm>>) target(%dma_start3A_72 : memref<125x16xf32, #tpu.memory_space<vmem>>) offsets(%dma_start3A_75 : memref<125xi32, #tpu.memory_space<vmem>>) semaphore(%arg14 : memref<!tpu.dma_semaphore, #tpu.memory_space<semaphore_mem>>)
    %dma_start3A_79 = arith.constant 6 : i32
    %dma_start3A_80 = arith.constant 6 : i32
    %dma_start3A_81 = arith.constant 0 : i32
    %dma_start3A_82 = arith.constant 0 : i32
    %dma_start3A_83 = tpu.memref_slice %arg7[%dma_start3A_80, %dma_start3A_81, %dma_start3A_82] : memref<8x125x16xf32, #tpu.memory_space<vmem>> -> memref<1x125x16xf32, #tpu.memory_space<vmem>>
    %dma_start3A_84 = tpu.memref_squeeze %dma_start3A_83 : memref<1x125x16xf32, #tpu.memory_space<vmem>> -> memref<125x16xf32, #tpu.memory_space<vmem>>
    %dma_start3A_85 = arith.constant 0 : i32
    %dma_start3A_86 = tpu.memref_slice %arg5[%dma_start3A_79, %dma_start3A_85] : memref<80x125xi32, #tpu.memory_space<vmem>> -> memref<1x125xi32, #tpu.memory_space<vmem>>
    %dma_start3A_87 = tpu.memref_squeeze %dma_start3A_86 : memref<1x125xi32, #tpu.memory_space<vmem>> -> memref<125xi32, #tpu.memory_space<vmem>>
    %dma_start3A_88 = arith.constant 0 : i32
    %dma_start3A_89 = arith.constant 0 : i32
    %dma_start3A_90 = tpu.memref_slice %arg2[%dma_start3A_88, %dma_start3A_89] : memref<10000x16xf32, #tpu.memory_space<hbm>> -> memref<10000x16xf32, #tpu.memory_space<hbm>>
    tpu.enqueue_indirect_dma source(%dma_start3A_90 : memref<10000x16xf32, #tpu.memory_space<hbm>>) target(%dma_start3A_84 : memref<125x16xf32, #tpu.memory_space<vmem>>) offsets(%dma_start3A_87 : memref<125xi32, #tpu.memory_space<vmem>>) semaphore(%arg15 : memref<!tpu.dma_semaphore, #tpu.memory_space<semaphore_mem>>)
    %scan3A = arith.constant 0 : i32
    %scan3A_91 = arith.constant 0 : i32
    %scan3A_92 = arith.constant 10 : i32
    %scan3A_93 = arith.addi %scan3A_91, %scan3A_92 : i32
    %scan3A_94 = arith.constant 1 : i32
    scf.for %scan3A_106 = %scan3A_91 to %scan3A_93 step %scan3A_94  : i32 {
      %mul3A_107 = arith.constant 8 : i32
      %mul3A_108 = arith.muli %mul3A_107, %scan3A_106 : i32
      %add3A_109 = arith.constant 0 : i32
      %add3A_110 = arith.addi %mul3A_108, %add3A_109 : i32
      %dma_wait3A = arith.constant 0 : i32
      %dma_wait3A_111 = arith.constant 0 : i32
      %dma_wait3A_112 = arith.constant 0 : i32
      %dma_wait3A_113 = tpu.memref_slice %arg7[%dma_wait3A, %dma_wait3A_111, %dma_wait3A_112] : memref<8x125x16xf32, #tpu.memory_space<vmem>> -> memref<1x125x16xf32, #tpu.memory_space<vmem>>
      %dma_wait3A_114 = tpu.memref_squeeze %dma_wait3A_113 : memref<1x125x16xf32, #tpu.memory_space<vmem>> -> memref<125x16xf32, #tpu.memory_space<vmem>>
      %dma_wait3A_115 = arith.constant 0 : i32
      %dma_wait3A_116 = tpu.memref_slice %arg5[%add3A_110, %dma_wait3A_115] : memref<80x125xi32, #tpu.memory_space<vmem>> -> memref<1x125xi32, #tpu.memory_space<vmem>>
      %dma_wait3A_117 = tpu.memref_squeeze %dma_wait3A_116 : memref<1x125xi32, #tpu.memory_space<vmem>> -> memref<125xi32, #tpu.memory_space<vmem>>
      %dma_wait3A_118 = arith.constant 0 : i32
      %dma_wait3A_119 = arith.constant 0 : i32
      %dma_wait3A_120 = tpu.memref_slice %arg2[%dma_wait3A_118, %dma_wait3A_119] : memref<10000x16xf32, #tpu.memory_space<hbm>> -> memref<10000x16xf32, #tpu.memory_space<hbm>>
      tpu.wait_indirect_dma semaphore(%arg9 : memref<!tpu.dma_semaphore, #tpu.memory_space<semaphore_mem>>) src(%dma_wait3A_120 : memref<10000x16xf32, #tpu.memory_space<hbm>>) dst(%dma_wait3A_114 : memref<125x16xf32, #tpu.memory_space<vmem>>)
      %add3A_121 = arith.constant 7 : i32
      %add3A_122 = arith.addi %add3A_110, %add3A_121 : i32
      %lt3A = arith.constant 80 : i32
      %lt3A_123 = arith.cmpi slt, %add3A_122, %lt3A : i32
      %convert_element_type3A_124 = arith.extui %lt3A_123 : i1 to i32
      %cond3A_125 = arith.constant 0 : i32
      %cond3A_126 = arith.cmpi ne, %convert_element_type3A_124, %cond3A_125 : i32
      scf.if %cond3A_126 {
        %add3A_275 = arith.constant 7 : i32
        %add3A_276 = arith.addi %add3A_110, %add3A_275 : i32
        %dma_start3A_277 = arith.constant 7 : i32
        %dma_start3A_278 = arith.constant 0 : i32
        %dma_start3A_279 = arith.constant 0 : i32
        %dma_start3A_280 = tpu.memref_slice %arg7[%dma_start3A_277, %dma_start3A_278, %dma_start3A_279] : memref<8x125x16xf32, #tpu.memory_space<vmem>> -> memref<1x125x16xf32, #tpu.memory_space<vmem>>
        %dma_start3A_281 = tpu.memref_squeeze %dma_start3A_280 : memref<1x125x16xf32, #tpu.memory_space<vmem>> -> memref<125x16xf32, #tpu.memory_space<vmem>>
        %dma_start3A_282 = arith.constant 0 : i32
        %dma_start3A_283 = tpu.memref_slice %arg5[%add3A_276, %dma_start3A_282] : memref<80x125xi32, #tpu.memory_space<vmem>> -> memref<1x125xi32, #tpu.memory_space<vmem>>
        %dma_start3A_284 = tpu.memref_squeeze %dma_start3A_283 : memref<1x125xi32, #tpu.memory_space<vmem>> -> memref<125xi32, #tpu.memory_space<vmem>>
        %dma_start3A_285 = arith.constant 0 : i32
        %dma_start3A_286 = arith.constant 0 : i32
        %dma_start3A_287 = tpu.memref_slice %arg2[%dma_start3A_285, %dma_start3A_286] : memref<10000x16xf32, #tpu.memory_space<hbm>> -> memref<10000x16xf32, #tpu.memory_space<hbm>>
        tpu.enqueue_indirect_dma source(%dma_start3A_287 : memref<10000x16xf32, #tpu.memory_space<hbm>>) target(%dma_start3A_281 : memref<125x16xf32, #tpu.memory_space<vmem>>) offsets(%dma_start3A_284 : memref<125xi32, #tpu.memory_space<vmem>>) semaphore(%arg16 : memref<!tpu.dma_semaphore, #tpu.memory_space<semaphore_mem>>)
      } else {
      }
      %run_scoped3A_127 = arith.constant 0 : i32
      "tpu.region"() ({
        %run_scoped3A_275 = tpu.sem_alloc : memref<!tpu.dma_semaphore, #tpu.memory_space<semaphore_mem>>
        %dma_start3A_276 = arith.constant 0 : i32
        %dma_start3A_277 = arith.constant 0 : i32
        %dma_start3A_278 = tpu.memref_slice %arg7[%run_scoped3A_127, %dma_start3A_276, %dma_start3A_277] : memref<8x125x16xf32, #tpu.memory_space<vmem>> -> memref<1x125x16xf32, #tpu.memory_space<vmem>>
        %dma_start3A_279 = tpu.memref_squeeze %dma_start3A_278 : memref<1x125x16xf32, #tpu.memory_space<vmem>> -> memref<125x16xf32, #tpu.memory_space<vmem>>
        %dma_start3A_280 = arith.constant 0 : i32
        %dma_start3A_281 = tpu.memref_slice %arg6[%add3A_110, %dma_start3A_280] : memref<80x125xi32, #tpu.memory_space<vmem>> -> memref<1x125xi32, #tpu.memory_space<vmem>>
        %dma_start3A_282 = tpu.memref_squeeze %dma_start3A_281 : memref<1x125xi32, #tpu.memory_space<vmem>> -> memref<125xi32, #tpu.memory_space<vmem>>
        %dma_start3A_283 = arith.constant 0 : i32
        %dma_start3A_284 = arith.constant 0 : i32
        %dma_start3A_285 = tpu.memref_slice %arg8[%dma_start3A_283, %dma_start3A_284] : memref<10000x16xf32, #tpu.memory_space<vmem_shared>> -> memref<10000x16xf32, #tpu.memory_space<vmem_shared>>
        tpu.enqueue_indirect_dma source(%dma_start3A_279 : memref<125x16xf32, #tpu.memory_space<vmem>>) target(%dma_start3A_285 : memref<10000x16xf32, #tpu.memory_space<vmem_shared>>) offsets(%dma_start3A_282 : memref<125xi32, #tpu.memory_space<vmem>>) semaphore(%run_scoped3A_275 : memref<!tpu.dma_semaphore, #tpu.memory_space<semaphore_mem>>) {add = true}
        %dma_wait3A_286 = arith.constant 0 : i32
        %dma_wait3A_287 = arith.constant 0 : i32
        %dma_wait3A_288 = tpu.memref_slice %arg7[%run_scoped3A_127, %dma_wait3A_286, %dma_wait3A_287] : memref<8x125x16xf32, #tpu.memory_space<vmem>> -> memref<1x125x16xf32, #tpu.memory_space<vmem>>
        %dma_wait3A_289 = tpu.memref_squeeze %dma_wait3A_288 : memref<1x125x16xf32, #tpu.memory_space<vmem>> -> memref<125x16xf32, #tpu.memory_space<vmem>>
        %dma_wait3A_290 = arith.constant 0 : i32
        %dma_wait3A_291 = tpu.memref_slice %arg6[%add3A_110, %dma_wait3A_290] : memref<80x125xi32, #tpu.memory_space<vmem>> -> memref<1x125xi32, #tpu.memory_space<vmem>>
        %dma_wait3A_292 = tpu.memref_squeeze %dma_wait3A_291 : memref<1x125xi32, #tpu.memory_space<vmem>> -> memref<125xi32, #tpu.memory_space<vmem>>
        %dma_wait3A_293 = arith.constant 0 : i32
        %dma_wait3A_294 = arith.constant 0 : i32
        %dma_wait3A_295 = tpu.memref_slice %arg8[%dma_wait3A_293, %dma_wait3A_294] : memref<10000x16xf32, #tpu.memory_space<vmem_shared>> -> memref<10000x16xf32, #tpu.memory_space<vmem_shared>>
        tpu.wait_indirect_dma semaphore(%run_scoped3A_275 : memref<!tpu.dma_semaphore, #tpu.memory_space<semaphore_mem>>) src(%dma_wait3A_289 : memref<125x16xf32, #tpu.memory_space<vmem>>) dst(%dma_wait3A_295 : memref<10000x16xf32, #tpu.memory_space<vmem_shared>>)
        tpu.yield
      }) : () -> ()
      %add3A_128 = arith.constant 1 : i32
      %add3A_129 = arith.addi %mul3A_108, %add3A_128 : i32
      %dma_wait3A_130 = arith.constant 1 : i32
      %dma_wait3A_131 = arith.constant 0 : i32
      %dma_wait3A_132 = arith.constant 0 : i32
      %dma_wait3A_133 = tpu.memref_slice %arg7[%dma_wait3A_130, %dma_wait3A_131, %dma_wait3A_132] : memref<8x125x16xf32, #tpu.memory_space<vmem>> -> memref<1x125x16xf32, #tpu.memory_space<vmem>>
      %dma_wait3A_134 = tpu.memref_squeeze %dma_wait3A_133 : memref<1x125x16xf32, #tpu.memory_space<vmem>> -> memref<125x16xf32, #tpu.memory_space<vmem>>
      %dma_wait3A_135 = arith.constant 0 : i32
      %dma_wait3A_136 = tpu.memref_slice %arg5[%add3A_129, %dma_wait3A_135] : memref<80x125xi32, #tpu.memory_space<vmem>> -> memref<1x125xi32, #tpu.memory_space<vmem>>
      %dma_wait3A_137 = tpu.memref_squeeze %dma_wait3A_136 : memref<1x125xi32, #tpu.memory_space<vmem>> -> memref<125xi32, #tpu.memory_space<vmem>>
      %dma_wait3A_138 = arith.constant 0 : i32
      %dma_wait3A_139 = arith.constant 0 : i32
      %dma_wait3A_140 = tpu.memref_slice %arg2[%dma_wait3A_138, %dma_wait3A_139] : memref<10000x16xf32, #tpu.memory_space<hbm>> -> memref<10000x16xf32, #tpu.memory_space<hbm>>
      tpu.wait_indirect_dma semaphore(%arg10 : memref<!tpu.dma_semaphore, #tpu.memory_space<semaphore_mem>>) src(%dma_wait3A_140 : memref<10000x16xf32, #tpu.memory_space<hbm>>) dst(%dma_wait3A_134 : memref<125x16xf32, #tpu.memory_space<vmem>>)
      %add3A_141 = arith.constant 7 : i32
      %add3A_142 = arith.addi %add3A_129, %add3A_141 : i32
      %lt3A_143 = arith.constant 80 : i32
      %lt3A_144 = arith.cmpi slt, %add3A_142, %lt3A_143 : i32
      %convert_element_type3A_145 = arith.extui %lt3A_144 : i1 to i32
      %cond3A_146 = arith.constant 0 : i32
      %cond3A_147 = arith.cmpi ne, %convert_element_type3A_145, %cond3A_146 : i32
      scf.if %cond3A_147 {
        %add3A_275 = arith.constant 7 : i32
        %add3A_276 = arith.addi %add3A_129, %add3A_275 : i32
        %dma_start3A_277 = arith.constant 0 : i32
        %dma_start3A_278 = arith.constant 0 : i32
        %dma_start3A_279 = arith.constant 0 : i32
        %dma_start3A_280 = tpu.memref_slice %arg7[%dma_start3A_277, %dma_start3A_278, %dma_start3A_279] : memref<8x125x16xf32, #tpu.memory_space<vmem>> -> memref<1x125x16xf32, #tpu.memory_space<vmem>>
        %dma_start3A_281 = tpu.memref_squeeze %dma_start3A_280 : memref<1x125x16xf32, #tpu.memory_space<vmem>> -> memref<125x16xf32, #tpu.memory_space<vmem>>
        %dma_start3A_282 = arith.constant 0 : i32
        %dma_start3A_283 = tpu.memref_slice %arg5[%add3A_276, %dma_start3A_282] : memref<80x125xi32, #tpu.memory_space<vmem>> -> memref<1x125xi32, #tpu.memory_space<vmem>>
        %dma_start3A_284 = tpu.memref_squeeze %dma_start3A_283 : memref<1x125xi32, #tpu.memory_space<vmem>> -> memref<125xi32, #tpu.memory_space<vmem>>
        %dma_start3A_285 = arith.constant 0 : i32
        %dma_start3A_286 = arith.constant 0 : i32
        %dma_start3A_287 = tpu.memref_slice %arg2[%dma_start3A_285, %dma_start3A_286] : memref<10000x16xf32, #tpu.memory_space<hbm>> -> memref<10000x16xf32, #tpu.memory_space<hbm>>
        tpu.enqueue_indirect_dma source(%dma_start3A_287 : memref<10000x16xf32, #tpu.memory_space<hbm>>) target(%dma_start3A_281 : memref<125x16xf32, #tpu.memory_space<vmem>>) offsets(%dma_start3A_284 : memref<125xi32, #tpu.memory_space<vmem>>) semaphore(%arg9 : memref<!tpu.dma_semaphore, #tpu.memory_space<semaphore_mem>>)
      } else {
      }
      %run_scoped3A_148 = arith.constant 1 : i32
      "tpu.region"() ({
        %run_scoped3A_275 = tpu.sem_alloc : memref<!tpu.dma_semaphore, #tpu.memory_space<semaphore_mem>>
        %dma_start3A_276 = arith.constant 0 : i32
        %dma_start3A_277 = arith.constant 0 : i32
        %dma_start3A_278 = tpu.memref_slice %arg7[%run_scoped3A_148, %dma_start3A_276, %dma_start3A_277] : memref<8x125x16xf32, #tpu.memory_space<vmem>> -> memref<1x125x16xf32, #tpu.memory_space<vmem>>
        %dma_start3A_279 = tpu.memref_squeeze %dma_start3A_278 : memref<1x125x16xf32, #tpu.memory_space<vmem>> -> memref<125x16xf32, #tpu.memory_space<vmem>>
        %dma_start3A_280 = arith.constant 0 : i32
        %dma_start3A_281 = tpu.memref_slice %arg6[%add3A_129, %dma_start3A_280] : memref<80x125xi32, #tpu.memory_space<vmem>> -> memref<1x125xi32, #tpu.memory_space<vmem>>
        %dma_start3A_282 = tpu.memref_squeeze %dma_start3A_281 : memref<1x125xi32, #tpu.memory_space<vmem>> -> memref<125xi32, #tpu.memory_space<vmem>>
        %dma_start3A_283 = arith.constant 0 : i32
        %dma_start3A_284 = arith.constant 0 : i32
        %dma_start3A_285 = tpu.memref_slice %arg8[%dma_start3A_283, %dma_start3A_284] : memref<10000x16xf32, #tpu.memory_space<vmem_shared>> -> memref<10000x16xf32, #tpu.memory_space<vmem_shared>>
        tpu.enqueue_indirect_dma source(%dma_start3A_279 : memref<125x16xf32, #tpu.memory_space<vmem>>) target(%dma_start3A_285 : memref<10000x16xf32, #tpu.memory_space<vmem_shared>>) offsets(%dma_start3A_282 : memref<125xi32, #tpu.memory_space<vmem>>) semaphore(%run_scoped3A_275 : memref<!tpu.dma_semaphore, #tpu.memory_space<semaphore_mem>>) {add = true}
        %dma_wait3A_286 = arith.constant 0 : i32
        %dma_wait3A_287 = arith.constant 0 : i32
        %dma_wait3A_288 = tpu.memref_slice %arg7[%run_scoped3A_148, %dma_wait3A_286, %dma_wait3A_287] : memref<8x125x16xf32, #tpu.memory_space<vmem>> -> memref<1x125x16xf32, #tpu.memory_space<vmem>>
        %dma_wait3A_289 = tpu.memref_squeeze %dma_wait3A_288 : memref<1x125x16xf32, #tpu.memory_space<vmem>> -> memref<125x16xf32, #tpu.memory_space<vmem>>
        %dma_wait3A_290 = arith.constant 0 : i32
        %dma_wait3A_291 = tpu.memref_slice %arg6[%add3A_129, %dma_wait3A_290] : memref<80x125xi32, #tpu.memory_space<vmem>> -> memref<1x125xi32, #tpu.memory_space<vmem>>
        %dma_wait3A_292 = tpu.memref_squeeze %dma_wait3A_291 : memref<1x125xi32, #tpu.memory_space<vmem>> -> memref<125xi32, #tpu.memory_space<vmem>>
        %dma_wait3A_293 = arith.constant 0 : i32
        %dma_wait3A_294 = arith.constant 0 : i32
        %dma_wait3A_295 = tpu.memref_slice %arg8[%dma_wait3A_293, %dma_wait3A_294] : memref<10000x16xf32, #tpu.memory_space<vmem_shared>> -> memref<10000x16xf32, #tpu.memory_space<vmem_shared>>
        tpu.wait_indirect_dma semaphore(%run_scoped3A_275 : memref<!tpu.dma_semaphore, #tpu.memory_space<semaphore_mem>>) src(%dma_wait3A_289 : memref<125x16xf32, #tpu.memory_space<vmem>>) dst(%dma_wait3A_295 : memref<10000x16xf32, #tpu.memory_space<vmem_shared>>)
        tpu.yield
      }) : () -> ()
      %add3A_149 = arith.constant 2 : i32
      %add3A_150 = arith.addi %mul3A_108, %add3A_149 : i32
      %dma_wait3A_151 = arith.constant 2 : i32
      %dma_wait3A_152 = arith.constant 0 : i32
      %dma_wait3A_153 = arith.constant 0 : i32
      %dma_wait3A_154 = tpu.memref_slice %arg7[%dma_wait3A_151, %dma_wait3A_152, %dma_wait3A_153] : memref<8x125x16xf32, #tpu.memory_space<vmem>> -> memref<1x125x16xf32, #tpu.memory_space<vmem>>
      %dma_wait3A_155 = tpu.memref_squeeze %dma_wait3A_154 : memref<1x125x16xf32, #tpu.memory_space<vmem>> -> memref<125x16xf32, #tpu.memory_space<vmem>>
      %dma_wait3A_156 = arith.constant 0 : i32
      %dma_wait3A_157 = tpu.memref_slice %arg5[%add3A_150, %dma_wait3A_156] : memref<80x125xi32, #tpu.memory_space<vmem>> -> memref<1x125xi32, #tpu.memory_space<vmem>>
      %dma_wait3A_158 = tpu.memref_squeeze %dma_wait3A_157 : memref<1x125xi32, #tpu.memory_space<vmem>> -> memref<125xi32, #tpu.memory_space<vmem>>
      %dma_wait3A_159 = arith.constant 0 : i32
      %dma_wait3A_160 = arith.constant 0 : i32
      %dma_wait3A_161 = tpu.memref_slice %arg2[%dma_wait3A_159, %dma_wait3A_160] : memref<10000x16xf32, #tpu.memory_space<hbm>> -> memref<10000x16xf32, #tpu.memory_space<hbm>>
      tpu.wait_indirect_dma semaphore(%arg11 : memref<!tpu.dma_semaphore, #tpu.memory_space<semaphore_mem>>) src(%dma_wait3A_161 : memref<10000x16xf32, #tpu.memory_space<hbm>>) dst(%dma_wait3A_155 : memref<125x16xf32, #tpu.memory_space<vmem>>)
      %add3A_162 = arith.constant 7 : i32
      %add3A_163 = arith.addi %add3A_150, %add3A_162 : i32
      %lt3A_164 = arith.constant 80 : i32
      %lt3A_165 = arith.cmpi slt, %add3A_163, %lt3A_164 : i32
      %convert_element_type3A_166 = arith.extui %lt3A_165 : i1 to i32
      %cond3A_167 = arith.constant 0 : i32
      %cond3A_168 = arith.cmpi ne, %convert_element_type3A_166, %cond3A_167 : i32
      scf.if %cond3A_168 {
        %add3A_275 = arith.constant 7 : i32
        %add3A_276 = arith.addi %add3A_150, %add3A_275 : i32
        %dma_start3A_277 = arith.constant 1 : i32
        %dma_start3A_278 = arith.constant 0 : i32
        %dma_start3A_279 = arith.constant 0 : i32
        %dma_start3A_280 = tpu.memref_slice %arg7[%dma_start3A_277, %dma_start3A_278, %dma_start3A_279] : memref<8x125x16xf32, #tpu.memory_space<vmem>> -> memref<1x125x16xf32, #tpu.memory_space<vmem>>
        %dma_start3A_281 = tpu.memref_squeeze %dma_start3A_280 : memref<1x125x16xf32, #tpu.memory_space<vmem>> -> memref<125x16xf32, #tpu.memory_space<vmem>>
        %dma_start3A_282 = arith.constant 0 : i32
        %dma_start3A_283 = tpu.memref_slice %arg5[%add3A_276, %dma_start3A_282] : memref<80x125xi32, #tpu.memory_space<vmem>> -> memref<1x125xi32, #tpu.memory_space<vmem>>
        %dma_start3A_284 = tpu.memref_squeeze %dma_start3A_283 : memref<1x125xi32, #tpu.memory_space<vmem>> -> memref<125xi32, #tpu.memory_space<vmem>>
        %dma_start3A_285 = arith.constant 0 : i32
        %dma_start3A_286 = arith.constant 0 : i32
        %dma_start3A_287 = tpu.memref_slice %arg2[%dma_start3A_285, %dma_start3A_286] : memref<10000x16xf32, #tpu.memory_space<hbm>> -> memref<10000x16xf32, #tpu.memory_space<hbm>>
        tpu.enqueue_indirect_dma source(%dma_start3A_287 : memref<10000x16xf32, #tpu.memory_space<hbm>>) target(%dma_start3A_281 : memref<125x16xf32, #tpu.memory_space<vmem>>) offsets(%dma_start3A_284 : memref<125xi32, #tpu.memory_space<vmem>>) semaphore(%arg10 : memref<!tpu.dma_semaphore, #tpu.memory_space<semaphore_mem>>)
      } else {
      }
      %run_scoped3A_169 = arith.constant 2 : i32
      "tpu.region"() ({
        %run_scoped3A_275 = tpu.sem_alloc : memref<!tpu.dma_semaphore, #tpu.memory_space<semaphore_mem>>
        %dma_start3A_276 = arith.constant 0 : i32
        %dma_start3A_277 = arith.constant 0 : i32
        %dma_start3A_278 = tpu.memref_slice %arg7[%run_scoped3A_169, %dma_start3A_276, %dma_start3A_277] : memref<8x125x16xf32, #tpu.memory_space<vmem>> -> memref<1x125x16xf32, #tpu.memory_space<vmem>>
        %dma_start3A_279 = tpu.memref_squeeze %dma_start3A_278 : memref<1x125x16xf32, #tpu.memory_space<vmem>> -> memref<125x16xf32, #tpu.memory_space<vmem>>
        %dma_start3A_280 = arith.constant 0 : i32
        %dma_start3A_281 = tpu.memref_slice %arg6[%add3A_150, %dma_start3A_280] : memref<80x125xi32, #tpu.memory_space<vmem>> -> memref<1x125xi32, #tpu.memory_space<vmem>>
        %dma_start3A_282 = tpu.memref_squeeze %dma_start3A_281 : memref<1x125xi32, #tpu.memory_space<vmem>> -> memref<125xi32, #tpu.memory_space<vmem>>
        %dma_start3A_283 = arith.constant 0 : i32
        %dma_start3A_284 = arith.constant 0 : i32
        %dma_start3A_285 = tpu.memref_slice %arg8[%dma_start3A_283, %dma_start3A_284] : memref<10000x16xf32, #tpu.memory_space<vmem_shared>> -> memref<10000x16xf32, #tpu.memory_space<vmem_shared>>
        tpu.enqueue_indirect_dma source(%dma_start3A_279 : memref<125x16xf32, #tpu.memory_space<vmem>>) target(%dma_start3A_285 : memref<10000x16xf32, #tpu.memory_space<vmem_shared>>) offsets(%dma_start3A_282 : memref<125xi32, #tpu.memory_space<vmem>>) semaphore(%run_scoped3A_275 : memref<!tpu.dma_semaphore, #tpu.memory_space<semaphore_mem>>) {add = true}
        %dma_wait3A_286 = arith.constant 0 : i32
        %dma_wait3A_287 = arith.constant 0 : i32
        %dma_wait3A_288 = tpu.memref_slice %arg7[%run_scoped3A_169, %dma_wait3A_286, %dma_wait3A_287] : memref<8x125x16xf32, #tpu.memory_space<vmem>> -> memref<1x125x16xf32, #tpu.memory_space<vmem>>
        %dma_wait3A_289 = tpu.memref_squeeze %dma_wait3A_288 : memref<1x125x16xf32, #tpu.memory_space<vmem>> -> memref<125x16xf32, #tpu.memory_space<vmem>>
        %dma_wait3A_290 = arith.constant 0 : i32
        %dma_wait3A_291 = tpu.memref_slice %arg6[%add3A_150, %dma_wait3A_290] : memref<80x125xi32, #tpu.memory_space<vmem>> -> memref<1x125xi32, #tpu.memory_space<vmem>>
        %dma_wait3A_292 = tpu.memref_squeeze %dma_wait3A_291 : memref<1x125xi32, #tpu.memory_space<vmem>> -> memref<125xi32, #tpu.memory_space<vmem>>
        %dma_wait3A_293 = arith.constant 0 : i32
        %dma_wait3A_294 = arith.constant 0 : i32
        %dma_wait3A_295 = tpu.memref_slice %arg8[%dma_wait3A_293, %dma_wait3A_294] : memref<10000x16xf32, #tpu.memory_space<vmem_shared>> -> memref<10000x16xf32, #tpu.memory_space<vmem_shared>>
        tpu.wait_indirect_dma semaphore(%run_scoped3A_275 : memref<!tpu.dma_semaphore, #tpu.memory_space<semaphore_mem>>) src(%dma_wait3A_289 : memref<125x16xf32, #tpu.memory_space<vmem>>) dst(%dma_wait3A_295 : memref<10000x16xf32, #tpu.memory_space<vmem_shared>>)
        tpu.yield
      }) : () -> ()
      %add3A_170 = arith.constant 3 : i32
      %add3A_171 = arith.addi %mul3A_108, %add3A_170 : i32
      %dma_wait3A_172 = arith.constant 3 : i32
      %dma_wait3A_173 = arith.constant 0 : i32
      %dma_wait3A_174 = arith.constant 0 : i32
      %dma_wait3A_175 = tpu.memref_slice %arg7[%dma_wait3A_172, %dma_wait3A_173, %dma_wait3A_174] : memref<8x125x16xf32, #tpu.memory_space<vmem>> -> memref<1x125x16xf32, #tpu.memory_space<vmem>>
      %dma_wait3A_176 = tpu.memref_squeeze %dma_wait3A_175 : memref<1x125x16xf32, #tpu.memory_space<vmem>> -> memref<125x16xf32, #tpu.memory_space<vmem>>
      %dma_wait3A_177 = arith.constant 0 : i32
      %dma_wait3A_178 = tpu.memref_slice %arg5[%add3A_171, %dma_wait3A_177] : memref<80x125xi32, #tpu.memory_space<vmem>> -> memref<1x125xi32, #tpu.memory_space<vmem>>
      %dma_wait3A_179 = tpu.memref_squeeze %dma_wait3A_178 : memref<1x125xi32, #tpu.memory_space<vmem>> -> memref<125xi32, #tpu.memory_space<vmem>>
      %dma_wait3A_180 = arith.constant 0 : i32
      %dma_wait3A_181 = arith.constant 0 : i32
      %dma_wait3A_182 = tpu.memref_slice %arg2[%dma_wait3A_180, %dma_wait3A_181] : memref<10000x16xf32, #tpu.memory_space<hbm>> -> memref<10000x16xf32, #tpu.memory_space<hbm>>
      tpu.wait_indirect_dma semaphore(%arg12 : memref<!tpu.dma_semaphore, #tpu.memory_space<semaphore_mem>>) src(%dma_wait3A_182 : memref<10000x16xf32, #tpu.memory_space<hbm>>) dst(%dma_wait3A_176 : memref<125x16xf32, #tpu.memory_space<vmem>>)
      %add3A_183 = arith.constant 7 : i32
      %add3A_184 = arith.addi %add3A_171, %add3A_183 : i32
      %lt3A_185 = arith.constant 80 : i32
      %lt3A_186 = arith.cmpi slt, %add3A_184, %lt3A_185 : i32
      %convert_element_type3A_187 = arith.extui %lt3A_186 : i1 to i32
      %cond3A_188 = arith.constant 0 : i32
      %cond3A_189 = arith.cmpi ne, %convert_element_type3A_187, %cond3A_188 : i32
      scf.if %cond3A_189 {
        %add3A_275 = arith.constant 7 : i32
        %add3A_276 = arith.addi %add3A_171, %add3A_275 : i32
        %dma_start3A_277 = arith.constant 2 : i32
        %dma_start3A_278 = arith.constant 0 : i32
        %dma_start3A_279 = arith.constant 0 : i32
        %dma_start3A_280 = tpu.memref_slice %arg7[%dma_start3A_277, %dma_start3A_278, %dma_start3A_279] : memref<8x125x16xf32, #tpu.memory_space<vmem>> -> memref<1x125x16xf32, #tpu.memory_space<vmem>>
        %dma_start3A_281 = tpu.memref_squeeze %dma_start3A_280 : memref<1x125x16xf32, #tpu.memory_space<vmem>> -> memref<125x16xf32, #tpu.memory_space<vmem>>
        %dma_start3A_282 = arith.constant 0 : i32
        %dma_start3A_283 = tpu.memref_slice %arg5[%add3A_276, %dma_start3A_282] : memref<80x125xi32, #tpu.memory_space<vmem>> -> memref<1x125xi32, #tpu.memory_space<vmem>>
        %dma_start3A_284 = tpu.memref_squeeze %dma_start3A_283 : memref<1x125xi32, #tpu.memory_space<vmem>> -> memref<125xi32, #tpu.memory_space<vmem>>
        %dma_start3A_285 = arith.constant 0 : i32
        %dma_start3A_286 = arith.constant 0 : i32
        %dma_start3A_287 = tpu.memref_slice %arg2[%dma_start3A_285, %dma_start3A_286] : memref<10000x16xf32, #tpu.memory_space<hbm>> -> memref<10000x16xf32, #tpu.memory_space<hbm>>
        tpu.enqueue_indirect_dma source(%dma_start3A_287 : memref<10000x16xf32, #tpu.memory_space<hbm>>) target(%dma_start3A_281 : memref<125x16xf32, #tpu.memory_space<vmem>>) offsets(%dma_start3A_284 : memref<125xi32, #tpu.memory_space<vmem>>) semaphore(%arg11 : memref<!tpu.dma_semaphore, #tpu.memory_space<semaphore_mem>>)
      } else {
      }
      %run_scoped3A_190 = arith.constant 3 : i32
      "tpu.region"() ({
        %run_scoped3A_275 = tpu.sem_alloc : memref<!tpu.dma_semaphore, #tpu.memory_space<semaphore_mem>>
        %dma_start3A_276 = arith.constant 0 : i32
        %dma_start3A_277 = arith.constant 0 : i32
        %dma_start3A_278 = tpu.memref_slice %arg7[%run_scoped3A_190, %dma_start3A_276, %dma_start3A_277] : memref<8x125x16xf32, #tpu.memory_space<vmem>> -> memref<1x125x16xf32, #tpu.memory_space<vmem>>
        %dma_start3A_279 = tpu.memref_squeeze %dma_start3A_278 : memref<1x125x16xf32, #tpu.memory_space<vmem>> -> memref<125x16xf32, #tpu.memory_space<vmem>>
        %dma_start3A_280 = arith.constant 0 : i32
        %dma_start3A_281 = tpu.memref_slice %arg6[%add3A_171, %dma_start3A_280] : memref<80x125xi32, #tpu.memory_space<vmem>> -> memref<1x125xi32, #tpu.memory_space<vmem>>
        %dma_start3A_282 = tpu.memref_squeeze %dma_start3A_281 : memref<1x125xi32, #tpu.memory_space<vmem>> -> memref<125xi32, #tpu.memory_space<vmem>>
        %dma_start3A_283 = arith.constant 0 : i32
        %dma_start3A_284 = arith.constant 0 : i32
        %dma_start3A_285 = tpu.memref_slice %arg8[%dma_start3A_283, %dma_start3A_284] : memref<10000x16xf32, #tpu.memory_space<vmem_shared>> -> memref<10000x16xf32, #tpu.memory_space<vmem_shared>>
        tpu.enqueue_indirect_dma source(%dma_start3A_279 : memref<125x16xf32, #tpu.memory_space<vmem>>) target(%dma_start3A_285 : memref<10000x16xf32, #tpu.memory_space<vmem_shared>>) offsets(%dma_start3A_282 : memref<125xi32, #tpu.memory_space<vmem>>) semaphore(%run_scoped3A_275 : memref<!tpu.dma_semaphore, #tpu.memory_space<semaphore_mem>>) {add = true}
        %dma_wait3A_286 = arith.constant 0 : i32
        %dma_wait3A_287 = arith.constant 0 : i32
        %dma_wait3A_288 = tpu.memref_slice %arg7[%run_scoped3A_190, %dma_wait3A_286, %dma_wait3A_287] : memref<8x125x16xf32, #tpu.memory_space<vmem>> -> memref<1x125x16xf32, #tpu.memory_space<vmem>>
        %dma_wait3A_289 = tpu.memref_squeeze %dma_wait3A_288 : memref<1x125x16xf32, #tpu.memory_space<vmem>> -> memref<125x16xf32, #tpu.memory_space<vmem>>
        %dma_wait3A_290 = arith.constant 0 : i32
        %dma_wait3A_291 = tpu.memref_slice %arg6[%add3A_171, %dma_wait3A_290] : memref<80x125xi32, #tpu.memory_space<vmem>> -> memref<1x125xi32, #tpu.memory_space<vmem>>
        %dma_wait3A_292 = tpu.memref_squeeze %dma_wait3A_291 : memref<1x125xi32, #tpu.memory_space<vmem>> -> memref<125xi32, #tpu.memory_space<vmem>>
        %dma_wait3A_293 = arith.constant 0 : i32
        %dma_wait3A_294 = arith.constant 0 : i32
        %dma_wait3A_295 = tpu.memref_slice %arg8[%dma_wait3A_293, %dma_wait3A_294] : memref<10000x16xf32, #tpu.memory_space<vmem_shared>> -> memref<10000x16xf32, #tpu.memory_space<vmem_shared>>
        tpu.wait_indirect_dma semaphore(%run_scoped3A_275 : memref<!tpu.dma_semaphore, #tpu.memory_space<semaphore_mem>>) src(%dma_wait3A_289 : memref<125x16xf32, #tpu.memory_space<vmem>>) dst(%dma_wait3A_295 : memref<10000x16xf32, #tpu.memory_space<vmem_shared>>)
        tpu.yield
      }) : () -> ()
      %add3A_191 = arith.constant 4 : i32
      %add3A_192 = arith.addi %mul3A_108, %add3A_191 : i32
      %dma_wait3A_193 = arith.constant 4 : i32
      %dma_wait3A_194 = arith.constant 0 : i32
      %dma_wait3A_195 = arith.constant 0 : i32
      %dma_wait3A_196 = tpu.memref_slice %arg7[%dma_wait3A_193, %dma_wait3A_194, %dma_wait3A_195] : memref<8x125x16xf32, #tpu.memory_space<vmem>> -> memref<1x125x16xf32, #tpu.memory_space<vmem>>
      %dma_wait3A_197 = tpu.memref_squeeze %dma_wait3A_196 : memref<1x125x16xf32, #tpu.memory_space<vmem>> -> memref<125x16xf32, #tpu.memory_space<vmem>>
      %dma_wait3A_198 = arith.constant 0 : i32
      %dma_wait3A_199 = tpu.memref_slice %arg5[%add3A_192, %dma_wait3A_198] : memref<80x125xi32, #tpu.memory_space<vmem>> -> memref<1x125xi32, #tpu.memory_space<vmem>>
      %dma_wait3A_200 = tpu.memref_squeeze %dma_wait3A_199 : memref<1x125xi32, #tpu.memory_space<vmem>> -> memref<125xi32, #tpu.memory_space<vmem>>
      %dma_wait3A_201 = arith.constant 0 : i32
      %dma_wait3A_202 = arith.constant 0 : i32
      %dma_wait3A_203 = tpu.memref_slice %arg2[%dma_wait3A_201, %dma_wait3A_202] : memref<10000x16xf32, #tpu.memory_space<hbm>> -> memref<10000x16xf32, #tpu.memory_space<hbm>>
      tpu.wait_indirect_dma semaphore(%arg13 : memref<!tpu.dma_semaphore, #tpu.memory_space<semaphore_mem>>) src(%dma_wait3A_203 : memref<10000x16xf32, #tpu.memory_space<hbm>>) dst(%dma_wait3A_197 : memref<125x16xf32, #tpu.memory_space<vmem>>)
      %add3A_204 = arith.constant 7 : i32
      %add3A_205 = arith.addi %add3A_192, %add3A_204 : i32
      %lt3A_206 = arith.constant 80 : i32
      %lt3A_207 = arith.cmpi slt, %add3A_205, %lt3A_206 : i32
      %convert_element_type3A_208 = arith.extui %lt3A_207 : i1 to i32
      %cond3A_209 = arith.constant 0 : i32
      %cond3A_210 = arith.cmpi ne, %convert_element_type3A_208, %cond3A_209 : i32
      scf.if %cond3A_210 {
        %add3A_275 = arith.constant 7 : i32
        %add3A_276 = arith.addi %add3A_192, %add3A_275 : i32
        %dma_start3A_277 = arith.constant 3 : i32
        %dma_start3A_278 = arith.constant 0 : i32
        %dma_start3A_279 = arith.constant 0 : i32
        %dma_start3A_280 = tpu.memref_slice %arg7[%dma_start3A_277, %dma_start3A_278, %dma_start3A_279] : memref<8x125x16xf32, #tpu.memory_space<vmem>> -> memref<1x125x16xf32, #tpu.memory_space<vmem>>
        %dma_start3A_281 = tpu.memref_squeeze %dma_start3A_280 : memref<1x125x16xf32, #tpu.memory_space<vmem>> -> memref<125x16xf32, #tpu.memory_space<vmem>>
        %dma_start3A_282 = arith.constant 0 : i32
        %dma_start3A_283 = tpu.memref_slice %arg5[%add3A_276, %dma_start3A_282] : memref<80x125xi32, #tpu.memory_space<vmem>> -> memref<1x125xi32, #tpu.memory_space<vmem>>
        %dma_start3A_284 = tpu.memref_squeeze %dma_start3A_283 : memref<1x125xi32, #tpu.memory_space<vmem>> -> memref<125xi32, #tpu.memory_space<vmem>>
        %dma_start3A_285 = arith.constant 0 : i32
        %dma_start3A_286 = arith.constant 0 : i32
        %dma_start3A_287 = tpu.memref_slice %arg2[%dma_start3A_285, %dma_start3A_286] : memref<10000x16xf32, #tpu.memory_space<hbm>> -> memref<10000x16xf32, #tpu.memory_space<hbm>>
        tpu.enqueue_indirect_dma source(%dma_start3A_287 : memref<10000x16xf32, #tpu.memory_space<hbm>>) target(%dma_start3A_281 : memref<125x16xf32, #tpu.memory_space<vmem>>) offsets(%dma_start3A_284 : memref<125xi32, #tpu.memory_space<vmem>>) semaphore(%arg12 : memref<!tpu.dma_semaphore, #tpu.memory_space<semaphore_mem>>)
      } else {
      }
      %run_scoped3A_211 = arith.constant 4 : i32
      "tpu.region"() ({
        %run_scoped3A_275 = tpu.sem_alloc : memref<!tpu.dma_semaphore, #tpu.memory_space<semaphore_mem>>
        %dma_start3A_276 = arith.constant 0 : i32
        %dma_start3A_277 = arith.constant 0 : i32
        %dma_start3A_278 = tpu.memref_slice %arg7[%run_scoped3A_211, %dma_start3A_276, %dma_start3A_277] : memref<8x125x16xf32, #tpu.memory_space<vmem>> -> memref<1x125x16xf32, #tpu.memory_space<vmem>>
        %dma_start3A_279 = tpu.memref_squeeze %dma_start3A_278 : memref<1x125x16xf32, #tpu.memory_space<vmem>> -> memref<125x16xf32, #tpu.memory_space<vmem>>
        %dma_start3A_280 = arith.constant 0 : i32
        %dma_start3A_281 = tpu.memref_slice %arg6[%add3A_192, %dma_start3A_280] : memref<80x125xi32, #tpu.memory_space<vmem>> -> memref<1x125xi32, #tpu.memory_space<vmem>>
        %dma_start3A_282 = tpu.memref_squeeze %dma_start3A_281 : memref<1x125xi32, #tpu.memory_space<vmem>> -> memref<125xi32, #tpu.memory_space<vmem>>
        %dma_start3A_283 = arith.constant 0 : i32
        %dma_start3A_284 = arith.constant 0 : i32
        %dma_start3A_285 = tpu.memref_slice %arg8[%dma_start3A_283, %dma_start3A_284] : memref<10000x16xf32, #tpu.memory_space<vmem_shared>> -> memref<10000x16xf32, #tpu.memory_space<vmem_shared>>
        tpu.enqueue_indirect_dma source(%dma_start3A_279 : memref<125x16xf32, #tpu.memory_space<vmem>>) target(%dma_start3A_285 : memref<10000x16xf32, #tpu.memory_space<vmem_shared>>) offsets(%dma_start3A_282 : memref<125xi32, #tpu.memory_space<vmem>>) semaphore(%run_scoped3A_275 : memref<!tpu.dma_semaphore, #tpu.memory_space<semaphore_mem>>) {add = true}
        %dma_wait3A_286 = arith.constant 0 : i32
        %dma_wait3A_287 = arith.constant 0 : i32
        %dma_wait3A_288 = tpu.memref_slice %arg7[%run_scoped3A_211, %dma_wait3A_286, %dma_wait3A_287] : memref<8x125x16xf32, #tpu.memory_space<vmem>> -> memref<1x125x16xf32, #tpu.memory_space<vmem>>
        %dma_wait3A_289 = tpu.memref_squeeze %dma_wait3A_288 : memref<1x125x16xf32, #tpu.memory_space<vmem>> -> memref<125x16xf32, #tpu.memory_space<vmem>>
        %dma_wait3A_290 = arith.constant 0 : i32
        %dma_wait3A_291 = tpu.memref_slice %arg6[%add3A_192, %dma_wait3A_290] : memref<80x125xi32, #tpu.memory_space<vmem>> -> memref<1x125xi32, #tpu.memory_space<vmem>>
        %dma_wait3A_292 = tpu.memref_squeeze %dma_wait3A_291 : memref<1x125xi32, #tpu.memory_space<vmem>> -> memref<125xi32, #tpu.memory_space<vmem>>
        %dma_wait3A_293 = arith.constant 0 : i32
        %dma_wait3A_294 = arith.constant 0 : i32
        %dma_wait3A_295 = tpu.memref_slice %arg8[%dma_wait3A_293, %dma_wait3A_294] : memref<10000x16xf32, #tpu.memory_space<vmem_shared>> -> memref<10000x16xf32, #tpu.memory_space<vmem_shared>>
        tpu.wait_indirect_dma semaphore(%run_scoped3A_275 : memref<!tpu.dma_semaphore, #tpu.memory_space<semaphore_mem>>) src(%dma_wait3A_289 : memref<125x16xf32, #tpu.memory_space<vmem>>) dst(%dma_wait3A_295 : memref<10000x16xf32, #tpu.memory_space<vmem_shared>>)
        tpu.yield
      }) : () -> ()
      %add3A_212 = arith.constant 5 : i32
      %add3A_213 = arith.addi %mul3A_108, %add3A_212 : i32
      %dma_wait3A_214 = arith.constant 5 : i32
      %dma_wait3A_215 = arith.constant 0 : i32
      %dma_wait3A_216 = arith.constant 0 : i32
      %dma_wait3A_217 = tpu.memref_slice %arg7[%dma_wait3A_214, %dma_wait3A_215, %dma_wait3A_216] : memref<8x125x16xf32, #tpu.memory_space<vmem>> -> memref<1x125x16xf32, #tpu.memory_space<vmem>>
      %dma_wait3A_218 = tpu.memref_squeeze %dma_wait3A_217 : memref<1x125x16xf32, #tpu.memory_space<vmem>> -> memref<125x16xf32, #tpu.memory_space<vmem>>
      %dma_wait3A_219 = arith.constant 0 : i32
      %dma_wait3A_220 = tpu.memref_slice %arg5[%add3A_213, %dma_wait3A_219] : memref<80x125xi32, #tpu.memory_space<vmem>> -> memref<1x125xi32, #tpu.memory_space<vmem>>
      %dma_wait3A_221 = tpu.memref_squeeze %dma_wait3A_220 : memref<1x125xi32, #tpu.memory_space<vmem>> -> memref<125xi32, #tpu.memory_space<vmem>>
      %dma_wait3A_222 = arith.constant 0 : i32
      %dma_wait3A_223 = arith.constant 0 : i32
      %dma_wait3A_224 = tpu.memref_slice %arg2[%dma_wait3A_222, %dma_wait3A_223] : memref<10000x16xf32, #tpu.memory_space<hbm>> -> memref<10000x16xf32, #tpu.memory_space<hbm>>
      tpu.wait_indirect_dma semaphore(%arg14 : memref<!tpu.dma_semaphore, #tpu.memory_space<semaphore_mem>>) src(%dma_wait3A_224 : memref<10000x16xf32, #tpu.memory_space<hbm>>) dst(%dma_wait3A_218 : memref<125x16xf32, #tpu.memory_space<vmem>>)
      %add3A_225 = arith.constant 7 : i32
      %add3A_226 = arith.addi %add3A_213, %add3A_225 : i32
      %lt3A_227 = arith.constant 80 : i32
      %lt3A_228 = arith.cmpi slt, %add3A_226, %lt3A_227 : i32
      %convert_element_type3A_229 = arith.extui %lt3A_228 : i1 to i32
      %cond3A_230 = arith.constant 0 : i32
      %cond3A_231 = arith.cmpi ne, %convert_element_type3A_229, %cond3A_230 : i32
      scf.if %cond3A_231 {
        %add3A_275 = arith.constant 7 : i32
        %add3A_276 = arith.addi %add3A_213, %add3A_275 : i32
        %dma_start3A_277 = arith.constant 4 : i32
        %dma_start3A_278 = arith.constant 0 : i32
        %dma_start3A_279 = arith.constant 0 : i32
        %dma_start3A_280 = tpu.memref_slice %arg7[%dma_start3A_277, %dma_start3A_278, %dma_start3A_279] : memref<8x125x16xf32, #tpu.memory_space<vmem>> -> memref<1x125x16xf32, #tpu.memory_space<vmem>>
        %dma_start3A_281 = tpu.memref_squeeze %dma_start3A_280 : memref<1x125x16xf32, #tpu.memory_space<vmem>> -> memref<125x16xf32, #tpu.memory_space<vmem>>
        %dma_start3A_282 = arith.constant 0 : i32
        %dma_start3A_283 = tpu.memref_slice %arg5[%add3A_276, %dma_start3A_282] : memref<80x125xi32, #tpu.memory_space<vmem>> -> memref<1x125xi32, #tpu.memory_space<vmem>>
        %dma_start3A_284 = tpu.memref_squeeze %dma_start3A_283 : memref<1x125xi32, #tpu.memory_space<vmem>> -> memref<125xi32, #tpu.memory_space<vmem>>
        %dma_start3A_285 = arith.constant 0 : i32
        %dma_start3A_286 = arith.constant 0 : i32
        %dma_start3A_287 = tpu.memref_slice %arg2[%dma_start3A_285, %dma_start3A_286] : memref<10000x16xf32, #tpu.memory_space<hbm>> -> memref<10000x16xf32, #tpu.memory_space<hbm>>
        tpu.enqueue_indirect_dma source(%dma_start3A_287 : memref<10000x16xf32, #tpu.memory_space<hbm>>) target(%dma_start3A_281 : memref<125x16xf32, #tpu.memory_space<vmem>>) offsets(%dma_start3A_284 : memref<125xi32, #tpu.memory_space<vmem>>) semaphore(%arg13 : memref<!tpu.dma_semaphore, #tpu.memory_space<semaphore_mem>>)
      } else {
      }
      %run_scoped3A_232 = arith.constant 5 : i32
      "tpu.region"() ({
        %run_scoped3A_275 = tpu.sem_alloc : memref<!tpu.dma_semaphore, #tpu.memory_space<semaphore_mem>>
        %dma_start3A_276 = arith.constant 0 : i32
        %dma_start3A_277 = arith.constant 0 : i32
        %dma_start3A_278 = tpu.memref_slice %arg7[%run_scoped3A_232, %dma_start3A_276, %dma_start3A_277] : memref<8x125x16xf32, #tpu.memory_space<vmem>> -> memref<1x125x16xf32, #tpu.memory_space<vmem>>
        %dma_start3A_279 = tpu.memref_squeeze %dma_start3A_278 : memref<1x125x16xf32, #tpu.memory_space<vmem>> -> memref<125x16xf32, #tpu.memory_space<vmem>>
        %dma_start3A_280 = arith.constant 0 : i32
        %dma_start3A_281 = tpu.memref_slice %arg6[%add3A_213, %dma_start3A_280] : memref<80x125xi32, #tpu.memory_space<vmem>> -> memref<1x125xi32, #tpu.memory_space<vmem>>
        %dma_start3A_282 = tpu.memref_squeeze %dma_start3A_281 : memref<1x125xi32, #tpu.memory_space<vmem>> -> memref<125xi32, #tpu.memory_space<vmem>>
        %dma_start3A_283 = arith.constant 0 : i32
        %dma_start3A_284 = arith.constant 0 : i32
        %dma_start3A_285 = tpu.memref_slice %arg8[%dma_start3A_283, %dma_start3A_284] : memref<10000x16xf32, #tpu.memory_space<vmem_shared>> -> memref<10000x16xf32, #tpu.memory_space<vmem_shared>>
        tpu.enqueue_indirect_dma source(%dma_start3A_279 : memref<125x16xf32, #tpu.memory_space<vmem>>) target(%dma_start3A_285 : memref<10000x16xf32, #tpu.memory_space<vmem_shared>>) offsets(%dma_start3A_282 : memref<125xi32, #tpu.memory_space<vmem>>) semaphore(%run_scoped3A_275 : memref<!tpu.dma_semaphore, #tpu.memory_space<semaphore_mem>>) {add = true}
        %dma_wait3A_286 = arith.constant 0 : i32
        %dma_wait3A_287 = arith.constant 0 : i32
        %dma_wait3A_288 = tpu.memref_slice %arg7[%run_scoped3A_232, %dma_wait3A_286, %dma_wait3A_287] : memref<8x125x16xf32, #tpu.memory_space<vmem>> -> memref<1x125x16xf32, #tpu.memory_space<vmem>>
        %dma_wait3A_289 = tpu.memref_squeeze %dma_wait3A_288 : memref<1x125x16xf32, #tpu.memory_space<vmem>> -> memref<125x16xf32, #tpu.memory_space<vmem>>
        %dma_wait3A_290 = arith.constant 0 : i32
        %dma_wait3A_291 = tpu.memref_slice %arg6[%add3A_213, %dma_wait3A_290] : memref<80x125xi32, #tpu.memory_space<vmem>> -> memref<1x125xi32, #tpu.memory_space<vmem>>
        %dma_wait3A_292 = tpu.memref_squeeze %dma_wait3A_291 : memref<1x125xi32, #tpu.memory_space<vmem>> -> memref<125xi32, #tpu.memory_space<vmem>>
        %dma_wait3A_293 = arith.constant 0 : i32
        %dma_wait3A_294 = arith.constant 0 : i32
        %dma_wait3A_295 = tpu.memref_slice %arg8[%dma_wait3A_293, %dma_wait3A_294] : memref<10000x16xf32, #tpu.memory_space<vmem_shared>> -> memref<10000x16xf32, #tpu.memory_space<vmem_shared>>
        tpu.wait_indirect_dma semaphore(%run_scoped3A_275 : memref<!tpu.dma_semaphore, #tpu.memory_space<semaphore_mem>>) src(%dma_wait3A_289 : memref<125x16xf32, #tpu.memory_space<vmem>>) dst(%dma_wait3A_295 : memref<10000x16xf32, #tpu.memory_space<vmem_shared>>)
        tpu.yield
      }) : () -> ()
      %add3A_233 = arith.constant 6 : i32
      %add3A_234 = arith.addi %mul3A_108, %add3A_233 : i32
      %dma_wait3A_235 = arith.constant 6 : i32
      %dma_wait3A_236 = arith.constant 0 : i32
      %dma_wait3A_237 = arith.constant 0 : i32
      %dma_wait3A_238 = tpu.memref_slice %arg7[%dma_wait3A_235, %dma_wait3A_236, %dma_wait3A_237] : memref<8x125x16xf32, #tpu.memory_space<vmem>> -> memref<1x125x16xf32, #tpu.memory_space<vmem>>
      %dma_wait3A_239 = tpu.memref_squeeze %dma_wait3A_238 : memref<1x125x16xf32, #tpu.memory_space<vmem>> -> memref<125x16xf32, #tpu.memory_space<vmem>>
      %dma_wait3A_240 = arith.constant 0 : i32
      %dma_wait3A_241 = tpu.memref_slice %arg5[%add3A_234, %dma_wait3A_240] : memref<80x125xi32, #tpu.memory_space<vmem>> -> memref<1x125xi32, #tpu.memory_space<vmem>>
      %dma_wait3A_242 = tpu.memref_squeeze %dma_wait3A_241 : memref<1x125xi32, #tpu.memory_space<vmem>> -> memref<125xi32, #tpu.memory_space<vmem>>
      %dma_wait3A_243 = arith.constant 0 : i32
      %dma_wait3A_244 = arith.constant 0 : i32
      %dma_wait3A_245 = tpu.memref_slice %arg2[%dma_wait3A_243, %dma_wait3A_244] : memref<10000x16xf32, #tpu.memory_space<hbm>> -> memref<10000x16xf32, #tpu.memory_space<hbm>>
      tpu.wait_indirect_dma semaphore(%arg15 : memref<!tpu.dma_semaphore, #tpu.memory_space<semaphore_mem>>) src(%dma_wait3A_245 : memref<10000x16xf32, #tpu.memory_space<hbm>>) dst(%dma_wait3A_239 : memref<125x16xf32, #tpu.memory_space<vmem>>)
      %add3A_246 = arith.constant 7 : i32
      %add3A_247 = arith.addi %add3A_234, %add3A_246 : i32
      %lt3A_248 = arith.constant 80 : i32
      %lt3A_249 = arith.cmpi slt, %add3A_247, %lt3A_248 : i32
      %convert_element_type3A_250 = arith.extui %lt3A_249 : i1 to i32
      %cond3A_251 = arith.constant 0 : i32
      %cond3A_252 = arith.cmpi ne, %convert_element_type3A_250, %cond3A_251 : i32
      scf.if %cond3A_252 {
        %add3A_275 = arith.constant 7 : i32
        %add3A_276 = arith.addi %add3A_234, %add3A_275 : i32
        %dma_start3A_277 = arith.constant 5 : i32
        %dma_start3A_278 = arith.constant 0 : i32
        %dma_start3A_279 = arith.constant 0 : i32
        %dma_start3A_280 = tpu.memref_slice %arg7[%dma_start3A_277, %dma_start3A_278, %dma_start3A_279] : memref<8x125x16xf32, #tpu.memory_space<vmem>> -> memref<1x125x16xf32, #tpu.memory_space<vmem>>
        %dma_start3A_281 = tpu.memref_squeeze %dma_start3A_280 : memref<1x125x16xf32, #tpu.memory_space<vmem>> -> memref<125x16xf32, #tpu.memory_space<vmem>>
        %dma_start3A_282 = arith.constant 0 : i32
        %dma_start3A_283 = tpu.memref_slice %arg5[%add3A_276, %dma_start3A_282] : memref<80x125xi32, #tpu.memory_space<vmem>> -> memref<1x125xi32, #tpu.memory_space<vmem>>
        %dma_start3A_284 = tpu.memref_squeeze %dma_start3A_283 : memref<1x125xi32, #tpu.memory_space<vmem>> -> memref<125xi32, #tpu.memory_space<vmem>>
        %dma_start3A_285 = arith.constant 0 : i32
        %dma_start3A_286 = arith.constant 0 : i32
        %dma_start3A_287 = tpu.memref_slice %arg2[%dma_start3A_285, %dma_start3A_286] : memref<10000x16xf32, #tpu.memory_space<hbm>> -> memref<10000x16xf32, #tpu.memory_space<hbm>>
        tpu.enqueue_indirect_dma source(%dma_start3A_287 : memref<10000x16xf32, #tpu.memory_space<hbm>>) target(%dma_start3A_281 : memref<125x16xf32, #tpu.memory_space<vmem>>) offsets(%dma_start3A_284 : memref<125xi32, #tpu.memory_space<vmem>>) semaphore(%arg14 : memref<!tpu.dma_semaphore, #tpu.memory_space<semaphore_mem>>)
      } else {
      }
      %run_scoped3A_253 = arith.constant 6 : i32
      "tpu.region"() ({
        %run_scoped3A_275 = tpu.sem_alloc : memref<!tpu.dma_semaphore, #tpu.memory_space<semaphore_mem>>
        %dma_start3A_276 = arith.constant 0 : i32
        %dma_start3A_277 = arith.constant 0 : i32
        %dma_start3A_278 = tpu.memref_slice %arg7[%run_scoped3A_253, %dma_start3A_276, %dma_start3A_277] : memref<8x125x16xf32, #tpu.memory_space<vmem>> -> memref<1x125x16xf32, #tpu.memory_space<vmem>>
        %dma_start3A_279 = tpu.memref_squeeze %dma_start3A_278 : memref<1x125x16xf32, #tpu.memory_space<vmem>> -> memref<125x16xf32, #tpu.memory_space<vmem>>
        %dma_start3A_280 = arith.constant 0 : i32
        %dma_start3A_281 = tpu.memref_slice %arg6[%add3A_234, %dma_start3A_280] : memref<80x125xi32, #tpu.memory_space<vmem>> -> memref<1x125xi32, #tpu.memory_space<vmem>>
        %dma_start3A_282 = tpu.memref_squeeze %dma_start3A_281 : memref<1x125xi32, #tpu.memory_space<vmem>> -> memref<125xi32, #tpu.memory_space<vmem>>
        %dma_start3A_283 = arith.constant 0 : i32
        %dma_start3A_284 = arith.constant 0 : i32
        %dma_start3A_285 = tpu.memref_slice %arg8[%dma_start3A_283, %dma_start3A_284] : memref<10000x16xf32, #tpu.memory_space<vmem_shared>> -> memref<10000x16xf32, #tpu.memory_space<vmem_shared>>
        tpu.enqueue_indirect_dma source(%dma_start3A_279 : memref<125x16xf32, #tpu.memory_space<vmem>>) target(%dma_start3A_285 : memref<10000x16xf32, #tpu.memory_space<vmem_shared>>) offsets(%dma_start3A_282 : memref<125xi32, #tpu.memory_space<vmem>>) semaphore(%run_scoped3A_275 : memref<!tpu.dma_semaphore, #tpu.memory_space<semaphore_mem>>) {add = true}
        %dma_wait3A_286 = arith.constant 0 : i32
        %dma_wait3A_287 = arith.constant 0 : i32
        %dma_wait3A_288 = tpu.memref_slice %arg7[%run_scoped3A_253, %dma_wait3A_286, %dma_wait3A_287] : memref<8x125x16xf32, #tpu.memory_space<vmem>> -> memref<1x125x16xf32, #tpu.memory_space<vmem>>
        %dma_wait3A_289 = tpu.memref_squeeze %dma_wait3A_288 : memref<1x125x16xf32, #tpu.memory_space<vmem>> -> memref<125x16xf32, #tpu.memory_space<vmem>>
        %dma_wait3A_290 = arith.constant 0 : i32
        %dma_wait3A_291 = tpu.memref_slice %arg6[%add3A_234, %dma_wait3A_290] : memref<80x125xi32, #tpu.memory_space<vmem>> -> memref<1x125xi32, #tpu.memory_space<vmem>>
        %dma_wait3A_292 = tpu.memref_squeeze %dma_wait3A_291 : memref<1x125xi32, #tpu.memory_space<vmem>> -> memref<125xi32, #tpu.memory_space<vmem>>
        %dma_wait3A_293 = arith.constant 0 : i32
        %dma_wait3A_294 = arith.constant 0 : i32
        %dma_wait3A_295 = tpu.memref_slice %arg8[%dma_wait3A_293, %dma_wait3A_294] : memref<10000x16xf32, #tpu.memory_space<vmem_shared>> -> memref<10000x16xf32, #tpu.memory_space<vmem_shared>>
        tpu.wait_indirect_dma semaphore(%run_scoped3A_275 : memref<!tpu.dma_semaphore, #tpu.memory_space<semaphore_mem>>) src(%dma_wait3A_289 : memref<125x16xf32, #tpu.memory_space<vmem>>) dst(%dma_wait3A_295 : memref<10000x16xf32, #tpu.memory_space<vmem_shared>>)
        tpu.yield
      }) : () -> ()
      %add3A_254 = arith.constant 7 : i32
      %add3A_255 = arith.addi %mul3A_108, %add3A_254 : i32
      %dma_wait3A_256 = arith.constant 7 : i32
      %dma_wait3A_257 = arith.constant 0 : i32
      %dma_wait3A_258 = arith.constant 0 : i32
      %dma_wait3A_259 = tpu.memref_slice %arg7[%dma_wait3A_256, %dma_wait3A_257, %dma_wait3A_258] : memref<8x125x16xf32, #tpu.memory_space<vmem>> -> memref<1x125x16xf32, #tpu.memory_space<vmem>>
      %dma_wait3A_260 = tpu.memref_squeeze %dma_wait3A_259 : memref<1x125x16xf32, #tpu.memory_space<vmem>> -> memref<125x16xf32, #tpu.memory_space<vmem>>
      %dma_wait3A_261 = arith.constant 0 : i32
      %dma_wait3A_262 = tpu.memref_slice %arg5[%add3A_255, %dma_wait3A_261] : memref<80x125xi32, #tpu.memory_space<vmem>> -> memref<1x125xi32, #tpu.memory_space<vmem>>
      %dma_wait3A_263 = tpu.memref_squeeze %dma_wait3A_262 : memref<1x125xi32, #tpu.memory_space<vmem>> -> memref<125xi32, #tpu.memory_space<vmem>>
      %dma_wait3A_264 = arith.constant 0 : i32
      %dma_wait3A_265 = arith.constant 0 : i32
      %dma_wait3A_266 = tpu.memref_slice %arg2[%dma_wait3A_264, %dma_wait3A_265] : memref<10000x16xf32, #tpu.memory_space<hbm>> -> memref<10000x16xf32, #tpu.memory_space<hbm>>
      tpu.wait_indirect_dma semaphore(%arg16 : memref<!tpu.dma_semaphore, #tpu.memory_space<semaphore_mem>>) src(%dma_wait3A_266 : memref<10000x16xf32, #tpu.memory_space<hbm>>) dst(%dma_wait3A_260 : memref<125x16xf32, #tpu.memory_space<vmem>>)
      %add3A_267 = arith.constant 7 : i32
      %add3A_268 = arith.addi %add3A_255, %add3A_267 : i32
      %lt3A_269 = arith.constant 80 : i32
      %lt3A_270 = arith.cmpi slt, %add3A_268, %lt3A_269 : i32
      %convert_element_type3A_271 = arith.extui %lt3A_270 : i1 to i32
      %cond3A_272 = arith.constant 0 : i32
      %cond3A_273 = arith.cmpi ne, %convert_element_type3A_271, %cond3A_272 : i32
      scf.if %cond3A_273 {
        %add3A_275 = arith.constant 7 : i32
        %add3A_276 = arith.addi %add3A_255, %add3A_275 : i32
        %dma_start3A_277 = arith.constant 6 : i32
        %dma_start3A_278 = arith.constant 0 : i32
        %dma_start3A_279 = arith.constant 0 : i32
        %dma_start3A_280 = tpu.memref_slice %arg7[%dma_start3A_277, %dma_start3A_278, %dma_start3A_279] : memref<8x125x16xf32, #tpu.memory_space<vmem>> -> memref<1x125x16xf32, #tpu.memory_space<vmem>>
        %dma_start3A_281 = tpu.memref_squeeze %dma_start3A_280 : memref<1x125x16xf32, #tpu.memory_space<vmem>> -> memref<125x16xf32, #tpu.memory_space<vmem>>
        %dma_start3A_282 = arith.constant 0 : i32
        %dma_start3A_283 = tpu.memref_slice %arg5[%add3A_276, %dma_start3A_282] : memref<80x125xi32, #tpu.memory_space<vmem>> -> memref<1x125xi32, #tpu.memory_space<vmem>>
        %dma_start3A_284 = tpu.memref_squeeze %dma_start3A_283 : memref<1x125xi32, #tpu.memory_space<vmem>> -> memref<125xi32, #tpu.memory_space<vmem>>
        %dma_start3A_285 = arith.constant 0 : i32
        %dma_start3A_286 = arith.constant 0 : i32
        %dma_start3A_287 = tpu.memref_slice %arg2[%dma_start3A_285, %dma_start3A_286] : memref<10000x16xf32, #tpu.memory_space<hbm>> -> memref<10000x16xf32, #tpu.memory_space<hbm>>
        tpu.enqueue_indirect_dma source(%dma_start3A_287 : memref<10000x16xf32, #tpu.memory_space<hbm>>) target(%dma_start3A_281 : memref<125x16xf32, #tpu.memory_space<vmem>>) offsets(%dma_start3A_284 : memref<125xi32, #tpu.memory_space<vmem>>) semaphore(%arg15 : memref<!tpu.dma_semaphore, #tpu.memory_space<semaphore_mem>>)
      } else {
      }
      %run_scoped3A_274 = arith.constant 7 : i32
      "tpu.region"() ({
        %run_scoped3A_275 = tpu.sem_alloc : memref<!tpu.dma_semaphore, #tpu.memory_space<semaphore_mem>>
        %dma_start3A_276 = arith.constant 0 : i32
        %dma_start3A_277 = arith.constant 0 : i32
        %dma_start3A_278 = tpu.memref_slice %arg7[%run_scoped3A_274, %dma_start3A_276, %dma_start3A_277] : memref<8x125x16xf32, #tpu.memory_space<vmem>> -> memref<1x125x16xf32, #tpu.memory_space<vmem>>
        %dma_start3A_279 = tpu.memref_squeeze %dma_start3A_278 : memref<1x125x16xf32, #tpu.memory_space<vmem>> -> memref<125x16xf32, #tpu.memory_space<vmem>>
        %dma_start3A_280 = arith.constant 0 : i32
        %dma_start3A_281 = tpu.memref_slice %arg6[%add3A_255, %dma_start3A_280] : memref<80x125xi32, #tpu.memory_space<vmem>> -> memref<1x125xi32, #tpu.memory_space<vmem>>
        %dma_start3A_282 = tpu.memref_squeeze %dma_start3A_281 : memref<1x125xi32, #tpu.memory_space<vmem>> -> memref<125xi32, #tpu.memory_space<vmem>>
        %dma_start3A_283 = arith.constant 0 : i32
        %dma_start3A_284 = arith.constant 0 : i32
        %dma_start3A_285 = tpu.memref_slice %arg8[%dma_start3A_283, %dma_start3A_284] : memref<10000x16xf32, #tpu.memory_space<vmem_shared>> -> memref<10000x16xf32, #tpu.memory_space<vmem_shared>>
        tpu.enqueue_indirect_dma source(%dma_start3A_279 : memref<125x16xf32, #tpu.memory_space<vmem>>) target(%dma_start3A_285 : memref<10000x16xf32, #tpu.memory_space<vmem_shared>>) offsets(%dma_start3A_282 : memref<125xi32, #tpu.memory_space<vmem>>) semaphore(%run_scoped3A_275 : memref<!tpu.dma_semaphore, #tpu.memory_space<semaphore_mem>>) {add = true}
        %dma_wait3A_286 = arith.constant 0 : i32
        %dma_wait3A_287 = arith.constant 0 : i32
        %dma_wait3A_288 = tpu.memref_slice %arg7[%run_scoped3A_274, %dma_wait3A_286, %dma_wait3A_287] : memref<8x125x16xf32, #tpu.memory_space<vmem>> -> memref<1x125x16xf32, #tpu.memory_space<vmem>>
        %dma_wait3A_289 = tpu.memref_squeeze %dma_wait3A_288 : memref<1x125x16xf32, #tpu.memory_space<vmem>> -> memref<125x16xf32, #tpu.memory_space<vmem>>
        %dma_wait3A_290 = arith.constant 0 : i32
        %dma_wait3A_291 = tpu.memref_slice %arg6[%add3A_255, %dma_wait3A_290] : memref<80x125xi32, #tpu.memory_space<vmem>> -> memref<1x125xi32, #tpu.memory_space<vmem>>
        %dma_wait3A_292 = tpu.memref_squeeze %dma_wait3A_291 : memref<1x125xi32, #tpu.memory_space<vmem>> -> memref<125xi32, #tpu.memory_space<vmem>>
        %dma_wait3A_293 = arith.constant 0 : i32
        %dma_wait3A_294 = arith.constant 0 : i32
        %dma_wait3A_295 = tpu.memref_slice %arg8[%dma_wait3A_293, %dma_wait3A_294] : memref<10000x16xf32, #tpu.memory_space<vmem_shared>> -> memref<10000x16xf32, #tpu.memory_space<vmem_shared>>
        tpu.wait_indirect_dma semaphore(%run_scoped3A_275 : memref<!tpu.dma_semaphore, #tpu.memory_space<semaphore_mem>>) src(%dma_wait3A_289 : memref<125x16xf32, #tpu.memory_space<vmem>>) dst(%dma_wait3A_295 : memref<10000x16xf32, #tpu.memory_space<vmem_shared>>)
        tpu.yield
      }) : () -> ()
    }
    %scan3A_95 = arith.constant 10 : i32
    %barrier3A_96 = arith.constant 0 : index
    tpu.barrier barrier_id(%barrier3A_96)
    %mul3A_97 = arith.constant 624 : i32
    %mul3A_98 = arith.muli %arg1, %mul3A_97 : i32
    %mul3A_99 = arith.constant 624 : i32
    %mul3A_100 = arith.muli %arg1, %mul3A_99 : i32
    "tpu.region"() ({
      %run_scoped3A_106 = tpu.sem_alloc : memref<!tpu.dma_semaphore, #tpu.memory_space<semaphore_mem>>
      %dma_start3A_107 = arith.constant 0 : i32
      %dma_start3A_108 = tpu.memref_slice %arg4[%arg0, %mul3A_100, %dma_start3A_107] : memref<2x10000x16xf32, #tpu.memory_space<hbm>> -> memref<1x624x16xf32, #tpu.memory_space<hbm>>
      %dma_start3A_109 = tpu.memref_squeeze %dma_start3A_108 : memref<1x624x16xf32, #tpu.memory_space<hbm>> -> memref<624x16xf32, #tpu.memory_space<hbm>>
      %dma_start3A_110 = arith.constant 0 : i32
      %dma_start3A_111 = tpu.memref_slice %arg8[%mul3A_98, %dma_start3A_110] : memref<10000x16xf32, #tpu.memory_space<vmem_shared>> -> memref<624x16xf32, #tpu.memory_space<vmem_shared>>
      tpu.enqueue_dma source(%dma_start3A_111 : memref<624x16xf32, #tpu.memory_space<vmem_shared>>) target(%dma_start3A_109 : memref<624x16xf32, #tpu.memory_space<hbm>>) target_semaphore(%run_scoped3A_106 : memref<!tpu.dma_semaphore, #tpu.memory_space<semaphore_mem>>)
      %dma_wait3A = arith.constant 0 : i32
      %dma_wait3A_112 = tpu.memref_slice %arg4[%arg0, %mul3A_100, %dma_wait3A] : memref<2x10000x16xf32, #tpu.memory_space<hbm>> -> memref<1x624x16xf32, #tpu.memory_space<hbm>>
      %dma_wait3A_113 = tpu.memref_squeeze %dma_wait3A_112 : memref<1x624x16xf32, #tpu.memory_space<hbm>> -> memref<624x16xf32, #tpu.memory_space<hbm>>
      %dma_wait3A_114 = arith.constant 0 : i32
      %dma_wait3A_115 = tpu.memref_slice %arg8[%mul3A_98, %dma_wait3A_114] : memref<10000x16xf32, #tpu.memory_space<vmem_shared>> -> memref<624x16xf32, #tpu.memory_space<vmem_shared>>
      tpu.wait_dma2 semaphore(%run_scoped3A_106 : memref<!tpu.dma_semaphore, #tpu.memory_space<semaphore_mem>>) src(%dma_wait3A_115 : memref<624x16xf32, #tpu.memory_space<vmem_shared>>) dst(%dma_wait3A_113 : memref<624x16xf32, #tpu.memory_space<hbm>>)
      tpu.yield
    }) : () -> ()
    %eq3A_101 = arith.constant 15 : i32
    %eq3A_102 = arith.cmpi eq, %arg1, %eq3A_101 : i32
    %convert_element_type3A_103 = arith.extui %eq3A_102 : i1 to i32
    %cond3A_104 = arith.constant 0 : i32
    %cond3A_105 = arith.cmpi ne, %convert_element_type3A_103, %cond3A_104 : i32
    scf.if %cond3A_105 {
      "tpu.region"() ({
        %run_scoped3A_106 = tpu.sem_alloc : memref<!tpu.dma_semaphore, #tpu.memory_space<semaphore_mem>>
        %dma_start3A_107 = arith.constant 9984 : i32
        %dma_start3A_108 = arith.constant 0 : i32
        %dma_start3A_109 = tpu.memref_slice %arg4[%arg0, %dma_start3A_107, %dma_start3A_108] : memref<2x10000x16xf32, #tpu.memory_space<hbm>> -> memref<1x16x16xf32, #tpu.memory_space<hbm>>
        %dma_start3A_110 = tpu.memref_squeeze %dma_start3A_109 : memref<1x16x16xf32, #tpu.memory_space<hbm>> -> memref<16x16xf32, #tpu.memory_space<hbm>>
        %dma_start3A_111 = arith.constant 9984 : i32
        %dma_start3A_112 = arith.constant 0 : i32
        %dma_start3A_113 = tpu.memref_slice %arg8[%dma_start3A_111, %dma_start3A_112] : memref<10000x16xf32, #tpu.memory_space<vmem_shared>> -> memref<16x16xf32, #tpu.memory_space<vmem_shared>>
        tpu.enqueue_dma source(%dma_start3A_113 : memref<16x16xf32, #tpu.memory_space<vmem_shared>>) target(%dma_start3A_110 : memref<16x16xf32, #tpu.memory_space<hbm>>) target_semaphore(%run_scoped3A_106 : memref<!tpu.dma_semaphore, #tpu.memory_space<semaphore_mem>>)
        %dma_wait3A = arith.constant 9984 : i32
        %dma_wait3A_114 = arith.constant 0 : i32
        %dma_wait3A_115 = tpu.memref_slice %arg4[%arg0, %dma_wait3A, %dma_wait3A_114] : memref<2x10000x16xf32, #tpu.memory_space<hbm>> -> memref<1x16x16xf32, #tpu.memory_space<hbm>>
        %dma_wait3A_116 = tpu.memref_squeeze %dma_wait3A_115 : memref<1x16x16xf32, #tpu.memory_space<hbm>> -> memref<16x16xf32, #tpu.memory_space<hbm>>
        %dma_wait3A_117 = arith.constant 9984 : i32
        %dma_wait3A_118 = arith.constant 0 : i32
        %dma_wait3A_119 = tpu.memref_slice %arg8[%dma_wait3A_117, %dma_wait3A_118] : memref<10000x16xf32, #tpu.memory_space<vmem_shared>> -> memref<16x16xf32, #tpu.memory_space<vmem_shared>>
        tpu.wait_dma2 semaphore(%run_scoped3A_106 : memref<!tpu.dma_semaphore, #tpu.memory_space<semaphore_mem>>) src(%dma_wait3A_119 : memref<16x16xf32, #tpu.memory_space<vmem_shared>>) dst(%dma_wait3A_116 : memref<16x16xf32, #tpu.memory_space<hbm>>)
        tpu.yield
      }) : () -> ()
    } else {
    }
    return
  }
}

#map = affine_map<(d0, d1) -> (0, 0)>
#map1 = affine_map<(d0, d1) -> (0, 0, 0, 0)>
#map2 = affine_map<(d0, d1) -> (0, 0, 0)>
module attributes {stable_mosaic.version = 14 : i64} {
  func.func @sc_agg(%arg0: i32, %arg1: i32, %arg2: memref<10000x16xf32, #tpu.memory_space<hbm>>, %arg3: memref<2x32x80x125xi32, #tpu.memory_space<hbm>>, %arg4: memref<2x10000x16xf32, #tpu.memory_space<hbm>>, %arg5: memref<80x125xi32, #tpu.memory_space<vmem>>, %arg6: memref<80x125xi32, #tpu.memory_space<vmem>>, %arg7: memref<8x125x16xf32, #tpu.memory_space<vmem>>, %arg8: memref<10000x16xf32, #tpu.memory_space<vmem_shared>>, %arg9: memref<!tpu.dma_semaphore, #tpu.memory_space<semaphore_mem>>, %arg10: memref<!tpu.dma_semaphore, #tpu.memory_space<semaphore_mem>>, %arg11: memref<!tpu.dma_semaphore, #tpu.memory_space<semaphore_mem>>, %arg12: memref<!tpu.dma_semaphore, #tpu.memory_space<semaphore_mem>>, %arg13: memref<!tpu.dma_semaphore, #tpu.memory_space<semaphore_mem>>, %arg14: memref<!tpu.dma_semaphore, #tpu.memory_space<semaphore_mem>>, %arg15: memref<!tpu.dma_semaphore, #tpu.memory_space<semaphore_mem>>, %arg16: memref<!tpu.dma_semaphore, #tpu.memory_space<semaphore_mem>>) attributes {dimension_semantics = [#tpu.dimension_semantics<core_parallel>, #tpu.dimension_semantics<subcore_parallel>], iteration_bounds = array<i64: 2, 16>, scalar_prefetch = 0 : i64, scratch_operands = 12 : i64, tpu.core_type = #tpu.core_type<sc_vector_subcore>, window_params = [{transform_indices = #map}, {transform_indices = #map1}, {transform_indices = #map2}]} {
    %mul3A = arith.constant 2 : i32
    %mul3A_0 = arith.muli %arg1, %mul3A : i32
    %add3A = arith.addi %mul3A_0, %arg0 : i32
    %mul3A_1 = arith.constant 624 : i32
    %mul3A_2 = arith.muli %arg1, %mul3A_1 : i32
    %mul3A_3 = arith.constant 624 : i32
    %mul3A_4 = arith.muli %arg1, %mul3A_3 : i32
    "tpu.region"() ({
      %run_scoped3A_106 = tpu.sem_alloc : memref<!tpu.dma_semaphore, #tpu.memory_space<semaphore_mem>>
      %dma_start3A_107 = arith.constant 0 : i32
      %dma_start3A_108 = tpu.memref_slice %arg8[%mul3A_4, %dma_start3A_107] : memref<10000x16xf32, #tpu.memory_space<vmem_shared>> -> memref<624x16xf32, #tpu.memory_space<vmem_shared>>
      %dma_start3A_109 = arith.constant 0 : i32
      %dma_start3A_110 = tpu.memref_slice %arg2[%mul3A_2, %dma_start3A_109] : memref<10000x16xf32, #tpu.memory_space<hbm>> -> memref<624x16xf32, #tpu.memory_space<hbm>>
      tpu.enqueue_dma source(%dma_start3A_110 : memref<624x16xf32, #tpu.memory_space<hbm>>) target(%dma_start3A_108 : memref<624x16xf32, #tpu.memory_space<vmem_shared>>) target_semaphore(%run_scoped3A_106 : memref<!tpu.dma_semaphore, #tpu.memory_space<semaphore_mem>>)
      %dma_wait3A = arith.constant 0 : i32
      %dma_wait3A_111 = tpu.memref_slice %arg8[%mul3A_4, %dma_wait3A] : memref<10000x16xf32, #tpu.memory_space<vmem_shared>> -> memref<624x16xf32, #tpu.memory_space<vmem_shared>>
      %dma_wait3A_112 = arith.constant 0 : i32
      %dma_wait3A_113 = tpu.memref_slice %arg2[%mul3A_2, %dma_wait3A_112] : memref<10000x16xf32, #tpu.memory_space<hbm>> -> memref<624x16xf32, #tpu.memory_space<hbm>>
      tpu.wait_dma2 semaphore(%run_scoped3A_106 : memref<!tpu.dma_semaphore, #tpu.memory_space<semaphore_mem>>) src(%dma_wait3A_113 : memref<624x16xf32, #tpu.memory_space<hbm>>) dst(%dma_wait3A_111 : memref<624x16xf32, #tpu.memory_space<vmem_shared>>)
      tpu.yield
    }) : () -> ()
    %eq3A = arith.constant 15 : i32
    %eq3A_5 = arith.cmpi eq, %arg1, %eq3A : i32
    %convert_element_type3A = arith.extui %eq3A_5 : i1 to i32
    %cond3A = arith.constant 0 : i32
    %cond3A_6 = arith.cmpi ne, %convert_element_type3A, %cond3A : i32
    scf.if %cond3A_6 {
      "tpu.region"() ({
        %run_scoped3A_106 = tpu.sem_alloc : memref<!tpu.dma_semaphore, #tpu.memory_space<semaphore_mem>>
        %dma_start3A_107 = arith.constant 9984 : i32
        %dma_start3A_108 = arith.constant 0 : i32
        %dma_start3A_109 = tpu.memref_slice %arg8[%dma_start3A_107, %dma_start3A_108] : memref<10000x16xf32, #tpu.memory_space<vmem_shared>> -> memref<16x16xf32, #tpu.memory_space<vmem_shared>>
        %dma_start3A_110 = arith.constant 9984 : i32
        %dma_start3A_111 = arith.constant 0 : i32
        %dma_start3A_112 = tpu.memref_slice %arg2[%dma_start3A_110, %dma_start3A_111] : memref<10000x16xf32, #tpu.memory_space<hbm>> -> memref<16x16xf32, #tpu.memory_space<hbm>>
        tpu.enqueue_dma source(%dma_start3A_112 : memref<16x16xf32, #tpu.memory_space<hbm>>) target(%dma_start3A_109 : memref<16x16xf32, #tpu.memory_space<vmem_shared>>) target_semaphore(%run_scoped3A_106 : memref<!tpu.dma_semaphore, #tpu.memory_space<semaphore_mem>>)
        %dma_wait3A = arith.constant 9984 : i32
        %dma_wait3A_113 = arith.constant 0 : i32
        %dma_wait3A_114 = tpu.memref_slice %arg8[%dma_wait3A, %dma_wait3A_113] : memref<10000x16xf32, #tpu.memory_space<vmem_shared>> -> memref<16x16xf32, #tpu.memory_space<vmem_shared>>
        %dma_wait3A_115 = arith.constant 9984 : i32
        %dma_wait3A_116 = arith.constant 0 : i32
        %dma_wait3A_117 = tpu.memref_slice %arg2[%dma_wait3A_115, %dma_wait3A_116] : memref<10000x16xf32, #tpu.memory_space<hbm>> -> memref<16x16xf32, #tpu.memory_space<hbm>>
        tpu.wait_dma2 semaphore(%run_scoped3A_106 : memref<!tpu.dma_semaphore, #tpu.memory_space<semaphore_mem>>) src(%dma_wait3A_117 : memref<16x16xf32, #tpu.memory_space<hbm>>) dst(%dma_wait3A_114 : memref<16x16xf32, #tpu.memory_space<vmem_shared>>)
        tpu.yield
      }) : () -> ()
    } else {
    }
    %run_scoped3A = arith.constant 0 : i32
    "tpu.region"() ({
      %run_scoped3A_106 = tpu.sem_alloc : memref<!tpu.dma_semaphore, #tpu.memory_space<semaphore_mem>>
      %dma_start3A_107 = arith.constant 0 : i32
      %dma_start3A_108 = arith.constant 0 : i32
      %dma_start3A_109 = tpu.memref_slice %arg3[%run_scoped3A, %add3A, %dma_start3A_107, %dma_start3A_108] : memref<2x32x80x125xi32, #tpu.memory_space<hbm>> -> memref<1x1x80x125xi32, #tpu.memory_space<hbm>>
      %dma_start3A_110 = tpu.memref_squeeze %dma_start3A_109 : memref<1x1x80x125xi32, #tpu.memory_space<hbm>> -> memref<80x125xi32, #tpu.memory_space<hbm>>
      %dma_start3A_111 = arith.constant 0 : i32
      %dma_start3A_112 = arith.constant 0 : i32
      %dma_start3A_113 = tpu.memref_slice %arg3[%run_scoped3A, %add3A, %dma_start3A_111, %dma_start3A_112] : memref<2x32x80x125xi32, #tpu.memory_space<hbm>> -> memref<1x1x80x125xi32, #tpu.memory_space<hbm>>
      %dma_start3A_114 = tpu.memref_squeeze %dma_start3A_113 : memref<1x1x80x125xi32, #tpu.memory_space<hbm>> -> memref<80x125xi32, #tpu.memory_space<hbm>>
      tpu.enqueue_dma source(%dma_start3A_114 : memref<80x125xi32, #tpu.memory_space<hbm>>) target(%arg5 : memref<80x125xi32, #tpu.memory_space<vmem>>) target_semaphore(%run_scoped3A_106 : memref<!tpu.dma_semaphore, #tpu.memory_space<semaphore_mem>>)
      %dma_wait3A = arith.constant 0 : i32
      %dma_wait3A_115 = arith.constant 0 : i32
      %dma_wait3A_116 = tpu.memref_slice %arg3[%run_scoped3A, %add3A, %dma_wait3A, %dma_wait3A_115] : memref<2x32x80x125xi32, #tpu.memory_space<hbm>> -> memref<1x1x80x125xi32, #tpu.memory_space<hbm>>
      %dma_wait3A_117 = tpu.memref_squeeze %dma_wait3A_116 : memref<1x1x80x125xi32, #tpu.memory_space<hbm>> -> memref<80x125xi32, #tpu.memory_space<hbm>>
      %dma_wait3A_118 = arith.constant 0 : i32
      %dma_wait3A_119 = arith.constant 0 : i32
      %dma_wait3A_120 = tpu.memref_slice %arg3[%run_scoped3A, %add3A, %dma_wait3A_118, %dma_wait3A_119] : memref<2x32x80x125xi32, #tpu.memory_space<hbm>> -> memref<1x1x80x125xi32, #tpu.memory_space<hbm>>
      %dma_wait3A_121 = tpu.memref_squeeze %dma_wait3A_120 : memref<1x1x80x125xi32, #tpu.memory_space<hbm>> -> memref<80x125xi32, #tpu.memory_space<hbm>>
      tpu.wait_dma2 semaphore(%run_scoped3A_106 : memref<!tpu.dma_semaphore, #tpu.memory_space<semaphore_mem>>) src(%dma_wait3A_121 : memref<80x125xi32, #tpu.memory_space<hbm>>) dst(%arg5 : memref<80x125xi32, #tpu.memory_space<vmem>>)
      tpu.yield
    }) : () -> ()
    %run_scoped3A_7 = arith.constant 1 : i32
    "tpu.region"() ({
      %run_scoped3A_106 = tpu.sem_alloc : memref<!tpu.dma_semaphore, #tpu.memory_space<semaphore_mem>>
      %dma_start3A_107 = arith.constant 0 : i32
      %dma_start3A_108 = arith.constant 0 : i32
      %dma_start3A_109 = tpu.memref_slice %arg3[%run_scoped3A_7, %add3A, %dma_start3A_107, %dma_start3A_108] : memref<2x32x80x125xi32, #tpu.memory_space<hbm>> -> memref<1x1x80x125xi32, #tpu.memory_space<hbm>>
      %dma_start3A_110 = tpu.memref_squeeze %dma_start3A_109 : memref<1x1x80x125xi32, #tpu.memory_space<hbm>> -> memref<80x125xi32, #tpu.memory_space<hbm>>
      %dma_start3A_111 = arith.constant 0 : i32
      %dma_start3A_112 = arith.constant 0 : i32
      %dma_start3A_113 = tpu.memref_slice %arg3[%run_scoped3A_7, %add3A, %dma_start3A_111, %dma_start3A_112] : memref<2x32x80x125xi32, #tpu.memory_space<hbm>> -> memref<1x1x80x125xi32, #tpu.memory_space<hbm>>
      %dma_start3A_114 = tpu.memref_squeeze %dma_start3A_113 : memref<1x1x80x125xi32, #tpu.memory_space<hbm>> -> memref<80x125xi32, #tpu.memory_space<hbm>>
      tpu.enqueue_dma source(%dma_start3A_114 : memref<80x125xi32, #tpu.memory_space<hbm>>) target(%arg6 : memref<80x125xi32, #tpu.memory_space<vmem>>) target_semaphore(%run_scoped3A_106 : memref<!tpu.dma_semaphore, #tpu.memory_space<semaphore_mem>>)
      %dma_wait3A = arith.constant 0 : i32
      %dma_wait3A_115 = arith.constant 0 : i32
      %dma_wait3A_116 = tpu.memref_slice %arg3[%run_scoped3A_7, %add3A, %dma_wait3A, %dma_wait3A_115] : memref<2x32x80x125xi32, #tpu.memory_space<hbm>> -> memref<1x1x80x125xi32, #tpu.memory_space<hbm>>
      %dma_wait3A_117 = tpu.memref_squeeze %dma_wait3A_116 : memref<1x1x80x125xi32, #tpu.memory_space<hbm>> -> memref<80x125xi32, #tpu.memory_space<hbm>>
      %dma_wait3A_118 = arith.constant 0 : i32
      %dma_wait3A_119 = arith.constant 0 : i32
      %dma_wait3A_120 = tpu.memref_slice %arg3[%run_scoped3A_7, %add3A, %dma_wait3A_118, %dma_wait3A_119] : memref<2x32x80x125xi32, #tpu.memory_space<hbm>> -> memref<1x1x80x125xi32, #tpu.memory_space<hbm>>
      %dma_wait3A_121 = tpu.memref_squeeze %dma_wait3A_120 : memref<1x1x80x125xi32, #tpu.memory_space<hbm>> -> memref<80x125xi32, #tpu.memory_space<hbm>>
      tpu.wait_dma2 semaphore(%run_scoped3A_106 : memref<!tpu.dma_semaphore, #tpu.memory_space<semaphore_mem>>) src(%dma_wait3A_121 : memref<80x125xi32, #tpu.memory_space<hbm>>) dst(%arg6 : memref<80x125xi32, #tpu.memory_space<vmem>>)
      tpu.yield
    }) : () -> ()
    %barrier3A = arith.constant 0 : index
    tpu.barrier barrier_id(%barrier3A)
    %dma_start3A = arith.constant 0 : i32
    %dma_start3A_8 = arith.constant 0 : i32
    %dma_start3A_9 = arith.constant 0 : i32
    %dma_start3A_10 = arith.constant 0 : i32
    %dma_start3A_11 = tpu.memref_slice %arg7[%dma_start3A_8, %dma_start3A_9, %dma_start3A_10] : memref<8x125x16xf32, #tpu.memory_space<vmem>> -> memref<1x125x16xf32, #tpu.memory_space<vmem>>
    %dma_start3A_12 = tpu.memref_squeeze %dma_start3A_11 : memref<1x125x16xf32, #tpu.memory_space<vmem>> -> memref<125x16xf32, #tpu.memory_space<vmem>>
    %dma_start3A_13 = arith.constant 0 : i32
    %dma_start3A_14 = tpu.memref_slice %arg5[%dma_start3A, %dma_start3A_13] : memref<80x125xi32, #tpu.memory_space<vmem>> -> memref<1x125xi32, #tpu.memory_space<vmem>>
    %dma_start3A_15 = tpu.memref_squeeze %dma_start3A_14 : memref<1x125xi32, #tpu.memory_space<vmem>> -> memref<125xi32, #tpu.memory_space<vmem>>
    %dma_start3A_16 = arith.constant 0 : i32
    %dma_start3A_17 = arith.constant 0 : i32
    %dma_start3A_18 = tpu.memref_slice %arg2[%dma_start3A_16, %dma_start3A_17] : memref<10000x16xf32, #tpu.memory_space<hbm>> -> memref<10000x16xf32, #tpu.memory_space<hbm>>
    tpu.enqueue_indirect_dma source(%dma_start3A_18 : memref<10000x16xf32, #tpu.memory_space<hbm>>) target(%dma_start3A_12 : memref<125x16xf32, #tpu.memory_space<vmem>>) offsets(%dma_start3A_15 : memref<125xi32, #tpu.memory_space<vmem>>) semaphore(%arg9 : memref<!tpu.dma_semaphore, #tpu.memory_space<semaphore_mem>>)
    %dma_start3A_19 = arith.constant 1 : i32
    %dma_start3A_20 = arith.constant 1 : i32
    %dma_start3A_21 = arith.constant 0 : i32
    %dma_start3A_22 = arith.constant 0 : i32
    %dma_start3A_23 = tpu.memref_slice %arg7[%dma_start3A_20, %dma_start3A_21, %dma_start3A_22] : memref<8x125x16xf32, #tpu.memory_space<vmem>> -> memref<1x125x16xf32, #tpu.memory_space<vmem>>
    %dma_start3A_24 = tpu.memref_squeeze %dma_start3A_23 : memref<1x125x16xf32, #tpu.memory_space<vmem>> -> memref<125x16xf32, #tpu.memory_space<vmem>>
    %dma_start3A_25 = arith.constant 0 : i32
    %dma_start3A_26 = tpu.memref_slice %arg5[%dma_start3A_19, %dma_start3A_25] : memref<80x125xi32, #tpu.memory_space<vmem>> -> memref<1x125xi32, #tpu.memory_space<vmem>>
    %dma_start3A_27 = tpu.memref_squeeze %dma_start3A_26 : memref<1x125xi32, #tpu.memory_space<vmem>> -> memref<125xi32, #tpu.memory_space<vmem>>
    %dma_start3A_28 = arith.constant 0 : i32
    %dma_start3A_29 = arith.constant 0 : i32
    %dma_start3A_30 = tpu.memref_slice %arg2[%dma_start3A_28, %dma_start3A_29] : memref<10000x16xf32, #tpu.memory_space<hbm>> -> memref<10000x16xf32, #tpu.memory_space<hbm>>
    tpu.enqueue_indirect_dma source(%dma_start3A_30 : memref<10000x16xf32, #tpu.memory_space<hbm>>) target(%dma_start3A_24 : memref<125x16xf32, #tpu.memory_space<vmem>>) offsets(%dma_start3A_27 : memref<125xi32, #tpu.memory_space<vmem>>) semaphore(%arg10 : memref<!tpu.dma_semaphore, #tpu.memory_space<semaphore_mem>>)
    %dma_start3A_31 = arith.constant 2 : i32
    %dma_start3A_32 = arith.constant 2 : i32
    %dma_start3A_33 = arith.constant 0 : i32
    %dma_start3A_34 = arith.constant 0 : i32
    %dma_start3A_35 = tpu.memref_slice %arg7[%dma_start3A_32, %dma_start3A_33, %dma_start3A_34] : memref<8x125x16xf32, #tpu.memory_space<vmem>> -> memref<1x125x16xf32, #tpu.memory_space<vmem>>
    %dma_start3A_36 = tpu.memref_squeeze %dma_start3A_35 : memref<1x125x16xf32, #tpu.memory_space<vmem>> -> memref<125x16xf32, #tpu.memory_space<vmem>>
    %dma_start3A_37 = arith.constant 0 : i32
    %dma_start3A_38 = tpu.memref_slice %arg5[%dma_start3A_31, %dma_start3A_37] : memref<80x125xi32, #tpu.memory_space<vmem>> -> memref<1x125xi32, #tpu.memory_space<vmem>>
    %dma_start3A_39 = tpu.memref_squeeze %dma_start3A_38 : memref<1x125xi32, #tpu.memory_space<vmem>> -> memref<125xi32, #tpu.memory_space<vmem>>
    %dma_start3A_40 = arith.constant 0 : i32
    %dma_start3A_41 = arith.constant 0 : i32
    %dma_start3A_42 = tpu.memref_slice %arg2[%dma_start3A_40, %dma_start3A_41] : memref<10000x16xf32, #tpu.memory_space<hbm>> -> memref<10000x16xf32, #tpu.memory_space<hbm>>
    tpu.enqueue_indirect_dma source(%dma_start3A_42 : memref<10000x16xf32, #tpu.memory_space<hbm>>) target(%dma_start3A_36 : memref<125x16xf32, #tpu.memory_space<vmem>>) offsets(%dma_start3A_39 : memref<125xi32, #tpu.memory_space<vmem>>) semaphore(%arg11 : memref<!tpu.dma_semaphore, #tpu.memory_space<semaphore_mem>>)
    %dma_start3A_43 = arith.constant 3 : i32
    %dma_start3A_44 = arith.constant 3 : i32
    %dma_start3A_45 = arith.constant 0 : i32
    %dma_start3A_46 = arith.constant 0 : i32
    %dma_start3A_47 = tpu.memref_slice %arg7[%dma_start3A_44, %dma_start3A_45, %dma_start3A_46] : memref<8x125x16xf32, #tpu.memory_space<vmem>> -> memref<1x125x16xf32, #tpu.memory_space<vmem>>
    %dma_start3A_48 = tpu.memref_squeeze %dma_start3A_47 : memref<1x125x16xf32, #tpu.memory_space<vmem>> -> memref<125x16xf32, #tpu.memory_space<vmem>>
    %dma_start3A_49 = arith.constant 0 : i32
    %dma_start3A_50 = tpu.memref_slice %arg5[%dma_start3A_43, %dma_start3A_49] : memref<80x125xi32, #tpu.memory_space<vmem>> -> memref<1x125xi32, #tpu.memory_space<vmem>>
    %dma_start3A_51 = tpu.memref_squeeze %dma_start3A_50 : memref<1x125xi32, #tpu.memory_space<vmem>> -> memref<125xi32, #tpu.memory_space<vmem>>
    %dma_start3A_52 = arith.constant 0 : i32
    %dma_start3A_53 = arith.constant 0 : i32
    %dma_start3A_54 = tpu.memref_slice %arg2[%dma_start3A_52, %dma_start3A_53] : memref<10000x16xf32, #tpu.memory_space<hbm>> -> memref<10000x16xf32, #tpu.memory_space<hbm>>
    tpu.enqueue_indirect_dma source(%dma_start3A_54 : memref<10000x16xf32, #tpu.memory_space<hbm>>) target(%dma_start3A_48 : memref<125x16xf32, #tpu.memory_space<vmem>>) offsets(%dma_start3A_51 : memref<125xi32, #tpu.memory_space<vmem>>) semaphore(%arg12 : memref<!tpu.dma_semaphore, #tpu.memory_space<semaphore_mem>>)
    %dma_start3A_55 = arith.constant 4 : i32
    %dma_start3A_56 = arith.constant 4 : i32
    %dma_start3A_57 = arith.constant 0 : i32
    %dma_start3A_58 = arith.constant 0 : i32
    %dma_start3A_59 = tpu.memref_slice %arg7[%dma_start3A_56, %dma_start3A_57, %dma_start3A_58] : memref<8x125x16xf32, #tpu.memory_space<vmem>> -> memref<1x125x16xf32, #tpu.memory_space<vmem>>
    %dma_start3A_60 = tpu.memref_squeeze %dma_start3A_59 : memref<1x125x16xf32, #tpu.memory_space<vmem>> -> memref<125x16xf32, #tpu.memory_space<vmem>>
    %dma_start3A_61 = arith.constant 0 : i32
    %dma_start3A_62 = tpu.memref_slice %arg5[%dma_start3A_55, %dma_start3A_61] : memref<80x125xi32, #tpu.memory_space<vmem>> -> memref<1x125xi32, #tpu.memory_space<vmem>>
    %dma_start3A_63 = tpu.memref_squeeze %dma_start3A_62 : memref<1x125xi32, #tpu.memory_space<vmem>> -> memref<125xi32, #tpu.memory_space<vmem>>
    %dma_start3A_64 = arith.constant 0 : i32
    %dma_start3A_65 = arith.constant 0 : i32
    %dma_start3A_66 = tpu.memref_slice %arg2[%dma_start3A_64, %dma_start3A_65] : memref<10000x16xf32, #tpu.memory_space<hbm>> -> memref<10000x16xf32, #tpu.memory_space<hbm>>
    tpu.enqueue_indirect_dma source(%dma_start3A_66 : memref<10000x16xf32, #tpu.memory_space<hbm>>) target(%dma_start3A_60 : memref<125x16xf32, #tpu.memory_space<vmem>>) offsets(%dma_start3A_63 : memref<125xi32, #tpu.memory_space<vmem>>) semaphore(%arg13 : memref<!tpu.dma_semaphore, #tpu.memory_space<semaphore_mem>>)
    %dma_start3A_67 = arith.constant 5 : i32
    %dma_start3A_68 = arith.constant 5 : i32
    %dma_start3A_69 = arith.constant 0 : i32
    %dma_start3A_70 = arith.constant 0 : i32
    %dma_start3A_71 = tpu.memref_slice %arg7[%dma_start3A_68, %dma_start3A_69, %dma_start3A_70] : memref<8x125x16xf32, #tpu.memory_space<vmem>> -> memref<1x125x16xf32, #tpu.memory_space<vmem>>
    %dma_start3A_72 = tpu.memref_squeeze %dma_start3A_71 : memref<1x125x16xf32, #tpu.memory_space<vmem>> -> memref<125x16xf32, #tpu.memory_space<vmem>>
    %dma_start3A_73 = arith.constant 0 : i32
    %dma_start3A_74 = tpu.memref_slice %arg5[%dma_start3A_67, %dma_start3A_73] : memref<80x125xi32, #tpu.memory_space<vmem>> -> memref<1x125xi32, #tpu.memory_space<vmem>>
    %dma_start3A_75 = tpu.memref_squeeze %dma_start3A_74 : memref<1x125xi32, #tpu.memory_space<vmem>> -> memref<125xi32, #tpu.memory_space<vmem>>
    %dma_start3A_76 = arith.constant 0 : i32
    %dma_start3A_77 = arith.constant 0 : i32
    %dma_start3A_78 = tpu.memref_slice %arg2[%dma_start3A_76, %dma_start3A_77] : memref<10000x16xf32, #tpu.memory_space<hbm>> -> memref<10000x16xf32, #tpu.memory_space<hbm>>
    tpu.enqueue_indirect_dma source(%dma_start3A_78 : memref<10000x16xf32, #tpu.memory_space<hbm>>) target(%dma_start3A_72 : memref<125x16xf32, #tpu.memory_space<vmem>>) offsets(%dma_start3A_75 : memref<125xi32, #tpu.memory_space<vmem>>) semaphore(%arg14 : memref<!tpu.dma_semaphore, #tpu.memory_space<semaphore_mem>>)
    %dma_start3A_79 = arith.constant 6 : i32
    %dma_start3A_80 = arith.constant 6 : i32
    %dma_start3A_81 = arith.constant 0 : i32
    %dma_start3A_82 = arith.constant 0 : i32
    %dma_start3A_83 = tpu.memref_slice %arg7[%dma_start3A_80, %dma_start3A_81, %dma_start3A_82] : memref<8x125x16xf32, #tpu.memory_space<vmem>> -> memref<1x125x16xf32, #tpu.memory_space<vmem>>
    %dma_start3A_84 = tpu.memref_squeeze %dma_start3A_83 : memref<1x125x16xf32, #tpu.memory_space<vmem>> -> memref<125x16xf32, #tpu.memory_space<vmem>>
    %dma_start3A_85 = arith.constant 0 : i32
    %dma_start3A_86 = tpu.memref_slice %arg5[%dma_start3A_79, %dma_start3A_85] : memref<80x125xi32, #tpu.memory_space<vmem>> -> memref<1x125xi32, #tpu.memory_space<vmem>>
    %dma_start3A_87 = tpu.memref_squeeze %dma_start3A_86 : memref<1x125xi32, #tpu.memory_space<vmem>> -> memref<125xi32, #tpu.memory_space<vmem>>
    %dma_start3A_88 = arith.constant 0 : i32
    %dma_start3A_89 = arith.constant 0 : i32
    %dma_start3A_90 = tpu.memref_slice %arg2[%dma_start3A_88, %dma_start3A_89] : memref<10000x16xf32, #tpu.memory_space<hbm>> -> memref<10000x16xf32, #tpu.memory_space<hbm>>
    tpu.enqueue_indirect_dma source(%dma_start3A_90 : memref<10000x16xf32, #tpu.memory_space<hbm>>) target(%dma_start3A_84 : memref<125x16xf32, #tpu.memory_space<vmem>>) offsets(%dma_start3A_87 : memref<125xi32, #tpu.memory_space<vmem>>) semaphore(%arg15 : memref<!tpu.dma_semaphore, #tpu.memory_space<semaphore_mem>>)
    %scan3A = arith.constant 0 : i32
    %scan3A_91 = arith.constant 0 : i32
    %scan3A_92 = arith.constant 10 : i32
    %scan3A_93 = arith.addi %scan3A_91, %scan3A_92 : i32
    %scan3A_94 = arith.constant 1 : i32
    scf.for %scan3A_106 = %scan3A_91 to %scan3A_93 step %scan3A_94  : i32 {
      %mul3A_107 = arith.constant 8 : i32
      %mul3A_108 = arith.muli %mul3A_107, %scan3A_106 : i32
      %add3A_109 = arith.constant 0 : i32
      %add3A_110 = arith.addi %mul3A_108, %add3A_109 : i32
      %dma_wait3A = arith.constant 0 : i32
      %dma_wait3A_111 = arith.constant 0 : i32
      %dma_wait3A_112 = arith.constant 0 : i32
      %dma_wait3A_113 = tpu.memref_slice %arg7[%dma_wait3A, %dma_wait3A_111, %dma_wait3A_112] : memref<8x125x16xf32, #tpu.memory_space<vmem>> -> memref<1x125x16xf32, #tpu.memory_space<vmem>>
      %dma_wait3A_114 = tpu.memref_squeeze %dma_wait3A_113 : memref<1x125x16xf32, #tpu.memory_space<vmem>> -> memref<125x16xf32, #tpu.memory_space<vmem>>
      %dma_wait3A_115 = arith.constant 0 : i32
      %dma_wait3A_116 = tpu.memref_slice %arg5[%add3A_110, %dma_wait3A_115] : memref<80x125xi32, #tpu.memory_space<vmem>> -> memref<1x125xi32, #tpu.memory_space<vmem>>
      %dma_wait3A_117 = tpu.memref_squeeze %dma_wait3A_116 : memref<1x125xi32, #tpu.memory_space<vmem>> -> memref<125xi32, #tpu.memory_space<vmem>>
      %dma_wait3A_118 = arith.constant 0 : i32
      %dma_wait3A_119 = arith.constant 0 : i32
      %dma_wait3A_120 = tpu.memref_slice %arg2[%dma_wait3A_118, %dma_wait3A_119] : memref<10000x16xf32, #tpu.memory_space<hbm>> -> memref<10000x16xf32, #tpu.memory_space<hbm>>
      tpu.wait_indirect_dma semaphore(%arg9 : memref<!tpu.dma_semaphore, #tpu.memory_space<semaphore_mem>>) src(%dma_wait3A_120 : memref<10000x16xf32, #tpu.memory_space<hbm>>) dst(%dma_wait3A_114 : memref<125x16xf32, #tpu.memory_space<vmem>>)
      %add3A_121 = arith.constant 7 : i32
      %add3A_122 = arith.addi %add3A_110, %add3A_121 : i32
      %lt3A = arith.constant 80 : i32
      %lt3A_123 = arith.cmpi slt, %add3A_122, %lt3A : i32
      %convert_element_type3A_124 = arith.extui %lt3A_123 : i1 to i32
      %cond3A_125 = arith.constant 0 : i32
      %cond3A_126 = arith.cmpi ne, %convert_element_type3A_124, %cond3A_125 : i32
      scf.if %cond3A_126 {
        %add3A_275 = arith.constant 7 : i32
        %add3A_276 = arith.addi %add3A_110, %add3A_275 : i32
        %dma_start3A_277 = arith.constant 7 : i32
        %dma_start3A_278 = arith.constant 0 : i32
        %dma_start3A_279 = arith.constant 0 : i32
        %dma_start3A_280 = tpu.memref_slice %arg7[%dma_start3A_277, %dma_start3A_278, %dma_start3A_279] : memref<8x125x16xf32, #tpu.memory_space<vmem>> -> memref<1x125x16xf32, #tpu.memory_space<vmem>>
        %dma_start3A_281 = tpu.memref_squeeze %dma_start3A_280 : memref<1x125x16xf32, #tpu.memory_space<vmem>> -> memref<125x16xf32, #tpu.memory_space<vmem>>
        %dma_start3A_282 = arith.constant 0 : i32
        %dma_start3A_283 = tpu.memref_slice %arg5[%add3A_276, %dma_start3A_282] : memref<80x125xi32, #tpu.memory_space<vmem>> -> memref<1x125xi32, #tpu.memory_space<vmem>>
        %dma_start3A_284 = tpu.memref_squeeze %dma_start3A_283 : memref<1x125xi32, #tpu.memory_space<vmem>> -> memref<125xi32, #tpu.memory_space<vmem>>
        %dma_start3A_285 = arith.constant 0 : i32
        %dma_start3A_286 = arith.constant 0 : i32
        %dma_start3A_287 = tpu.memref_slice %arg2[%dma_start3A_285, %dma_start3A_286] : memref<10000x16xf32, #tpu.memory_space<hbm>> -> memref<10000x16xf32, #tpu.memory_space<hbm>>
        tpu.enqueue_indirect_dma source(%dma_start3A_287 : memref<10000x16xf32, #tpu.memory_space<hbm>>) target(%dma_start3A_281 : memref<125x16xf32, #tpu.memory_space<vmem>>) offsets(%dma_start3A_284 : memref<125xi32, #tpu.memory_space<vmem>>) semaphore(%arg16 : memref<!tpu.dma_semaphore, #tpu.memory_space<semaphore_mem>>)
      } else {
      }
      %run_scoped3A_127 = arith.constant 0 : i32
      "tpu.region"() ({
        %run_scoped3A_275 = tpu.sem_alloc : memref<!tpu.dma_semaphore, #tpu.memory_space<semaphore_mem>>
        %dma_start3A_276 = arith.constant 0 : i32
        %dma_start3A_277 = arith.constant 0 : i32
        %dma_start3A_278 = tpu.memref_slice %arg7[%run_scoped3A_127, %dma_start3A_276, %dma_start3A_277] : memref<8x125x16xf32, #tpu.memory_space<vmem>> -> memref<1x125x16xf32, #tpu.memory_space<vmem>>
        %dma_start3A_279 = tpu.memref_squeeze %dma_start3A_278 : memref<1x125x16xf32, #tpu.memory_space<vmem>> -> memref<125x16xf32, #tpu.memory_space<vmem>>
        %dma_start3A_280 = arith.constant 0 : i32
        %dma_start3A_281 = tpu.memref_slice %arg6[%add3A_110, %dma_start3A_280] : memref<80x125xi32, #tpu.memory_space<vmem>> -> memref<1x125xi32, #tpu.memory_space<vmem>>
        %dma_start3A_282 = tpu.memref_squeeze %dma_start3A_281 : memref<1x125xi32, #tpu.memory_space<vmem>> -> memref<125xi32, #tpu.memory_space<vmem>>
        %dma_start3A_283 = arith.constant 0 : i32
        %dma_start3A_284 = arith.constant 0 : i32
        %dma_start3A_285 = tpu.memref_slice %arg8[%dma_start3A_283, %dma_start3A_284] : memref<10000x16xf32, #tpu.memory_space<vmem_shared>> -> memref<10000x16xf32, #tpu.memory_space<vmem_shared>>
        tpu.enqueue_indirect_dma source(%dma_start3A_279 : memref<125x16xf32, #tpu.memory_space<vmem>>) target(%dma_start3A_285 : memref<10000x16xf32, #tpu.memory_space<vmem_shared>>) offsets(%dma_start3A_282 : memref<125xi32, #tpu.memory_space<vmem>>) semaphore(%run_scoped3A_275 : memref<!tpu.dma_semaphore, #tpu.memory_space<semaphore_mem>>) {add = true}
        %dma_wait3A_286 = arith.constant 0 : i32
        %dma_wait3A_287 = arith.constant 0 : i32
        %dma_wait3A_288 = tpu.memref_slice %arg7[%run_scoped3A_127, %dma_wait3A_286, %dma_wait3A_287] : memref<8x125x16xf32, #tpu.memory_space<vmem>> -> memref<1x125x16xf32, #tpu.memory_space<vmem>>
        %dma_wait3A_289 = tpu.memref_squeeze %dma_wait3A_288 : memref<1x125x16xf32, #tpu.memory_space<vmem>> -> memref<125x16xf32, #tpu.memory_space<vmem>>
        %dma_wait3A_290 = arith.constant 0 : i32
        %dma_wait3A_291 = tpu.memref_slice %arg6[%add3A_110, %dma_wait3A_290] : memref<80x125xi32, #tpu.memory_space<vmem>> -> memref<1x125xi32, #tpu.memory_space<vmem>>
        %dma_wait3A_292 = tpu.memref_squeeze %dma_wait3A_291 : memref<1x125xi32, #tpu.memory_space<vmem>> -> memref<125xi32, #tpu.memory_space<vmem>>
        %dma_wait3A_293 = arith.constant 0 : i32
        %dma_wait3A_294 = arith.constant 0 : i32
        %dma_wait3A_295 = tpu.memref_slice %arg8[%dma_wait3A_293, %dma_wait3A_294] : memref<10000x16xf32, #tpu.memory_space<vmem_shared>> -> memref<10000x16xf32, #tpu.memory_space<vmem_shared>>
        tpu.wait_indirect_dma semaphore(%run_scoped3A_275 : memref<!tpu.dma_semaphore, #tpu.memory_space<semaphore_mem>>) src(%dma_wait3A_289 : memref<125x16xf32, #tpu.memory_space<vmem>>) dst(%dma_wait3A_295 : memref<10000x16xf32, #tpu.memory_space<vmem_shared>>)
        tpu.yield
      }) : () -> ()
      %add3A_128 = arith.constant 1 : i32
      %add3A_129 = arith.addi %mul3A_108, %add3A_128 : i32
      %dma_wait3A_130 = arith.constant 1 : i32
      %dma_wait3A_131 = arith.constant 0 : i32
      %dma_wait3A_132 = arith.constant 0 : i32
      %dma_wait3A_133 = tpu.memref_slice %arg7[%dma_wait3A_130, %dma_wait3A_131, %dma_wait3A_132] : memref<8x125x16xf32, #tpu.memory_space<vmem>> -> memref<1x125x16xf32, #tpu.memory_space<vmem>>
      %dma_wait3A_134 = tpu.memref_squeeze %dma_wait3A_133 : memref<1x125x16xf32, #tpu.memory_space<vmem>> -> memref<125x16xf32, #tpu.memory_space<vmem>>
      %dma_wait3A_135 = arith.constant 0 : i32
      %dma_wait3A_136 = tpu.memref_slice %arg5[%add3A_129, %dma_wait3A_135] : memref<80x125xi32, #tpu.memory_space<vmem>> -> memref<1x125xi32, #tpu.memory_space<vmem>>
      %dma_wait3A_137 = tpu.memref_squeeze %dma_wait3A_136 : memref<1x125xi32, #tpu.memory_space<vmem>> -> memref<125xi32, #tpu.memory_space<vmem>>
      %dma_wait3A_138 = arith.constant 0 : i32
      %dma_wait3A_139 = arith.constant 0 : i32
      %dma_wait3A_140 = tpu.memref_slice %arg2[%dma_wait3A_138, %dma_wait3A_139] : memref<10000x16xf32, #tpu.memory_space<hbm>> -> memref<10000x16xf32, #tpu.memory_space<hbm>>
      tpu.wait_indirect_dma semaphore(%arg10 : memref<!tpu.dma_semaphore, #tpu.memory_space<semaphore_mem>>) src(%dma_wait3A_140 : memref<10000x16xf32, #tpu.memory_space<hbm>>) dst(%dma_wait3A_134 : memref<125x16xf32, #tpu.memory_space<vmem>>)
      %add3A_141 = arith.constant 7 : i32
      %add3A_142 = arith.addi %add3A_129, %add3A_141 : i32
      %lt3A_143 = arith.constant 80 : i32
      %lt3A_144 = arith.cmpi slt, %add3A_142, %lt3A_143 : i32
      %convert_element_type3A_145 = arith.extui %lt3A_144 : i1 to i32
      %cond3A_146 = arith.constant 0 : i32
      %cond3A_147 = arith.cmpi ne, %convert_element_type3A_145, %cond3A_146 : i32
      scf.if %cond3A_147 {
        %add3A_275 = arith.constant 7 : i32
        %add3A_276 = arith.addi %add3A_129, %add3A_275 : i32
        %dma_start3A_277 = arith.constant 0 : i32
        %dma_start3A_278 = arith.constant 0 : i32
        %dma_start3A_279 = arith.constant 0 : i32
        %dma_start3A_280 = tpu.memref_slice %arg7[%dma_start3A_277, %dma_start3A_278, %dma_start3A_279] : memref<8x125x16xf32, #tpu.memory_space<vmem>> -> memref<1x125x16xf32, #tpu.memory_space<vmem>>
        %dma_start3A_281 = tpu.memref_squeeze %dma_start3A_280 : memref<1x125x16xf32, #tpu.memory_space<vmem>> -> memref<125x16xf32, #tpu.memory_space<vmem>>
        %dma_start3A_282 = arith.constant 0 : i32
        %dma_start3A_283 = tpu.memref_slice %arg5[%add3A_276, %dma_start3A_282] : memref<80x125xi32, #tpu.memory_space<vmem>> -> memref<1x125xi32, #tpu.memory_space<vmem>>
        %dma_start3A_284 = tpu.memref_squeeze %dma_start3A_283 : memref<1x125xi32, #tpu.memory_space<vmem>> -> memref<125xi32, #tpu.memory_space<vmem>>
        %dma_start3A_285 = arith.constant 0 : i32
        %dma_start3A_286 = arith.constant 0 : i32
        %dma_start3A_287 = tpu.memref_slice %arg2[%dma_start3A_285, %dma_start3A_286] : memref<10000x16xf32, #tpu.memory_space<hbm>> -> memref<10000x16xf32, #tpu.memory_space<hbm>>
        tpu.enqueue_indirect_dma source(%dma_start3A_287 : memref<10000x16xf32, #tpu.memory_space<hbm>>) target(%dma_start3A_281 : memref<125x16xf32, #tpu.memory_space<vmem>>) offsets(%dma_start3A_284 : memref<125xi32, #tpu.memory_space<vmem>>) semaphore(%arg9 : memref<!tpu.dma_semaphore, #tpu.memory_space<semaphore_mem>>)
      } else {
      }
      %run_scoped3A_148 = arith.constant 1 : i32
      "tpu.region"() ({
        %run_scoped3A_275 = tpu.sem_alloc : memref<!tpu.dma_semaphore, #tpu.memory_space<semaphore_mem>>
        %dma_start3A_276 = arith.constant 0 : i32
        %dma_start3A_277 = arith.constant 0 : i32
        %dma_start3A_278 = tpu.memref_slice %arg7[%run_scoped3A_148, %dma_start3A_276, %dma_start3A_277] : memref<8x125x16xf32, #tpu.memory_space<vmem>> -> memref<1x125x16xf32, #tpu.memory_space<vmem>>
        %dma_start3A_279 = tpu.memref_squeeze %dma_start3A_278 : memref<1x125x16xf32, #tpu.memory_space<vmem>> -> memref<125x16xf32, #tpu.memory_space<vmem>>
        %dma_start3A_280 = arith.constant 0 : i32
        %dma_start3A_281 = tpu.memref_slice %arg6[%add3A_129, %dma_start3A_280] : memref<80x125xi32, #tpu.memory_space<vmem>> -> memref<1x125xi32, #tpu.memory_space<vmem>>
        %dma_start3A_282 = tpu.memref_squeeze %dma_start3A_281 : memref<1x125xi32, #tpu.memory_space<vmem>> -> memref<125xi32, #tpu.memory_space<vmem>>
        %dma_start3A_283 = arith.constant 0 : i32
        %dma_start3A_284 = arith.constant 0 : i32
        %dma_start3A_285 = tpu.memref_slice %arg8[%dma_start3A_283, %dma_start3A_284] : memref<10000x16xf32, #tpu.memory_space<vmem_shared>> -> memref<10000x16xf32, #tpu.memory_space<vmem_shared>>
        tpu.enqueue_indirect_dma source(%dma_start3A_279 : memref<125x16xf32, #tpu.memory_space<vmem>>) target(%dma_start3A_285 : memref<10000x16xf32, #tpu.memory_space<vmem_shared>>) offsets(%dma_start3A_282 : memref<125xi32, #tpu.memory_space<vmem>>) semaphore(%run_scoped3A_275 : memref<!tpu.dma_semaphore, #tpu.memory_space<semaphore_mem>>) {add = true}
        %dma_wait3A_286 = arith.constant 0 : i32
        %dma_wait3A_287 = arith.constant 0 : i32
        %dma_wait3A_288 = tpu.memref_slice %arg7[%run_scoped3A_148, %dma_wait3A_286, %dma_wait3A_287] : memref<8x125x16xf32, #tpu.memory_space<vmem>> -> memref<1x125x16xf32, #tpu.memory_space<vmem>>
        %dma_wait3A_289 = tpu.memref_squeeze %dma_wait3A_288 : memref<1x125x16xf32, #tpu.memory_space<vmem>> -> memref<125x16xf32, #tpu.memory_space<vmem>>
        %dma_wait3A_290 = arith.constant 0 : i32
        %dma_wait3A_291 = tpu.memref_slice %arg6[%add3A_129, %dma_wait3A_290] : memref<80x125xi32, #tpu.memory_space<vmem>> -> memref<1x125xi32, #tpu.memory_space<vmem>>
        %dma_wait3A_292 = tpu.memref_squeeze %dma_wait3A_291 : memref<1x125xi32, #tpu.memory_space<vmem>> -> memref<125xi32, #tpu.memory_space<vmem>>
        %dma_wait3A_293 = arith.constant 0 : i32
        %dma_wait3A_294 = arith.constant 0 : i32
        %dma_wait3A_295 = tpu.memref_slice %arg8[%dma_wait3A_293, %dma_wait3A_294] : memref<10000x16xf32, #tpu.memory_space<vmem_shared>> -> memref<10000x16xf32, #tpu.memory_space<vmem_shared>>
        tpu.wait_indirect_dma semaphore(%run_scoped3A_275 : memref<!tpu.dma_semaphore, #tpu.memory_space<semaphore_mem>>) src(%dma_wait3A_289 : memref<125x16xf32, #tpu.memory_space<vmem>>) dst(%dma_wait3A_295 : memref<10000x16xf32, #tpu.memory_space<vmem_shared>>)
        tpu.yield
      }) : () -> ()
      %add3A_149 = arith.constant 2 : i32
      %add3A_150 = arith.addi %mul3A_108, %add3A_149 : i32
      %dma_wait3A_151 = arith.constant 2 : i32
      %dma_wait3A_152 = arith.constant 0 : i32
      %dma_wait3A_153 = arith.constant 0 : i32
      %dma_wait3A_154 = tpu.memref_slice %arg7[%dma_wait3A_151, %dma_wait3A_152, %dma_wait3A_153] : memref<8x125x16xf32, #tpu.memory_space<vmem>> -> memref<1x125x16xf32, #tpu.memory_space<vmem>>
      %dma_wait3A_155 = tpu.memref_squeeze %dma_wait3A_154 : memref<1x125x16xf32, #tpu.memory_space<vmem>> -> memref<125x16xf32, #tpu.memory_space<vmem>>
      %dma_wait3A_156 = arith.constant 0 : i32
      %dma_wait3A_157 = tpu.memref_slice %arg5[%add3A_150, %dma_wait3A_156] : memref<80x125xi32, #tpu.memory_space<vmem>> -> memref<1x125xi32, #tpu.memory_space<vmem>>
      %dma_wait3A_158 = tpu.memref_squeeze %dma_wait3A_157 : memref<1x125xi32, #tpu.memory_space<vmem>> -> memref<125xi32, #tpu.memory_space<vmem>>
      %dma_wait3A_159 = arith.constant 0 : i32
      %dma_wait3A_160 = arith.constant 0 : i32
      %dma_wait3A_161 = tpu.memref_slice %arg2[%dma_wait3A_159, %dma_wait3A_160] : memref<10000x16xf32, #tpu.memory_space<hbm>> -> memref<10000x16xf32, #tpu.memory_space<hbm>>
      tpu.wait_indirect_dma semaphore(%arg11 : memref<!tpu.dma_semaphore, #tpu.memory_space<semaphore_mem>>) src(%dma_wait3A_161 : memref<10000x16xf32, #tpu.memory_space<hbm>>) dst(%dma_wait3A_155 : memref<125x16xf32, #tpu.memory_space<vmem>>)
      %add3A_162 = arith.constant 7 : i32
      %add3A_163 = arith.addi %add3A_150, %add3A_162 : i32
      %lt3A_164 = arith.constant 80 : i32
      %lt3A_165 = arith.cmpi slt, %add3A_163, %lt3A_164 : i32
      %convert_element_type3A_166 = arith.extui %lt3A_165 : i1 to i32
      %cond3A_167 = arith.constant 0 : i32
      %cond3A_168 = arith.cmpi ne, %convert_element_type3A_166, %cond3A_167 : i32
      scf.if %cond3A_168 {
        %add3A_275 = arith.constant 7 : i32
        %add3A_276 = arith.addi %add3A_150, %add3A_275 : i32
        %dma_start3A_277 = arith.constant 1 : i32
        %dma_start3A_278 = arith.constant 0 : i32
        %dma_start3A_279 = arith.constant 0 : i32
        %dma_start3A_280 = tpu.memref_slice %arg7[%dma_start3A_277, %dma_start3A_278, %dma_start3A_279] : memref<8x125x16xf32, #tpu.memory_space<vmem>> -> memref<1x125x16xf32, #tpu.memory_space<vmem>>
        %dma_start3A_281 = tpu.memref_squeeze %dma_start3A_280 : memref<1x125x16xf32, #tpu.memory_space<vmem>> -> memref<125x16xf32, #tpu.memory_space<vmem>>
        %dma_start3A_282 = arith.constant 0 : i32
        %dma_start3A_283 = tpu.memref_slice %arg5[%add3A_276, %dma_start3A_282] : memref<80x125xi32, #tpu.memory_space<vmem>> -> memref<1x125xi32, #tpu.memory_space<vmem>>
        %dma_start3A_284 = tpu.memref_squeeze %dma_start3A_283 : memref<1x125xi32, #tpu.memory_space<vmem>> -> memref<125xi32, #tpu.memory_space<vmem>>
        %dma_start3A_285 = arith.constant 0 : i32
        %dma_start3A_286 = arith.constant 0 : i32
        %dma_start3A_287 = tpu.memref_slice %arg2[%dma_start3A_285, %dma_start3A_286] : memref<10000x16xf32, #tpu.memory_space<hbm>> -> memref<10000x16xf32, #tpu.memory_space<hbm>>
        tpu.enqueue_indirect_dma source(%dma_start3A_287 : memref<10000x16xf32, #tpu.memory_space<hbm>>) target(%dma_start3A_281 : memref<125x16xf32, #tpu.memory_space<vmem>>) offsets(%dma_start3A_284 : memref<125xi32, #tpu.memory_space<vmem>>) semaphore(%arg10 : memref<!tpu.dma_semaphore, #tpu.memory_space<semaphore_mem>>)
      } else {
      }
      %run_scoped3A_169 = arith.constant 2 : i32
      "tpu.region"() ({
        %run_scoped3A_275 = tpu.sem_alloc : memref<!tpu.dma_semaphore, #tpu.memory_space<semaphore_mem>>
        %dma_start3A_276 = arith.constant 0 : i32
        %dma_start3A_277 = arith.constant 0 : i32
        %dma_start3A_278 = tpu.memref_slice %arg7[%run_scoped3A_169, %dma_start3A_276, %dma_start3A_277] : memref<8x125x16xf32, #tpu.memory_space<vmem>> -> memref<1x125x16xf32, #tpu.memory_space<vmem>>
        %dma_start3A_279 = tpu.memref_squeeze %dma_start3A_278 : memref<1x125x16xf32, #tpu.memory_space<vmem>> -> memref<125x16xf32, #tpu.memory_space<vmem>>
        %dma_start3A_280 = arith.constant 0 : i32
        %dma_start3A_281 = tpu.memref_slice %arg6[%add3A_150, %dma_start3A_280] : memref<80x125xi32, #tpu.memory_space<vmem>> -> memref<1x125xi32, #tpu.memory_space<vmem>>
        %dma_start3A_282 = tpu.memref_squeeze %dma_start3A_281 : memref<1x125xi32, #tpu.memory_space<vmem>> -> memref<125xi32, #tpu.memory_space<vmem>>
        %dma_start3A_283 = arith.constant 0 : i32
        %dma_start3A_284 = arith.constant 0 : i32
        %dma_start3A_285 = tpu.memref_slice %arg8[%dma_start3A_283, %dma_start3A_284] : memref<10000x16xf32, #tpu.memory_space<vmem_shared>> -> memref<10000x16xf32, #tpu.memory_space<vmem_shared>>
        tpu.enqueue_indirect_dma source(%dma_start3A_279 : memref<125x16xf32, #tpu.memory_space<vmem>>) target(%dma_start3A_285 : memref<10000x16xf32, #tpu.memory_space<vmem_shared>>) offsets(%dma_start3A_282 : memref<125xi32, #tpu.memory_space<vmem>>) semaphore(%run_scoped3A_275 : memref<!tpu.dma_semaphore, #tpu.memory_space<semaphore_mem>>) {add = true}
        %dma_wait3A_286 = arith.constant 0 : i32
        %dma_wait3A_287 = arith.constant 0 : i32
        %dma_wait3A_288 = tpu.memref_slice %arg7[%run_scoped3A_169, %dma_wait3A_286, %dma_wait3A_287] : memref<8x125x16xf32, #tpu.memory_space<vmem>> -> memref<1x125x16xf32, #tpu.memory_space<vmem>>
        %dma_wait3A_289 = tpu.memref_squeeze %dma_wait3A_288 : memref<1x125x16xf32, #tpu.memory_space<vmem>> -> memref<125x16xf32, #tpu.memory_space<vmem>>
        %dma_wait3A_290 = arith.constant 0 : i32
        %dma_wait3A_291 = tpu.memref_slice %arg6[%add3A_150, %dma_wait3A_290] : memref<80x125xi32, #tpu.memory_space<vmem>> -> memref<1x125xi32, #tpu.memory_space<vmem>>
        %dma_wait3A_292 = tpu.memref_squeeze %dma_wait3A_291 : memref<1x125xi32, #tpu.memory_space<vmem>> -> memref<125xi32, #tpu.memory_space<vmem>>
        %dma_wait3A_293 = arith.constant 0 : i32
        %dma_wait3A_294 = arith.constant 0 : i32
        %dma_wait3A_295 = tpu.memref_slice %arg8[%dma_wait3A_293, %dma_wait3A_294] : memref<10000x16xf32, #tpu.memory_space<vmem_shared>> -> memref<10000x16xf32, #tpu.memory_space<vmem_shared>>
        tpu.wait_indirect_dma semaphore(%run_scoped3A_275 : memref<!tpu.dma_semaphore, #tpu.memory_space<semaphore_mem>>) src(%dma_wait3A_289 : memref<125x16xf32, #tpu.memory_space<vmem>>) dst(%dma_wait3A_295 : memref<10000x16xf32, #tpu.memory_space<vmem_shared>>)
        tpu.yield
      }) : () -> ()
      %add3A_170 = arith.constant 3 : i32
      %add3A_171 = arith.addi %mul3A_108, %add3A_170 : i32
      %dma_wait3A_172 = arith.constant 3 : i32
      %dma_wait3A_173 = arith.constant 0 : i32
      %dma_wait3A_174 = arith.constant 0 : i32
      %dma_wait3A_175 = tpu.memref_slice %arg7[%dma_wait3A_172, %dma_wait3A_173, %dma_wait3A_174] : memref<8x125x16xf32, #tpu.memory_space<vmem>> -> memref<1x125x16xf32, #tpu.memory_space<vmem>>
      %dma_wait3A_176 = tpu.memref_squeeze %dma_wait3A_175 : memref<1x125x16xf32, #tpu.memory_space<vmem>> -> memref<125x16xf32, #tpu.memory_space<vmem>>
      %dma_wait3A_177 = arith.constant 0 : i32
      %dma_wait3A_178 = tpu.memref_slice %arg5[%add3A_171, %dma_wait3A_177] : memref<80x125xi32, #tpu.memory_space<vmem>> -> memref<1x125xi32, #tpu.memory_space<vmem>>
      %dma_wait3A_179 = tpu.memref_squeeze %dma_wait3A_178 : memref<1x125xi32, #tpu.memory_space<vmem>> -> memref<125xi32, #tpu.memory_space<vmem>>
      %dma_wait3A_180 = arith.constant 0 : i32
      %dma_wait3A_181 = arith.constant 0 : i32
      %dma_wait3A_182 = tpu.memref_slice %arg2[%dma_wait3A_180, %dma_wait3A_181] : memref<10000x16xf32, #tpu.memory_space<hbm>> -> memref<10000x16xf32, #tpu.memory_space<hbm>>
      tpu.wait_indirect_dma semaphore(%arg12 : memref<!tpu.dma_semaphore, #tpu.memory_space<semaphore_mem>>) src(%dma_wait3A_182 : memref<10000x16xf32, #tpu.memory_space<hbm>>) dst(%dma_wait3A_176 : memref<125x16xf32, #tpu.memory_space<vmem>>)
      %add3A_183 = arith.constant 7 : i32
      %add3A_184 = arith.addi %add3A_171, %add3A_183 : i32
      %lt3A_185 = arith.constant 80 : i32
      %lt3A_186 = arith.cmpi slt, %add3A_184, %lt3A_185 : i32
      %convert_element_type3A_187 = arith.extui %lt3A_186 : i1 to i32
      %cond3A_188 = arith.constant 0 : i32
      %cond3A_189 = arith.cmpi ne, %convert_element_type3A_187, %cond3A_188 : i32
      scf.if %cond3A_189 {
        %add3A_275 = arith.constant 7 : i32
        %add3A_276 = arith.addi %add3A_171, %add3A_275 : i32
        %dma_start3A_277 = arith.constant 2 : i32
        %dma_start3A_278 = arith.constant 0 : i32
        %dma_start3A_279 = arith.constant 0 : i32
        %dma_start3A_280 = tpu.memref_slice %arg7[%dma_start3A_277, %dma_start3A_278, %dma_start3A_279] : memref<8x125x16xf32, #tpu.memory_space<vmem>> -> memref<1x125x16xf32, #tpu.memory_space<vmem>>
        %dma_start3A_281 = tpu.memref_squeeze %dma_start3A_280 : memref<1x125x16xf32, #tpu.memory_space<vmem>> -> memref<125x16xf32, #tpu.memory_space<vmem>>
        %dma_start3A_282 = arith.constant 0 : i32
        %dma_start3A_283 = tpu.memref_slice %arg5[%add3A_276, %dma_start3A_282] : memref<80x125xi32, #tpu.memory_space<vmem>> -> memref<1x125xi32, #tpu.memory_space<vmem>>
        %dma_start3A_284 = tpu.memref_squeeze %dma_start3A_283 : memref<1x125xi32, #tpu.memory_space<vmem>> -> memref<125xi32, #tpu.memory_space<vmem>>
        %dma_start3A_285 = arith.constant 0 : i32
        %dma_start3A_286 = arith.constant 0 : i32
        %dma_start3A_287 = tpu.memref_slice %arg2[%dma_start3A_285, %dma_start3A_286] : memref<10000x16xf32, #tpu.memory_space<hbm>> -> memref<10000x16xf32, #tpu.memory_space<hbm>>
        tpu.enqueue_indirect_dma source(%dma_start3A_287 : memref<10000x16xf32, #tpu.memory_space<hbm>>) target(%dma_start3A_281 : memref<125x16xf32, #tpu.memory_space<vmem>>) offsets(%dma_start3A_284 : memref<125xi32, #tpu.memory_space<vmem>>) semaphore(%arg11 : memref<!tpu.dma_semaphore, #tpu.memory_space<semaphore_mem>>)
      } else {
      }
      %run_scoped3A_190 = arith.constant 3 : i32
      "tpu.region"() ({
        %run_scoped3A_275 = tpu.sem_alloc : memref<!tpu.dma_semaphore, #tpu.memory_space<semaphore_mem>>
        %dma_start3A_276 = arith.constant 0 : i32
        %dma_start3A_277 = arith.constant 0 : i32
        %dma_start3A_278 = tpu.memref_slice %arg7[%run_scoped3A_190, %dma_start3A_276, %dma_start3A_277] : memref<8x125x16xf32, #tpu.memory_space<vmem>> -> memref<1x125x16xf32, #tpu.memory_space<vmem>>
        %dma_start3A_279 = tpu.memref_squeeze %dma_start3A_278 : memref<1x125x16xf32, #tpu.memory_space<vmem>> -> memref<125x16xf32, #tpu.memory_space<vmem>>
        %dma_start3A_280 = arith.constant 0 : i32
        %dma_start3A_281 = tpu.memref_slice %arg6[%add3A_171, %dma_start3A_280] : memref<80x125xi32, #tpu.memory_space<vmem>> -> memref<1x125xi32, #tpu.memory_space<vmem>>
        %dma_start3A_282 = tpu.memref_squeeze %dma_start3A_281 : memref<1x125xi32, #tpu.memory_space<vmem>> -> memref<125xi32, #tpu.memory_space<vmem>>
        %dma_start3A_283 = arith.constant 0 : i32
        %dma_start3A_284 = arith.constant 0 : i32
        %dma_start3A_285 = tpu.memref_slice %arg8[%dma_start3A_283, %dma_start3A_284] : memref<10000x16xf32, #tpu.memory_space<vmem_shared>> -> memref<10000x16xf32, #tpu.memory_space<vmem_shared>>
        tpu.enqueue_indirect_dma source(%dma_start3A_279 : memref<125x16xf32, #tpu.memory_space<vmem>>) target(%dma_start3A_285 : memref<10000x16xf32, #tpu.memory_space<vmem_shared>>) offsets(%dma_start3A_282 : memref<125xi32, #tpu.memory_space<vmem>>) semaphore(%run_scoped3A_275 : memref<!tpu.dma_semaphore, #tpu.memory_space<semaphore_mem>>) {add = true}
        %dma_wait3A_286 = arith.constant 0 : i32
        %dma_wait3A_287 = arith.constant 0 : i32
        %dma_wait3A_288 = tpu.memref_slice %arg7[%run_scoped3A_190, %dma_wait3A_286, %dma_wait3A_287] : memref<8x125x16xf32, #tpu.memory_space<vmem>> -> memref<1x125x16xf32, #tpu.memory_space<vmem>>
        %dma_wait3A_289 = tpu.memref_squeeze %dma_wait3A_288 : memref<1x125x16xf32, #tpu.memory_space<vmem>> -> memref<125x16xf32, #tpu.memory_space<vmem>>
        %dma_wait3A_290 = arith.constant 0 : i32
        %dma_wait3A_291 = tpu.memref_slice %arg6[%add3A_171, %dma_wait3A_290] : memref<80x125xi32, #tpu.memory_space<vmem>> -> memref<1x125xi32, #tpu.memory_space<vmem>>
        %dma_wait3A_292 = tpu.memref_squeeze %dma_wait3A_291 : memref<1x125xi32, #tpu.memory_space<vmem>> -> memref<125xi32, #tpu.memory_space<vmem>>
        %dma_wait3A_293 = arith.constant 0 : i32
        %dma_wait3A_294 = arith.constant 0 : i32
        %dma_wait3A_295 = tpu.memref_slice %arg8[%dma_wait3A_293, %dma_wait3A_294] : memref<10000x16xf32, #tpu.memory_space<vmem_shared>> -> memref<10000x16xf32, #tpu.memory_space<vmem_shared>>
        tpu.wait_indirect_dma semaphore(%run_scoped3A_275 : memref<!tpu.dma_semaphore, #tpu.memory_space<semaphore_mem>>) src(%dma_wait3A_289 : memref<125x16xf32, #tpu.memory_space<vmem>>) dst(%dma_wait3A_295 : memref<10000x16xf32, #tpu.memory_space<vmem_shared>>)
        tpu.yield
      }) : () -> ()
      %add3A_191 = arith.constant 4 : i32
      %add3A_192 = arith.addi %mul3A_108, %add3A_191 : i32
      %dma_wait3A_193 = arith.constant 4 : i32
      %dma_wait3A_194 = arith.constant 0 : i32
      %dma_wait3A_195 = arith.constant 0 : i32
      %dma_wait3A_196 = tpu.memref_slice %arg7[%dma_wait3A_193, %dma_wait3A_194, %dma_wait3A_195] : memref<8x125x16xf32, #tpu.memory_space<vmem>> -> memref<1x125x16xf32, #tpu.memory_space<vmem>>
      %dma_wait3A_197 = tpu.memref_squeeze %dma_wait3A_196 : memref<1x125x16xf32, #tpu.memory_space<vmem>> -> memref<125x16xf32, #tpu.memory_space<vmem>>
      %dma_wait3A_198 = arith.constant 0 : i32
      %dma_wait3A_199 = tpu.memref_slice %arg5[%add3A_192, %dma_wait3A_198] : memref<80x125xi32, #tpu.memory_space<vmem>> -> memref<1x125xi32, #tpu.memory_space<vmem>>
      %dma_wait3A_200 = tpu.memref_squeeze %dma_wait3A_199 : memref<1x125xi32, #tpu.memory_space<vmem>> -> memref<125xi32, #tpu.memory_space<vmem>>
      %dma_wait3A_201 = arith.constant 0 : i32
      %dma_wait3A_202 = arith.constant 0 : i32
      %dma_wait3A_203 = tpu.memref_slice %arg2[%dma_wait3A_201, %dma_wait3A_202] : memref<10000x16xf32, #tpu.memory_space<hbm>> -> memref<10000x16xf32, #tpu.memory_space<hbm>>
      tpu.wait_indirect_dma semaphore(%arg13 : memref<!tpu.dma_semaphore, #tpu.memory_space<semaphore_mem>>) src(%dma_wait3A_203 : memref<10000x16xf32, #tpu.memory_space<hbm>>) dst(%dma_wait3A_197 : memref<125x16xf32, #tpu.memory_space<vmem>>)
      %add3A_204 = arith.constant 7 : i32
      %add3A_205 = arith.addi %add3A_192, %add3A_204 : i32
      %lt3A_206 = arith.constant 80 : i32
      %lt3A_207 = arith.cmpi slt, %add3A_205, %lt3A_206 : i32
      %convert_element_type3A_208 = arith.extui %lt3A_207 : i1 to i32
      %cond3A_209 = arith.constant 0 : i32
      %cond3A_210 = arith.cmpi ne, %convert_element_type3A_208, %cond3A_209 : i32
      scf.if %cond3A_210 {
        %add3A_275 = arith.constant 7 : i32
        %add3A_276 = arith.addi %add3A_192, %add3A_275 : i32
        %dma_start3A_277 = arith.constant 3 : i32
        %dma_start3A_278 = arith.constant 0 : i32
        %dma_start3A_279 = arith.constant 0 : i32
        %dma_start3A_280 = tpu.memref_slice %arg7[%dma_start3A_277, %dma_start3A_278, %dma_start3A_279] : memref<8x125x16xf32, #tpu.memory_space<vmem>> -> memref<1x125x16xf32, #tpu.memory_space<vmem>>
        %dma_start3A_281 = tpu.memref_squeeze %dma_start3A_280 : memref<1x125x16xf32, #tpu.memory_space<vmem>> -> memref<125x16xf32, #tpu.memory_space<vmem>>
        %dma_start3A_282 = arith.constant 0 : i32
        %dma_start3A_283 = tpu.memref_slice %arg5[%add3A_276, %dma_start3A_282] : memref<80x125xi32, #tpu.memory_space<vmem>> -> memref<1x125xi32, #tpu.memory_space<vmem>>
        %dma_start3A_284 = tpu.memref_squeeze %dma_start3A_283 : memref<1x125xi32, #tpu.memory_space<vmem>> -> memref<125xi32, #tpu.memory_space<vmem>>
        %dma_start3A_285 = arith.constant 0 : i32
        %dma_start3A_286 = arith.constant 0 : i32
        %dma_start3A_287 = tpu.memref_slice %arg2[%dma_start3A_285, %dma_start3A_286] : memref<10000x16xf32, #tpu.memory_space<hbm>> -> memref<10000x16xf32, #tpu.memory_space<hbm>>
        tpu.enqueue_indirect_dma source(%dma_start3A_287 : memref<10000x16xf32, #tpu.memory_space<hbm>>) target(%dma_start3A_281 : memref<125x16xf32, #tpu.memory_space<vmem>>) offsets(%dma_start3A_284 : memref<125xi32, #tpu.memory_space<vmem>>) semaphore(%arg12 : memref<!tpu.dma_semaphore, #tpu.memory_space<semaphore_mem>>)
      } else {
      }
      %run_scoped3A_211 = arith.constant 4 : i32
      "tpu.region"() ({
        %run_scoped3A_275 = tpu.sem_alloc : memref<!tpu.dma_semaphore, #tpu.memory_space<semaphore_mem>>
        %dma_start3A_276 = arith.constant 0 : i32
        %dma_start3A_277 = arith.constant 0 : i32
        %dma_start3A_278 = tpu.memref_slice %arg7[%run_scoped3A_211, %dma_start3A_276, %dma_start3A_277] : memref<8x125x16xf32, #tpu.memory_space<vmem>> -> memref<1x125x16xf32, #tpu.memory_space<vmem>>
        %dma_start3A_279 = tpu.memref_squeeze %dma_start3A_278 : memref<1x125x16xf32, #tpu.memory_space<vmem>> -> memref<125x16xf32, #tpu.memory_space<vmem>>
        %dma_start3A_280 = arith.constant 0 : i32
        %dma_start3A_281 = tpu.memref_slice %arg6[%add3A_192, %dma_start3A_280] : memref<80x125xi32, #tpu.memory_space<vmem>> -> memref<1x125xi32, #tpu.memory_space<vmem>>
        %dma_start3A_282 = tpu.memref_squeeze %dma_start3A_281 : memref<1x125xi32, #tpu.memory_space<vmem>> -> memref<125xi32, #tpu.memory_space<vmem>>
        %dma_start3A_283 = arith.constant 0 : i32
        %dma_start3A_284 = arith.constant 0 : i32
        %dma_start3A_285 = tpu.memref_slice %arg8[%dma_start3A_283, %dma_start3A_284] : memref<10000x16xf32, #tpu.memory_space<vmem_shared>> -> memref<10000x16xf32, #tpu.memory_space<vmem_shared>>
        tpu.enqueue_indirect_dma source(%dma_start3A_279 : memref<125x16xf32, #tpu.memory_space<vmem>>) target(%dma_start3A_285 : memref<10000x16xf32, #tpu.memory_space<vmem_shared>>) offsets(%dma_start3A_282 : memref<125xi32, #tpu.memory_space<vmem>>) semaphore(%run_scoped3A_275 : memref<!tpu.dma_semaphore, #tpu.memory_space<semaphore_mem>>) {add = true}
        %dma_wait3A_286 = arith.constant 0 : i32
        %dma_wait3A_287 = arith.constant 0 : i32
        %dma_wait3A_288 = tpu.memref_slice %arg7[%run_scoped3A_211, %dma_wait3A_286, %dma_wait3A_287] : memref<8x125x16xf32, #tpu.memory_space<vmem>> -> memref<1x125x16xf32, #tpu.memory_space<vmem>>
        %dma_wait3A_289 = tpu.memref_squeeze %dma_wait3A_288 : memref<1x125x16xf32, #tpu.memory_space<vmem>> -> memref<125x16xf32, #tpu.memory_space<vmem>>
        %dma_wait3A_290 = arith.constant 0 : i32
        %dma_wait3A_291 = tpu.memref_slice %arg6[%add3A_192, %dma_wait3A_290] : memref<80x125xi32, #tpu.memory_space<vmem>> -> memref<1x125xi32, #tpu.memory_space<vmem>>
        %dma_wait3A_292 = tpu.memref_squeeze %dma_wait3A_291 : memref<1x125xi32, #tpu.memory_space<vmem>> -> memref<125xi32, #tpu.memory_space<vmem>>
        %dma_wait3A_293 = arith.constant 0 : i32
        %dma_wait3A_294 = arith.constant 0 : i32
        %dma_wait3A_295 = tpu.memref_slice %arg8[%dma_wait3A_293, %dma_wait3A_294] : memref<10000x16xf32, #tpu.memory_space<vmem_shared>> -> memref<10000x16xf32, #tpu.memory_space<vmem_shared>>
        tpu.wait_indirect_dma semaphore(%run_scoped3A_275 : memref<!tpu.dma_semaphore, #tpu.memory_space<semaphore_mem>>) src(%dma_wait3A_289 : memref<125x16xf32, #tpu.memory_space<vmem>>) dst(%dma_wait3A_295 : memref<10000x16xf32, #tpu.memory_space<vmem_shared>>)
        tpu.yield
      }) : () -> ()
      %add3A_212 = arith.constant 5 : i32
      %add3A_213 = arith.addi %mul3A_108, %add3A_212 : i32
      %dma_wait3A_214 = arith.constant 5 : i32
      %dma_wait3A_215 = arith.constant 0 : i32
      %dma_wait3A_216 = arith.constant 0 : i32
      %dma_wait3A_217 = tpu.memref_slice %arg7[%dma_wait3A_214, %dma_wait3A_215, %dma_wait3A_216] : memref<8x125x16xf32, #tpu.memory_space<vmem>> -> memref<1x125x16xf32, #tpu.memory_space<vmem>>
      %dma_wait3A_218 = tpu.memref_squeeze %dma_wait3A_217 : memref<1x125x16xf32, #tpu.memory_space<vmem>> -> memref<125x16xf32, #tpu.memory_space<vmem>>
      %dma_wait3A_219 = arith.constant 0 : i32
      %dma_wait3A_220 = tpu.memref_slice %arg5[%add3A_213, %dma_wait3A_219] : memref<80x125xi32, #tpu.memory_space<vmem>> -> memref<1x125xi32, #tpu.memory_space<vmem>>
      %dma_wait3A_221 = tpu.memref_squeeze %dma_wait3A_220 : memref<1x125xi32, #tpu.memory_space<vmem>> -> memref<125xi32, #tpu.memory_space<vmem>>
      %dma_wait3A_222 = arith.constant 0 : i32
      %dma_wait3A_223 = arith.constant 0 : i32
      %dma_wait3A_224 = tpu.memref_slice %arg2[%dma_wait3A_222, %dma_wait3A_223] : memref<10000x16xf32, #tpu.memory_space<hbm>> -> memref<10000x16xf32, #tpu.memory_space<hbm>>
      tpu.wait_indirect_dma semaphore(%arg14 : memref<!tpu.dma_semaphore, #tpu.memory_space<semaphore_mem>>) src(%dma_wait3A_224 : memref<10000x16xf32, #tpu.memory_space<hbm>>) dst(%dma_wait3A_218 : memref<125x16xf32, #tpu.memory_space<vmem>>)
      %add3A_225 = arith.constant 7 : i32
      %add3A_226 = arith.addi %add3A_213, %add3A_225 : i32
      %lt3A_227 = arith.constant 80 : i32
      %lt3A_228 = arith.cmpi slt, %add3A_226, %lt3A_227 : i32
      %convert_element_type3A_229 = arith.extui %lt3A_228 : i1 to i32
      %cond3A_230 = arith.constant 0 : i32
      %cond3A_231 = arith.cmpi ne, %convert_element_type3A_229, %cond3A_230 : i32
      scf.if %cond3A_231 {
        %add3A_275 = arith.constant 7 : i32
        %add3A_276 = arith.addi %add3A_213, %add3A_275 : i32
        %dma_start3A_277 = arith.constant 4 : i32
        %dma_start3A_278 = arith.constant 0 : i32
        %dma_start3A_279 = arith.constant 0 : i32
        %dma_start3A_280 = tpu.memref_slice %arg7[%dma_start3A_277, %dma_start3A_278, %dma_start3A_279] : memref<8x125x16xf32, #tpu.memory_space<vmem>> -> memref<1x125x16xf32, #tpu.memory_space<vmem>>
        %dma_start3A_281 = tpu.memref_squeeze %dma_start3A_280 : memref<1x125x16xf32, #tpu.memory_space<vmem>> -> memref<125x16xf32, #tpu.memory_space<vmem>>
        %dma_start3A_282 = arith.constant 0 : i32
        %dma_start3A_283 = tpu.memref_slice %arg5[%add3A_276, %dma_start3A_282] : memref<80x125xi32, #tpu.memory_space<vmem>> -> memref<1x125xi32, #tpu.memory_space<vmem>>
        %dma_start3A_284 = tpu.memref_squeeze %dma_start3A_283 : memref<1x125xi32, #tpu.memory_space<vmem>> -> memref<125xi32, #tpu.memory_space<vmem>>
        %dma_start3A_285 = arith.constant 0 : i32
        %dma_start3A_286 = arith.constant 0 : i32
        %dma_start3A_287 = tpu.memref_slice %arg2[%dma_start3A_285, %dma_start3A_286] : memref<10000x16xf32, #tpu.memory_space<hbm>> -> memref<10000x16xf32, #tpu.memory_space<hbm>>
        tpu.enqueue_indirect_dma source(%dma_start3A_287 : memref<10000x16xf32, #tpu.memory_space<hbm>>) target(%dma_start3A_281 : memref<125x16xf32, #tpu.memory_space<vmem>>) offsets(%dma_start3A_284 : memref<125xi32, #tpu.memory_space<vmem>>) semaphore(%arg13 : memref<!tpu.dma_semaphore, #tpu.memory_space<semaphore_mem>>)
      } else {
      }
      %run_scoped3A_232 = arith.constant 5 : i32
      "tpu.region"() ({
        %run_scoped3A_275 = tpu.sem_alloc : memref<!tpu.dma_semaphore, #tpu.memory_space<semaphore_mem>>
        %dma_start3A_276 = arith.constant 0 : i32
        %dma_start3A_277 = arith.constant 0 : i32
        %dma_start3A_278 = tpu.memref_slice %arg7[%run_scoped3A_232, %dma_start3A_276, %dma_start3A_277] : memref<8x125x16xf32, #tpu.memory_space<vmem>> -> memref<1x125x16xf32, #tpu.memory_space<vmem>>
        %dma_start3A_279 = tpu.memref_squeeze %dma_start3A_278 : memref<1x125x16xf32, #tpu.memory_space<vmem>> -> memref<125x16xf32, #tpu.memory_space<vmem>>
        %dma_start3A_280 = arith.constant 0 : i32
        %dma_start3A_281 = tpu.memref_slice %arg6[%add3A_213, %dma_start3A_280] : memref<80x125xi32, #tpu.memory_space<vmem>> -> memref<1x125xi32, #tpu.memory_space<vmem>>
        %dma_start3A_282 = tpu.memref_squeeze %dma_start3A_281 : memref<1x125xi32, #tpu.memory_space<vmem>> -> memref<125xi32, #tpu.memory_space<vmem>>
        %dma_start3A_283 = arith.constant 0 : i32
        %dma_start3A_284 = arith.constant 0 : i32
        %dma_start3A_285 = tpu.memref_slice %arg8[%dma_start3A_283, %dma_start3A_284] : memref<10000x16xf32, #tpu.memory_space<vmem_shared>> -> memref<10000x16xf32, #tpu.memory_space<vmem_shared>>
        tpu.enqueue_indirect_dma source(%dma_start3A_279 : memref<125x16xf32, #tpu.memory_space<vmem>>) target(%dma_start3A_285 : memref<10000x16xf32, #tpu.memory_space<vmem_shared>>) offsets(%dma_start3A_282 : memref<125xi32, #tpu.memory_space<vmem>>) semaphore(%run_scoped3A_275 : memref<!tpu.dma_semaphore, #tpu.memory_space<semaphore_mem>>) {add = true}
        %dma_wait3A_286 = arith.constant 0 : i32
        %dma_wait3A_287 = arith.constant 0 : i32
        %dma_wait3A_288 = tpu.memref_slice %arg7[%run_scoped3A_232, %dma_wait3A_286, %dma_wait3A_287] : memref<8x125x16xf32, #tpu.memory_space<vmem>> -> memref<1x125x16xf32, #tpu.memory_space<vmem>>
        %dma_wait3A_289 = tpu.memref_squeeze %dma_wait3A_288 : memref<1x125x16xf32, #tpu.memory_space<vmem>> -> memref<125x16xf32, #tpu.memory_space<vmem>>
        %dma_wait3A_290 = arith.constant 0 : i32
        %dma_wait3A_291 = tpu.memref_slice %arg6[%add3A_213, %dma_wait3A_290] : memref<80x125xi32, #tpu.memory_space<vmem>> -> memref<1x125xi32, #tpu.memory_space<vmem>>
        %dma_wait3A_292 = tpu.memref_squeeze %dma_wait3A_291 : memref<1x125xi32, #tpu.memory_space<vmem>> -> memref<125xi32, #tpu.memory_space<vmem>>
        %dma_wait3A_293 = arith.constant 0 : i32
        %dma_wait3A_294 = arith.constant 0 : i32
        %dma_wait3A_295 = tpu.memref_slice %arg8[%dma_wait3A_293, %dma_wait3A_294] : memref<10000x16xf32, #tpu.memory_space<vmem_shared>> -> memref<10000x16xf32, #tpu.memory_space<vmem_shared>>
        tpu.wait_indirect_dma semaphore(%run_scoped3A_275 : memref<!tpu.dma_semaphore, #tpu.memory_space<semaphore_mem>>) src(%dma_wait3A_289 : memref<125x16xf32, #tpu.memory_space<vmem>>) dst(%dma_wait3A_295 : memref<10000x16xf32, #tpu.memory_space<vmem_shared>>)
        tpu.yield
      }) : () -> ()
      %add3A_233 = arith.constant 6 : i32
      %add3A_234 = arith.addi %mul3A_108, %add3A_233 : i32
      %dma_wait3A_235 = arith.constant 6 : i32
      %dma_wait3A_236 = arith.constant 0 : i32
      %dma_wait3A_237 = arith.constant 0 : i32
      %dma_wait3A_238 = tpu.memref_slice %arg7[%dma_wait3A_235, %dma_wait3A_236, %dma_wait3A_237] : memref<8x125x16xf32, #tpu.memory_space<vmem>> -> memref<1x125x16xf32, #tpu.memory_space<vmem>>
      %dma_wait3A_239 = tpu.memref_squeeze %dma_wait3A_238 : memref<1x125x16xf32, #tpu.memory_space<vmem>> -> memref<125x16xf32, #tpu.memory_space<vmem>>
      %dma_wait3A_240 = arith.constant 0 : i32
      %dma_wait3A_241 = tpu.memref_slice %arg5[%add3A_234, %dma_wait3A_240] : memref<80x125xi32, #tpu.memory_space<vmem>> -> memref<1x125xi32, #tpu.memory_space<vmem>>
      %dma_wait3A_242 = tpu.memref_squeeze %dma_wait3A_241 : memref<1x125xi32, #tpu.memory_space<vmem>> -> memref<125xi32, #tpu.memory_space<vmem>>
      %dma_wait3A_243 = arith.constant 0 : i32
      %dma_wait3A_244 = arith.constant 0 : i32
      %dma_wait3A_245 = tpu.memref_slice %arg2[%dma_wait3A_243, %dma_wait3A_244] : memref<10000x16xf32, #tpu.memory_space<hbm>> -> memref<10000x16xf32, #tpu.memory_space<hbm>>
      tpu.wait_indirect_dma semaphore(%arg15 : memref<!tpu.dma_semaphore, #tpu.memory_space<semaphore_mem>>) src(%dma_wait3A_245 : memref<10000x16xf32, #tpu.memory_space<hbm>>) dst(%dma_wait3A_239 : memref<125x16xf32, #tpu.memory_space<vmem>>)
      %add3A_246 = arith.constant 7 : i32
      %add3A_247 = arith.addi %add3A_234, %add3A_246 : i32
      %lt3A_248 = arith.constant 80 : i32
      %lt3A_249 = arith.cmpi slt, %add3A_247, %lt3A_248 : i32
      %convert_element_type3A_250 = arith.extui %lt3A_249 : i1 to i32
      %cond3A_251 = arith.constant 0 : i32
      %cond3A_252 = arith.cmpi ne, %convert_element_type3A_250, %cond3A_251 : i32
      scf.if %cond3A_252 {
        %add3A_275 = arith.constant 7 : i32
        %add3A_276 = arith.addi %add3A_234, %add3A_275 : i32
        %dma_start3A_277 = arith.constant 5 : i32
        %dma_start3A_278 = arith.constant 0 : i32
        %dma_start3A_279 = arith.constant 0 : i32
        %dma_start3A_280 = tpu.memref_slice %arg7[%dma_start3A_277, %dma_start3A_278, %dma_start3A_279] : memref<8x125x16xf32, #tpu.memory_space<vmem>> -> memref<1x125x16xf32, #tpu.memory_space<vmem>>
        %dma_start3A_281 = tpu.memref_squeeze %dma_start3A_280 : memref<1x125x16xf32, #tpu.memory_space<vmem>> -> memref<125x16xf32, #tpu.memory_space<vmem>>
        %dma_start3A_282 = arith.constant 0 : i32
        %dma_start3A_283 = tpu.memref_slice %arg5[%add3A_276, %dma_start3A_282] : memref<80x125xi32, #tpu.memory_space<vmem>> -> memref<1x125xi32, #tpu.memory_space<vmem>>
        %dma_start3A_284 = tpu.memref_squeeze %dma_start3A_283 : memref<1x125xi32, #tpu.memory_space<vmem>> -> memref<125xi32, #tpu.memory_space<vmem>>
        %dma_start3A_285 = arith.constant 0 : i32
        %dma_start3A_286 = arith.constant 0 : i32
        %dma_start3A_287 = tpu.memref_slice %arg2[%dma_start3A_285, %dma_start3A_286] : memref<10000x16xf32, #tpu.memory_space<hbm>> -> memref<10000x16xf32, #tpu.memory_space<hbm>>
        tpu.enqueue_indirect_dma source(%dma_start3A_287 : memref<10000x16xf32, #tpu.memory_space<hbm>>) target(%dma_start3A_281 : memref<125x16xf32, #tpu.memory_space<vmem>>) offsets(%dma_start3A_284 : memref<125xi32, #tpu.memory_space<vmem>>) semaphore(%arg14 : memref<!tpu.dma_semaphore, #tpu.memory_space<semaphore_mem>>)
      } else {
      }
      %run_scoped3A_253 = arith.constant 6 : i32
      "tpu.region"() ({
        %run_scoped3A_275 = tpu.sem_alloc : memref<!tpu.dma_semaphore, #tpu.memory_space<semaphore_mem>>
        %dma_start3A_276 = arith.constant 0 : i32
        %dma_start3A_277 = arith.constant 0 : i32
        %dma_start3A_278 = tpu.memref_slice %arg7[%run_scoped3A_253, %dma_start3A_276, %dma_start3A_277] : memref<8x125x16xf32, #tpu.memory_space<vmem>> -> memref<1x125x16xf32, #tpu.memory_space<vmem>>
        %dma_start3A_279 = tpu.memref_squeeze %dma_start3A_278 : memref<1x125x16xf32, #tpu.memory_space<vmem>> -> memref<125x16xf32, #tpu.memory_space<vmem>>
        %dma_start3A_280 = arith.constant 0 : i32
        %dma_start3A_281 = tpu.memref_slice %arg6[%add3A_234, %dma_start3A_280] : memref<80x125xi32, #tpu.memory_space<vmem>> -> memref<1x125xi32, #tpu.memory_space<vmem>>
        %dma_start3A_282 = tpu.memref_squeeze %dma_start3A_281 : memref<1x125xi32, #tpu.memory_space<vmem>> -> memref<125xi32, #tpu.memory_space<vmem>>
        %dma_start3A_283 = arith.constant 0 : i32
        %dma_start3A_284 = arith.constant 0 : i32
        %dma_start3A_285 = tpu.memref_slice %arg8[%dma_start3A_283, %dma_start3A_284] : memref<10000x16xf32, #tpu.memory_space<vmem_shared>> -> memref<10000x16xf32, #tpu.memory_space<vmem_shared>>
        tpu.enqueue_indirect_dma source(%dma_start3A_279 : memref<125x16xf32, #tpu.memory_space<vmem>>) target(%dma_start3A_285 : memref<10000x16xf32, #tpu.memory_space<vmem_shared>>) offsets(%dma_start3A_282 : memref<125xi32, #tpu.memory_space<vmem>>) semaphore(%run_scoped3A_275 : memref<!tpu.dma_semaphore, #tpu.memory_space<semaphore_mem>>) {add = true}
        %dma_wait3A_286 = arith.constant 0 : i32
        %dma_wait3A_287 = arith.constant 0 : i32
        %dma_wait3A_288 = tpu.memref_slice %arg7[%run_scoped3A_253, %dma_wait3A_286, %dma_wait3A_287] : memref<8x125x16xf32, #tpu.memory_space<vmem>> -> memref<1x125x16xf32, #tpu.memory_space<vmem>>
        %dma_wait3A_289 = tpu.memref_squeeze %dma_wait3A_288 : memref<1x125x16xf32, #tpu.memory_space<vmem>> -> memref<125x16xf32, #tpu.memory_space<vmem>>
        %dma_wait3A_290 = arith.constant 0 : i32
        %dma_wait3A_291 = tpu.memref_slice %arg6[%add3A_234, %dma_wait3A_290] : memref<80x125xi32, #tpu.memory_space<vmem>> -> memref<1x125xi32, #tpu.memory_space<vmem>>
        %dma_wait3A_292 = tpu.memref_squeeze %dma_wait3A_291 : memref<1x125xi32, #tpu.memory_space<vmem>> -> memref<125xi32, #tpu.memory_space<vmem>>
        %dma_wait3A_293 = arith.constant 0 : i32
        %dma_wait3A_294 = arith.constant 0 : i32
        %dma_wait3A_295 = tpu.memref_slice %arg8[%dma_wait3A_293, %dma_wait3A_294] : memref<10000x16xf32, #tpu.memory_space<vmem_shared>> -> memref<10000x16xf32, #tpu.memory_space<vmem_shared>>
        tpu.wait_indirect_dma semaphore(%run_scoped3A_275 : memref<!tpu.dma_semaphore, #tpu.memory_space<semaphore_mem>>) src(%dma_wait3A_289 : memref<125x16xf32, #tpu.memory_space<vmem>>) dst(%dma_wait3A_295 : memref<10000x16xf32, #tpu.memory_space<vmem_shared>>)
        tpu.yield
      }) : () -> ()
      %add3A_254 = arith.constant 7 : i32
      %add3A_255 = arith.addi %mul3A_108, %add3A_254 : i32
      %dma_wait3A_256 = arith.constant 7 : i32
      %dma_wait3A_257 = arith.constant 0 : i32
      %dma_wait3A_258 = arith.constant 0 : i32
      %dma_wait3A_259 = tpu.memref_slice %arg7[%dma_wait3A_256, %dma_wait3A_257, %dma_wait3A_258] : memref<8x125x16xf32, #tpu.memory_space<vmem>> -> memref<1x125x16xf32, #tpu.memory_space<vmem>>
      %dma_wait3A_260 = tpu.memref_squeeze %dma_wait3A_259 : memref<1x125x16xf32, #tpu.memory_space<vmem>> -> memref<125x16xf32, #tpu.memory_space<vmem>>
      %dma_wait3A_261 = arith.constant 0 : i32
      %dma_wait3A_262 = tpu.memref_slice %arg5[%add3A_255, %dma_wait3A_261] : memref<80x125xi32, #tpu.memory_space<vmem>> -> memref<1x125xi32, #tpu.memory_space<vmem>>
      %dma_wait3A_263 = tpu.memref_squeeze %dma_wait3A_262 : memref<1x125xi32, #tpu.memory_space<vmem>> -> memref<125xi32, #tpu.memory_space<vmem>>
      %dma_wait3A_264 = arith.constant 0 : i32
      %dma_wait3A_265 = arith.constant 0 : i32
      %dma_wait3A_266 = tpu.memref_slice %arg2[%dma_wait3A_264, %dma_wait3A_265] : memref<10000x16xf32, #tpu.memory_space<hbm>> -> memref<10000x16xf32, #tpu.memory_space<hbm>>
      tpu.wait_indirect_dma semaphore(%arg16 : memref<!tpu.dma_semaphore, #tpu.memory_space<semaphore_mem>>) src(%dma_wait3A_266 : memref<10000x16xf32, #tpu.memory_space<hbm>>) dst(%dma_wait3A_260 : memref<125x16xf32, #tpu.memory_space<vmem>>)
      %add3A_267 = arith.constant 7 : i32
      %add3A_268 = arith.addi %add3A_255, %add3A_267 : i32
      %lt3A_269 = arith.constant 80 : i32
      %lt3A_270 = arith.cmpi slt, %add3A_268, %lt3A_269 : i32
      %convert_element_type3A_271 = arith.extui %lt3A_270 : i1 to i32
      %cond3A_272 = arith.constant 0 : i32
      %cond3A_273 = arith.cmpi ne, %convert_element_type3A_271, %cond3A_272 : i32
      scf.if %cond3A_273 {
        %add3A_275 = arith.constant 7 : i32
        %add3A_276 = arith.addi %add3A_255, %add3A_275 : i32
        %dma_start3A_277 = arith.constant 6 : i32
        %dma_start3A_278 = arith.constant 0 : i32
        %dma_start3A_279 = arith.constant 0 : i32
        %dma_start3A_280 = tpu.memref_slice %arg7[%dma_start3A_277, %dma_start3A_278, %dma_start3A_279] : memref<8x125x16xf32, #tpu.memory_space<vmem>> -> memref<1x125x16xf32, #tpu.memory_space<vmem>>
        %dma_start3A_281 = tpu.memref_squeeze %dma_start3A_280 : memref<1x125x16xf32, #tpu.memory_space<vmem>> -> memref<125x16xf32, #tpu.memory_space<vmem>>
        %dma_start3A_282 = arith.constant 0 : i32
        %dma_start3A_283 = tpu.memref_slice %arg5[%add3A_276, %dma_start3A_282] : memref<80x125xi32, #tpu.memory_space<vmem>> -> memref<1x125xi32, #tpu.memory_space<vmem>>
        %dma_start3A_284 = tpu.memref_squeeze %dma_start3A_283 : memref<1x125xi32, #tpu.memory_space<vmem>> -> memref<125xi32, #tpu.memory_space<vmem>>
        %dma_start3A_285 = arith.constant 0 : i32
        %dma_start3A_286 = arith.constant 0 : i32
        %dma_start3A_287 = tpu.memref_slice %arg2[%dma_start3A_285, %dma_start3A_286] : memref<10000x16xf32, #tpu.memory_space<hbm>> -> memref<10000x16xf32, #tpu.memory_space<hbm>>
        tpu.enqueue_indirect_dma source(%dma_start3A_287 : memref<10000x16xf32, #tpu.memory_space<hbm>>) target(%dma_start3A_281 : memref<125x16xf32, #tpu.memory_space<vmem>>) offsets(%dma_start3A_284 : memref<125xi32, #tpu.memory_space<vmem>>) semaphore(%arg15 : memref<!tpu.dma_semaphore, #tpu.memory_space<semaphore_mem>>)
      } else {
      }
      %run_scoped3A_274 = arith.constant 7 : i32
      "tpu.region"() ({
        %run_scoped3A_275 = tpu.sem_alloc : memref<!tpu.dma_semaphore, #tpu.memory_space<semaphore_mem>>
        %dma_start3A_276 = arith.constant 0 : i32
        %dma_start3A_277 = arith.constant 0 : i32
        %dma_start3A_278 = tpu.memref_slice %arg7[%run_scoped3A_274, %dma_start3A_276, %dma_start3A_277] : memref<8x125x16xf32, #tpu.memory_space<vmem>> -> memref<1x125x16xf32, #tpu.memory_space<vmem>>
        %dma_start3A_279 = tpu.memref_squeeze %dma_start3A_278 : memref<1x125x16xf32, #tpu.memory_space<vmem>> -> memref<125x16xf32, #tpu.memory_space<vmem>>
        %dma_start3A_280 = arith.constant 0 : i32
        %dma_start3A_281 = tpu.memref_slice %arg6[%add3A_255, %dma_start3A_280] : memref<80x125xi32, #tpu.memory_space<vmem>> -> memref<1x125xi32, #tpu.memory_space<vmem>>
        %dma_start3A_282 = tpu.memref_squeeze %dma_start3A_281 : memref<1x125xi32, #tpu.memory_space<vmem>> -> memref<125xi32, #tpu.memory_space<vmem>>
        %dma_start3A_283 = arith.constant 0 : i32
        %dma_start3A_284 = arith.constant 0 : i32
        %dma_start3A_285 = tpu.memref_slice %arg8[%dma_start3A_283, %dma_start3A_284] : memref<10000x16xf32, #tpu.memory_space<vmem_shared>> -> memref<10000x16xf32, #tpu.memory_space<vmem_shared>>
        tpu.enqueue_indirect_dma source(%dma_start3A_279 : memref<125x16xf32, #tpu.memory_space<vmem>>) target(%dma_start3A_285 : memref<10000x16xf32, #tpu.memory_space<vmem_shared>>) offsets(%dma_start3A_282 : memref<125xi32, #tpu.memory_space<vmem>>) semaphore(%run_scoped3A_275 : memref<!tpu.dma_semaphore, #tpu.memory_space<semaphore_mem>>) {add = true}
        %dma_wait3A_286 = arith.constant 0 : i32
        %dma_wait3A_287 = arith.constant 0 : i32
        %dma_wait3A_288 = tpu.memref_slice %arg7[%run_scoped3A_274, %dma_wait3A_286, %dma_wait3A_287] : memref<8x125x16xf32, #tpu.memory_space<vmem>> -> memref<1x125x16xf32, #tpu.memory_space<vmem>>
        %dma_wait3A_289 = tpu.memref_squeeze %dma_wait3A_288 : memref<1x125x16xf32, #tpu.memory_space<vmem>> -> memref<125x16xf32, #tpu.memory_space<vmem>>
        %dma_wait3A_290 = arith.constant 0 : i32
        %dma_wait3A_291 = tpu.memref_slice %arg6[%add3A_255, %dma_wait3A_290] : memref<80x125xi32, #tpu.memory_space<vmem>> -> memref<1x125xi32, #tpu.memory_space<vmem>>
        %dma_wait3A_292 = tpu.memref_squeeze %dma_wait3A_291 : memref<1x125xi32, #tpu.memory_space<vmem>> -> memref<125xi32, #tpu.memory_space<vmem>>
        %dma_wait3A_293 = arith.constant 0 : i32
        %dma_wait3A_294 = arith.constant 0 : i32
        %dma_wait3A_295 = tpu.memref_slice %arg8[%dma_wait3A_293, %dma_wait3A_294] : memref<10000x16xf32, #tpu.memory_space<vmem_shared>> -> memref<10000x16xf32, #tpu.memory_space<vmem_shared>>
        tpu.wait_indirect_dma semaphore(%run_scoped3A_275 : memref<!tpu.dma_semaphore, #tpu.memory_space<semaphore_mem>>) src(%dma_wait3A_289 : memref<125x16xf32, #tpu.memory_space<vmem>>) dst(%dma_wait3A_295 : memref<10000x16xf32, #tpu.memory_space<vmem_shared>>)
        tpu.yield
      }) : () -> ()
    }
    %scan3A_95 = arith.constant 10 : i32
    %barrier3A_96 = arith.constant 0 : index
    tpu.barrier barrier_id(%barrier3A_96)
    %mul3A_97 = arith.constant 624 : i32
    %mul3A_98 = arith.muli %arg1, %mul3A_97 : i32
    %mul3A_99 = arith.constant 624 : i32
    %mul3A_100 = arith.muli %arg1, %mul3A_99 : i32
    "tpu.region"() ({
      %run_scoped3A_106 = tpu.sem_alloc : memref<!tpu.dma_semaphore, #tpu.memory_space<semaphore_mem>>
      %dma_start3A_107 = arith.constant 0 : i32
      %dma_start3A_108 = tpu.memref_slice %arg4[%arg0, %mul3A_100, %dma_start3A_107] : memref<2x10000x16xf32, #tpu.memory_space<hbm>> -> memref<1x624x16xf32, #tpu.memory_space<hbm>>
      %dma_start3A_109 = tpu.memref_squeeze %dma_start3A_108 : memref<1x624x16xf32, #tpu.memory_space<hbm>> -> memref<624x16xf32, #tpu.memory_space<hbm>>
      %dma_start3A_110 = arith.constant 0 : i32
      %dma_start3A_111 = tpu.memref_slice %arg8[%mul3A_98, %dma_start3A_110] : memref<10000x16xf32, #tpu.memory_space<vmem_shared>> -> memref<624x16xf32, #tpu.memory_space<vmem_shared>>
      tpu.enqueue_dma source(%dma_start3A_111 : memref<624x16xf32, #tpu.memory_space<vmem_shared>>) target(%dma_start3A_109 : memref<624x16xf32, #tpu.memory_space<hbm>>) target_semaphore(%run_scoped3A_106 : memref<!tpu.dma_semaphore, #tpu.memory_space<semaphore_mem>>)
      %dma_wait3A = arith.constant 0 : i32
      %dma_wait3A_112 = tpu.memref_slice %arg4[%arg0, %mul3A_100, %dma_wait3A] : memref<2x10000x16xf32, #tpu.memory_space<hbm>> -> memref<1x624x16xf32, #tpu.memory_space<hbm>>
      %dma_wait3A_113 = tpu.memref_squeeze %dma_wait3A_112 : memref<1x624x16xf32, #tpu.memory_space<hbm>> -> memref<624x16xf32, #tpu.memory_space<hbm>>
      %dma_wait3A_114 = arith.constant 0 : i32
      %dma_wait3A_115 = tpu.memref_slice %arg8[%mul3A_98, %dma_wait3A_114] : memref<10000x16xf32, #tpu.memory_space<vmem_shared>> -> memref<624x16xf32, #tpu.memory_space<vmem_shared>>
      tpu.wait_dma2 semaphore(%run_scoped3A_106 : memref<!tpu.dma_semaphore, #tpu.memory_space<semaphore_mem>>) src(%dma_wait3A_115 : memref<624x16xf32, #tpu.memory_space<vmem_shared>>) dst(%dma_wait3A_113 : memref<624x16xf32, #tpu.memory_space<hbm>>)
      tpu.yield
    }) : () -> ()
    %eq3A_101 = arith.constant 15 : i32
    %eq3A_102 = arith.cmpi eq, %arg1, %eq3A_101 : i32
    %convert_element_type3A_103 = arith.extui %eq3A_102 : i1 to i32
    %cond3A_104 = arith.constant 0 : i32
    %cond3A_105 = arith.cmpi ne, %convert_element_type3A_103, %cond3A_104 : i32
    scf.if %cond3A_105 {
      "tpu.region"() ({
        %run_scoped3A_106 = tpu.sem_alloc : memref<!tpu.dma_semaphore, #tpu.memory_space<semaphore_mem>>
        %dma_start3A_107 = arith.constant 9984 : i32
        %dma_start3A_108 = arith.constant 0 : i32
        %dma_start3A_109 = tpu.memref_slice %arg4[%arg0, %dma_start3A_107, %dma_start3A_108] : memref<2x10000x16xf32, #tpu.memory_space<hbm>> -> memref<1x16x16xf32, #tpu.memory_space<hbm>>
        %dma_start3A_110 = tpu.memref_squeeze %dma_start3A_109 : memref<1x16x16xf32, #tpu.memory_space<hbm>> -> memref<16x16xf32, #tpu.memory_space<hbm>>
        %dma_start3A_111 = arith.constant 9984 : i32
        %dma_start3A_112 = arith.constant 0 : i32
        %dma_start3A_113 = tpu.memref_slice %arg8[%dma_start3A_111, %dma_start3A_112] : memref<10000x16xf32, #tpu.memory_space<vmem_shared>> -> memref<16x16xf32, #tpu.memory_space<vmem_shared>>
        tpu.enqueue_dma source(%dma_start3A_113 : memref<16x16xf32, #tpu.memory_space<vmem_shared>>) target(%dma_start3A_110 : memref<16x16xf32, #tpu.memory_space<hbm>>) target_semaphore(%run_scoped3A_106 : memref<!tpu.dma_semaphore, #tpu.memory_space<semaphore_mem>>)
        %dma_wait3A = arith.constant 9984 : i32
        %dma_wait3A_114 = arith.constant 0 : i32
        %dma_wait3A_115 = tpu.memref_slice %arg4[%arg0, %dma_wait3A, %dma_wait3A_114] : memref<2x10000x16xf32, #tpu.memory_space<hbm>> -> memref<1x16x16xf32, #tpu.memory_space<hbm>>
        %dma_wait3A_116 = tpu.memref_squeeze %dma_wait3A_115 : memref<1x16x16xf32, #tpu.memory_space<hbm>> -> memref<16x16xf32, #tpu.memory_space<hbm>>
        %dma_wait3A_117 = arith.constant 9984 : i32
        %dma_wait3A_118 = arith.constant 0 : i32
        %dma_wait3A_119 = tpu.memref_slice %arg8[%dma_wait3A_117, %dma_wait3A_118] : memref<10000x16xf32, #tpu.memory_space<vmem_shared>> -> memref<16x16xf32, #tpu.memory_space<vmem_shared>>
        tpu.wait_dma2 semaphore(%run_scoped3A_106 : memref<!tpu.dma_semaphore, #tpu.memory_space<semaphore_mem>>) src(%dma_wait3A_119 : memref<16x16xf32, #tpu.memory_space<vmem_shared>>) dst(%dma_wait3A_116 : memref<16x16xf32, #tpu.memory_space<hbm>>)
        tpu.yield
      }) : () -> ()
    } else {
    }
    return
  }
}

#map = affine_map<(d0, d1) -> (0, 0, 0, 0)>
#map1 = affine_map<(d0, d1) -> (0, 0)>
#map2 = affine_map<(d0, d1) -> (0, 0, 0)>
module attributes {stable_mosaic.version = 14 : i64} {
  func.func @sc_degree(%arg0: i32, %arg1: i32, %arg2: memref<2x32x80x125xi32, #tpu.memory_space<hbm>>, %arg3: memref<10000x16xf32, #tpu.memory_space<hbm>>, %arg4: memref<2x10000x16xf32, #tpu.memory_space<hbm>>, %arg5: memref<80x125xi32, #tpu.memory_space<vmem>>, %arg6: memref<125x16xf32, #tpu.memory_space<vmem>>, %arg7: memref<10000x16xf32, #tpu.memory_space<vmem_shared>>) attributes {dimension_semantics = [#tpu.dimension_semantics<core_parallel>, #tpu.dimension_semantics<subcore_parallel>], iteration_bounds = array<i64: 2, 16>, scalar_prefetch = 0 : i64, scratch_operands = 3 : i64, tpu.core_type = #tpu.core_type<sc_vector_subcore>, window_params = [{transform_indices = #map}, {transform_indices = #map1}, {transform_indices = #map2}]} {
    %mul3A = arith.constant 2 : i32
    %mul3A_0 = arith.muli %arg1, %mul3A : i32
    %add3A = arith.addi %mul3A_0, %arg0 : i32
    %mul3A_1 = arith.constant 624 : i32
    %mul3A_2 = arith.muli %arg1, %mul3A_1 : i32
    %mul3A_3 = arith.constant 624 : i32
    %mul3A_4 = arith.muli %arg1, %mul3A_3 : i32
    "tpu.region"() ({
      %run_scoped3A_22 = tpu.sem_alloc : memref<!tpu.dma_semaphore, #tpu.memory_space<semaphore_mem>>
      %dma_start3A = arith.constant 0 : i32
      %dma_start3A_23 = tpu.memref_slice %arg7[%mul3A_4, %dma_start3A] : memref<10000x16xf32, #tpu.memory_space<vmem_shared>> -> memref<624x16xf32, #tpu.memory_space<vmem_shared>>
      %dma_start3A_24 = arith.constant 0 : i32
      %dma_start3A_25 = tpu.memref_slice %arg3[%mul3A_2, %dma_start3A_24] : memref<10000x16xf32, #tpu.memory_space<hbm>> -> memref<624x16xf32, #tpu.memory_space<hbm>>
      tpu.enqueue_dma source(%dma_start3A_25 : memref<624x16xf32, #tpu.memory_space<hbm>>) target(%dma_start3A_23 : memref<624x16xf32, #tpu.memory_space<vmem_shared>>) target_semaphore(%run_scoped3A_22 : memref<!tpu.dma_semaphore, #tpu.memory_space<semaphore_mem>>)
      %dma_wait3A = arith.constant 0 : i32
      %dma_wait3A_26 = tpu.memref_slice %arg7[%mul3A_4, %dma_wait3A] : memref<10000x16xf32, #tpu.memory_space<vmem_shared>> -> memref<624x16xf32, #tpu.memory_space<vmem_shared>>
      %dma_wait3A_27 = arith.constant 0 : i32
      %dma_wait3A_28 = tpu.memref_slice %arg3[%mul3A_2, %dma_wait3A_27] : memref<10000x16xf32, #tpu.memory_space<hbm>> -> memref<624x16xf32, #tpu.memory_space<hbm>>
      tpu.wait_dma2 semaphore(%run_scoped3A_22 : memref<!tpu.dma_semaphore, #tpu.memory_space<semaphore_mem>>) src(%dma_wait3A_28 : memref<624x16xf32, #tpu.memory_space<hbm>>) dst(%dma_wait3A_26 : memref<624x16xf32, #tpu.memory_space<vmem_shared>>)
      tpu.yield
    }) : () -> ()
    %eq3A = arith.constant 15 : i32
    %eq3A_5 = arith.cmpi eq, %arg1, %eq3A : i32
    %convert_element_type3A = arith.extui %eq3A_5 : i1 to i32
    %cond3A = arith.constant 0 : i32
    %cond3A_6 = arith.cmpi ne, %convert_element_type3A, %cond3A : i32
    scf.if %cond3A_6 {
      "tpu.region"() ({
        %run_scoped3A_22 = tpu.sem_alloc : memref<!tpu.dma_semaphore, #tpu.memory_space<semaphore_mem>>
        %dma_start3A = arith.constant 9984 : i32
        %dma_start3A_23 = arith.constant 0 : i32
        %dma_start3A_24 = tpu.memref_slice %arg7[%dma_start3A, %dma_start3A_23] : memref<10000x16xf32, #tpu.memory_space<vmem_shared>> -> memref<16x16xf32, #tpu.memory_space<vmem_shared>>
        %dma_start3A_25 = arith.constant 9984 : i32
        %dma_start3A_26 = arith.constant 0 : i32
        %dma_start3A_27 = tpu.memref_slice %arg3[%dma_start3A_25, %dma_start3A_26] : memref<10000x16xf32, #tpu.memory_space<hbm>> -> memref<16x16xf32, #tpu.memory_space<hbm>>
        tpu.enqueue_dma source(%dma_start3A_27 : memref<16x16xf32, #tpu.memory_space<hbm>>) target(%dma_start3A_24 : memref<16x16xf32, #tpu.memory_space<vmem_shared>>) target_semaphore(%run_scoped3A_22 : memref<!tpu.dma_semaphore, #tpu.memory_space<semaphore_mem>>)
        %dma_wait3A = arith.constant 9984 : i32
        %dma_wait3A_28 = arith.constant 0 : i32
        %dma_wait3A_29 = tpu.memref_slice %arg7[%dma_wait3A, %dma_wait3A_28] : memref<10000x16xf32, #tpu.memory_space<vmem_shared>> -> memref<16x16xf32, #tpu.memory_space<vmem_shared>>
        %dma_wait3A_30 = arith.constant 9984 : i32
        %dma_wait3A_31 = arith.constant 0 : i32
        %dma_wait3A_32 = tpu.memref_slice %arg3[%dma_wait3A_30, %dma_wait3A_31] : memref<10000x16xf32, #tpu.memory_space<hbm>> -> memref<16x16xf32, #tpu.memory_space<hbm>>
        tpu.wait_dma2 semaphore(%run_scoped3A_22 : memref<!tpu.dma_semaphore, #tpu.memory_space<semaphore_mem>>) src(%dma_wait3A_32 : memref<16x16xf32, #tpu.memory_space<hbm>>) dst(%dma_wait3A_29 : memref<16x16xf32, #tpu.memory_space<vmem_shared>>)
        tpu.yield
      }) : () -> ()
    } else {
    }
    "tpu.region"() ({
      %run_scoped3A_22 = tpu.sem_alloc : memref<!tpu.dma_semaphore, #tpu.memory_space<semaphore_mem>>
      %dma_start3A = arith.constant 0 : i32
      %dma_start3A_23 = arith.constant 0 : i32
      %dma_start3A_24 = tpu.memref_slice %arg3[%dma_start3A, %dma_start3A_23] : memref<10000x16xf32, #tpu.memory_space<hbm>> -> memref<125x16xf32, #tpu.memory_space<hbm>>
      %dma_start3A_25 = arith.constant 0 : i32
      %dma_start3A_26 = arith.constant 0 : i32
      %dma_start3A_27 = tpu.memref_slice %arg3[%dma_start3A_25, %dma_start3A_26] : memref<10000x16xf32, #tpu.memory_space<hbm>> -> memref<125x16xf32, #tpu.memory_space<hbm>>
      tpu.enqueue_dma source(%dma_start3A_27 : memref<125x16xf32, #tpu.memory_space<hbm>>) target(%arg6 : memref<125x16xf32, #tpu.memory_space<vmem>>) target_semaphore(%run_scoped3A_22 : memref<!tpu.dma_semaphore, #tpu.memory_space<semaphore_mem>>)
      %dma_wait3A = arith.constant 0 : i32
      %dma_wait3A_28 = arith.constant 0 : i32
      %dma_wait3A_29 = tpu.memref_slice %arg3[%dma_wait3A, %dma_wait3A_28] : memref<10000x16xf32, #tpu.memory_space<hbm>> -> memref<125x16xf32, #tpu.memory_space<hbm>>
      %dma_wait3A_30 = arith.constant 0 : i32
      %dma_wait3A_31 = arith.constant 0 : i32
      %dma_wait3A_32 = tpu.memref_slice %arg3[%dma_wait3A_30, %dma_wait3A_31] : memref<10000x16xf32, #tpu.memory_space<hbm>> -> memref<125x16xf32, #tpu.memory_space<hbm>>
      tpu.wait_dma2 semaphore(%run_scoped3A_22 : memref<!tpu.dma_semaphore, #tpu.memory_space<semaphore_mem>>) src(%dma_wait3A_32 : memref<125x16xf32, #tpu.memory_space<hbm>>) dst(%arg6 : memref<125x16xf32, #tpu.memory_space<vmem>>)
      tpu.yield
    }) : () -> ()
    %run_scoped3A = arith.constant 1 : i32
    "tpu.region"() ({
      %run_scoped3A_22 = tpu.sem_alloc : memref<!tpu.dma_semaphore, #tpu.memory_space<semaphore_mem>>
      %dma_start3A = arith.constant 0 : i32
      %dma_start3A_23 = arith.constant 0 : i32
      %dma_start3A_24 = tpu.memref_slice %arg2[%run_scoped3A, %add3A, %dma_start3A, %dma_start3A_23] : memref<2x32x80x125xi32, #tpu.memory_space<hbm>> -> memref<1x1x80x125xi32, #tpu.memory_space<hbm>>
      %dma_start3A_25 = tpu.memref_squeeze %dma_start3A_24 : memref<1x1x80x125xi32, #tpu.memory_space<hbm>> -> memref<80x125xi32, #tpu.memory_space<hbm>>
      %dma_start3A_26 = arith.constant 0 : i32
      %dma_start3A_27 = arith.constant 0 : i32
      %dma_start3A_28 = tpu.memref_slice %arg2[%run_scoped3A, %add3A, %dma_start3A_26, %dma_start3A_27] : memref<2x32x80x125xi32, #tpu.memory_space<hbm>> -> memref<1x1x80x125xi32, #tpu.memory_space<hbm>>
      %dma_start3A_29 = tpu.memref_squeeze %dma_start3A_28 : memref<1x1x80x125xi32, #tpu.memory_space<hbm>> -> memref<80x125xi32, #tpu.memory_space<hbm>>
      tpu.enqueue_dma source(%dma_start3A_29 : memref<80x125xi32, #tpu.memory_space<hbm>>) target(%arg5 : memref<80x125xi32, #tpu.memory_space<vmem>>) target_semaphore(%run_scoped3A_22 : memref<!tpu.dma_semaphore, #tpu.memory_space<semaphore_mem>>)
      %dma_wait3A = arith.constant 0 : i32
      %dma_wait3A_30 = arith.constant 0 : i32
      %dma_wait3A_31 = tpu.memref_slice %arg2[%run_scoped3A, %add3A, %dma_wait3A, %dma_wait3A_30] : memref<2x32x80x125xi32, #tpu.memory_space<hbm>> -> memref<1x1x80x125xi32, #tpu.memory_space<hbm>>
      %dma_wait3A_32 = tpu.memref_squeeze %dma_wait3A_31 : memref<1x1x80x125xi32, #tpu.memory_space<hbm>> -> memref<80x125xi32, #tpu.memory_space<hbm>>
      %dma_wait3A_33 = arith.constant 0 : i32
      %dma_wait3A_34 = arith.constant 0 : i32
      %dma_wait3A_35 = tpu.memref_slice %arg2[%run_scoped3A, %add3A, %dma_wait3A_33, %dma_wait3A_34] : memref<2x32x80x125xi32, #tpu.memory_space<hbm>> -> memref<1x1x80x125xi32, #tpu.memory_space<hbm>>
      %dma_wait3A_36 = tpu.memref_squeeze %dma_wait3A_35 : memref<1x1x80x125xi32, #tpu.memory_space<hbm>> -> memref<80x125xi32, #tpu.memory_space<hbm>>
      tpu.wait_dma2 semaphore(%run_scoped3A_22 : memref<!tpu.dma_semaphore, #tpu.memory_space<semaphore_mem>>) src(%dma_wait3A_36 : memref<80x125xi32, #tpu.memory_space<hbm>>) dst(%arg5 : memref<80x125xi32, #tpu.memory_space<vmem>>)
      tpu.yield
    }) : () -> ()
    %barrier3A = arith.constant 0 : index
    tpu.barrier barrier_id(%barrier3A)
    %scan3A = arith.constant 0 : i32
    %scan3A_7 = arith.constant 0 : i32
    %scan3A_8 = arith.constant 80 : i32
    %scan3A_9 = arith.addi %scan3A_7, %scan3A_8 : i32
    %scan3A_10 = arith.constant 1 : i32
    scf.for %scan3A_22 = %scan3A_7 to %scan3A_9 step %scan3A_10  : i32 {
      "tpu.region"() ({
        %run_scoped3A_23 = tpu.sem_alloc : memref<!tpu.dma_semaphore, #tpu.memory_space<semaphore_mem>>
        %dma_start3A = arith.constant 0 : i32
        %dma_start3A_24 = tpu.memref_slice %arg5[%scan3A_22, %dma_start3A] : memref<80x125xi32, #tpu.memory_space<vmem>> -> memref<1x125xi32, #tpu.memory_space<vmem>>
        %dma_start3A_25 = tpu.memref_squeeze %dma_start3A_24 : memref<1x125xi32, #tpu.memory_space<vmem>> -> memref<125xi32, #tpu.memory_space<vmem>>
        %dma_start3A_26 = arith.constant 0 : i32
        %dma_start3A_27 = arith.constant 0 : i32
        %dma_start3A_28 = tpu.memref_slice %arg7[%dma_start3A_26, %dma_start3A_27] : memref<10000x16xf32, #tpu.memory_space<vmem_shared>> -> memref<10000x16xf32, #tpu.memory_space<vmem_shared>>
        tpu.enqueue_indirect_dma source(%arg6 : memref<125x16xf32, #tpu.memory_space<vmem>>) target(%dma_start3A_28 : memref<10000x16xf32, #tpu.memory_space<vmem_shared>>) offsets(%dma_start3A_25 : memref<125xi32, #tpu.memory_space<vmem>>) semaphore(%run_scoped3A_23 : memref<!tpu.dma_semaphore, #tpu.memory_space<semaphore_mem>>) {add = true}
        %dma_wait3A = arith.constant 0 : i32
        %dma_wait3A_29 = tpu.memref_slice %arg5[%scan3A_22, %dma_wait3A] : memref<80x125xi32, #tpu.memory_space<vmem>> -> memref<1x125xi32, #tpu.memory_space<vmem>>
        %dma_wait3A_30 = tpu.memref_squeeze %dma_wait3A_29 : memref<1x125xi32, #tpu.memory_space<vmem>> -> memref<125xi32, #tpu.memory_space<vmem>>
        %dma_wait3A_31 = arith.constant 0 : i32
        %dma_wait3A_32 = arith.constant 0 : i32
        %dma_wait3A_33 = tpu.memref_slice %arg7[%dma_wait3A_31, %dma_wait3A_32] : memref<10000x16xf32, #tpu.memory_space<vmem_shared>> -> memref<10000x16xf32, #tpu.memory_space<vmem_shared>>
        tpu.wait_indirect_dma semaphore(%run_scoped3A_23 : memref<!tpu.dma_semaphore, #tpu.memory_space<semaphore_mem>>) src(%arg6 : memref<125x16xf32, #tpu.memory_space<vmem>>) dst(%dma_wait3A_33 : memref<10000x16xf32, #tpu.memory_space<vmem_shared>>)
        tpu.yield
      }) : () -> ()
    }
    %scan3A_11 = arith.constant 80 : i32
    %barrier3A_12 = arith.constant 0 : index
    tpu.barrier barrier_id(%barrier3A_12)
    %mul3A_13 = arith.constant 624 : i32
    %mul3A_14 = arith.muli %arg1, %mul3A_13 : i32
    %mul3A_15 = arith.constant 624 : i32
    %mul3A_16 = arith.muli %arg1, %mul3A_15 : i32
    "tpu.region"() ({
      %run_scoped3A_22 = tpu.sem_alloc : memref<!tpu.dma_semaphore, #tpu.memory_space<semaphore_mem>>
      %dma_start3A = arith.constant 0 : i32
      %dma_start3A_23 = tpu.memref_slice %arg4[%arg0, %mul3A_16, %dma_start3A] : memref<2x10000x16xf32, #tpu.memory_space<hbm>> -> memref<1x624x16xf32, #tpu.memory_space<hbm>>
      %dma_start3A_24 = tpu.memref_squeeze %dma_start3A_23 : memref<1x624x16xf32, #tpu.memory_space<hbm>> -> memref<624x16xf32, #tpu.memory_space<hbm>>
      %dma_start3A_25 = arith.constant 0 : i32
      %dma_start3A_26 = tpu.memref_slice %arg7[%mul3A_14, %dma_start3A_25] : memref<10000x16xf32, #tpu.memory_space<vmem_shared>> -> memref<624x16xf32, #tpu.memory_space<vmem_shared>>
      tpu.enqueue_dma source(%dma_start3A_26 : memref<624x16xf32, #tpu.memory_space<vmem_shared>>) target(%dma_start3A_24 : memref<624x16xf32, #tpu.memory_space<hbm>>) target_semaphore(%run_scoped3A_22 : memref<!tpu.dma_semaphore, #tpu.memory_space<semaphore_mem>>)
      %dma_wait3A = arith.constant 0 : i32
      %dma_wait3A_27 = tpu.memref_slice %arg4[%arg0, %mul3A_16, %dma_wait3A] : memref<2x10000x16xf32, #tpu.memory_space<hbm>> -> memref<1x624x16xf32, #tpu.memory_space<hbm>>
      %dma_wait3A_28 = tpu.memref_squeeze %dma_wait3A_27 : memref<1x624x16xf32, #tpu.memory_space<hbm>> -> memref<624x16xf32, #tpu.memory_space<hbm>>
      %dma_wait3A_29 = arith.constant 0 : i32
      %dma_wait3A_30 = tpu.memref_slice %arg7[%mul3A_14, %dma_wait3A_29] : memref<10000x16xf32, #tpu.memory_space<vmem_shared>> -> memref<624x16xf32, #tpu.memory_space<vmem_shared>>
      tpu.wait_dma2 semaphore(%run_scoped3A_22 : memref<!tpu.dma_semaphore, #tpu.memory_space<semaphore_mem>>) src(%dma_wait3A_30 : memref<624x16xf32, #tpu.memory_space<vmem_shared>>) dst(%dma_wait3A_28 : memref<624x16xf32, #tpu.memory_space<hbm>>)
      tpu.yield
    }) : () -> ()
    %eq3A_17 = arith.constant 15 : i32
    %eq3A_18 = arith.cmpi eq, %arg1, %eq3A_17 : i32
    %convert_element_type3A_19 = arith.extui %eq3A_18 : i1 to i32
    %cond3A_20 = arith.constant 0 : i32
    %cond3A_21 = arith.cmpi ne, %convert_element_type3A_19, %cond3A_20 : i32
    scf.if %cond3A_21 {
      "tpu.region"() ({
        %run_scoped3A_22 = tpu.sem_alloc : memref<!tpu.dma_semaphore, #tpu.memory_space<semaphore_mem>>
        %dma_start3A = arith.constant 9984 : i32
        %dma_start3A_23 = arith.constant 0 : i32
        %dma_start3A_24 = tpu.memref_slice %arg4[%arg0, %dma_start3A, %dma_start3A_23] : memref<2x10000x16xf32, #tpu.memory_space<hbm>> -> memref<1x16x16xf32, #tpu.memory_space<hbm>>
        %dma_start3A_25 = tpu.memref_squeeze %dma_start3A_24 : memref<1x16x16xf32, #tpu.memory_space<hbm>> -> memref<16x16xf32, #tpu.memory_space<hbm>>
        %dma_start3A_26 = arith.constant 9984 : i32
        %dma_start3A_27 = arith.constant 0 : i32
        %dma_start3A_28 = tpu.memref_slice %arg7[%dma_start3A_26, %dma_start3A_27] : memref<10000x16xf32, #tpu.memory_space<vmem_shared>> -> memref<16x16xf32, #tpu.memory_space<vmem_shared>>
        tpu.enqueue_dma source(%dma_start3A_28 : memref<16x16xf32, #tpu.memory_space<vmem_shared>>) target(%dma_start3A_25 : memref<16x16xf32, #tpu.memory_space<hbm>>) target_semaphore(%run_scoped3A_22 : memref<!tpu.dma_semaphore, #tpu.memory_space<semaphore_mem>>)
        %dma_wait3A = arith.constant 9984 : i32
        %dma_wait3A_29 = arith.constant 0 : i32
        %dma_wait3A_30 = tpu.memref_slice %arg4[%arg0, %dma_wait3A, %dma_wait3A_29] : memref<2x10000x16xf32, #tpu.memory_space<hbm>> -> memref<1x16x16xf32, #tpu.memory_space<hbm>>
        %dma_wait3A_31 = tpu.memref_squeeze %dma_wait3A_30 : memref<1x16x16xf32, #tpu.memory_space<hbm>> -> memref<16x16xf32, #tpu.memory_space<hbm>>
        %dma_wait3A_32 = arith.constant 9984 : i32
        %dma_wait3A_33 = arith.constant 0 : i32
        %dma_wait3A_34 = tpu.memref_slice %arg7[%dma_wait3A_32, %dma_wait3A_33] : memref<10000x16xf32, #tpu.memory_space<vmem_shared>> -> memref<16x16xf32, #tpu.memory_space<vmem_shared>>
        tpu.wait_dma2 semaphore(%run_scoped3A_22 : memref<!tpu.dma_semaphore, #tpu.memory_space<semaphore_mem>>) src(%dma_wait3A_34 : memref<16x16xf32, #tpu.memory_space<vmem_shared>>) dst(%dma_wait3A_31 : memref<16x16xf32, #tpu.memory_space<hbm>>)
        tpu.yield
      }) : () -> ()
    } else {
    }
    return
  }
}

module attributes {stable_mosaic.version = 14 : i64} {
  func.func @_tc1a_body(%arg0: memref<1250x8x128xf32, #tpu.memory_space<vmem>>, %arg1: memref<128x16xf32, #tpu.memory_space<vmem>>, %arg2: memref<1x128xf32, #tpu.memory_space<vmem>>, %arg3: memref<1250x128xf32, #tpu.memory_space<vmem>>) attributes {dimension_semantics = [], scalar_prefetch = 0 : i64, scratch_operands = 0 : i64, tpu.core_type = #tpu.core_type<tc>} {
    %get3A = arith.constant 0 : index
    %get3A_0 = arith.constant 0 : index
    %get3A_1 = vector.load %arg1[%get3A, %get3A_0] : memref<128x16xf32, #tpu.memory_space<vmem>>, vector<128x16xf32>
    %get3A_2 = arith.constant 0 : index
    %get3A_3 = arith.constant 0 : index
    %get3A_4 = arith.constant 0 : index
    %get3A_5 = vector.load %arg0[%get3A_2, %get3A_3, %get3A_4] : memref<1250x8x128xf32, #tpu.memory_space<vmem>>, vector<1250x1x128xf32>
    %get3A_6 = vector.shape_cast %get3A_5 : vector<1250x1x128xf32> to vector<1250x128xf32>
    %dot_general3A = arith.constant dense<0.000000e+00> : vector<1250x16xf32>
    %dot_general3A_7 = tpu.matmul %get3A_6, %get3A_1, %dot_general3A {dimension_numbers = #tpu.dot_dimension_numbers<[1], [0], [0], [1], [0, 0, 1, 1], [], []>, transpose_lhs_hint = false} : vector<1250x128xf32>, vector<128x16xf32>, vector<1250x16xf32> -> vector<1250x16xf32>
    %get3A_8 = arith.constant 0 : index
    %get3A_9 = arith.constant 1 : index
    %get3A_10 = arith.constant 0 : index
    %get3A_11 = vector.load %arg0[%get3A_8, %get3A_9, %get3A_10] : memref<1250x8x128xf32, #tpu.memory_space<vmem>>, vector<1250x1x128xf32>
    %get3A_12 = vector.shape_cast %get3A_11 : vector<1250x1x128xf32> to vector<1250x128xf32>
    %dot_general3A_13 = arith.constant dense<0.000000e+00> : vector<1250x16xf32>
    %dot_general3A_14 = tpu.matmul %get3A_12, %get3A_1, %dot_general3A_13 {dimension_numbers = #tpu.dot_dimension_numbers<[1], [0], [0], [1], [0, 0, 1, 1], [], []>, transpose_lhs_hint = false} : vector<1250x128xf32>, vector<128x16xf32>, vector<1250x16xf32> -> vector<1250x16xf32>
    %get3A_15 = arith.constant 0 : index
    %get3A_16 = arith.constant 2 : index
    %get3A_17 = arith.constant 0 : index
    %get3A_18 = vector.load %arg0[%get3A_15, %get3A_16, %get3A_17] : memref<1250x8x128xf32, #tpu.memory_space<vmem>>, vector<1250x1x128xf32>
    %get3A_19 = vector.shape_cast %get3A_18 : vector<1250x1x128xf32> to vector<1250x128xf32>
    %dot_general3A_20 = arith.constant dense<0.000000e+00> : vector<1250x16xf32>
    %dot_general3A_21 = tpu.matmul %get3A_19, %get3A_1, %dot_general3A_20 {dimension_numbers = #tpu.dot_dimension_numbers<[1], [0], [0], [1], [0, 0, 1, 1], [], []>, transpose_lhs_hint = false} : vector<1250x128xf32>, vector<128x16xf32>, vector<1250x16xf32> -> vector<1250x16xf32>
    %get3A_22 = arith.constant 0 : index
    %get3A_23 = arith.constant 3 : index
    %get3A_24 = arith.constant 0 : index
    %get3A_25 = vector.load %arg0[%get3A_22, %get3A_23, %get3A_24] : memref<1250x8x128xf32, #tpu.memory_space<vmem>>, vector<1250x1x128xf32>
    %get3A_26 = vector.shape_cast %get3A_25 : vector<1250x1x128xf32> to vector<1250x128xf32>
    %dot_general3A_27 = arith.constant dense<0.000000e+00> : vector<1250x16xf32>
    %dot_general3A_28 = tpu.matmul %get3A_26, %get3A_1, %dot_general3A_27 {dimension_numbers = #tpu.dot_dimension_numbers<[1], [0], [0], [1], [0, 0, 1, 1], [], []>, transpose_lhs_hint = false} : vector<1250x128xf32>, vector<128x16xf32>, vector<1250x16xf32> -> vector<1250x16xf32>
    %get3A_29 = arith.constant 0 : index
    %get3A_30 = arith.constant 4 : index
    %get3A_31 = arith.constant 0 : index
    %get3A_32 = vector.load %arg0[%get3A_29, %get3A_30, %get3A_31] : memref<1250x8x128xf32, #tpu.memory_space<vmem>>, vector<1250x1x128xf32>
    %get3A_33 = vector.shape_cast %get3A_32 : vector<1250x1x128xf32> to vector<1250x128xf32>
    %dot_general3A_34 = arith.constant dense<0.000000e+00> : vector<1250x16xf32>
    %dot_general3A_35 = tpu.matmul %get3A_33, %get3A_1, %dot_general3A_34 {dimension_numbers = #tpu.dot_dimension_numbers<[1], [0], [0], [1], [0, 0, 1, 1], [], []>, transpose_lhs_hint = false} : vector<1250x128xf32>, vector<128x16xf32>, vector<1250x16xf32> -> vector<1250x16xf32>
    %get3A_36 = arith.constant 0 : index
    %get3A_37 = arith.constant 5 : index
    %get3A_38 = arith.constant 0 : index
    %get3A_39 = vector.load %arg0[%get3A_36, %get3A_37, %get3A_38] : memref<1250x8x128xf32, #tpu.memory_space<vmem>>, vector<1250x1x128xf32>
    %get3A_40 = vector.shape_cast %get3A_39 : vector<1250x1x128xf32> to vector<1250x128xf32>
    %dot_general3A_41 = arith.constant dense<0.000000e+00> : vector<1250x16xf32>
    %dot_general3A_42 = tpu.matmul %get3A_40, %get3A_1, %dot_general3A_41 {dimension_numbers = #tpu.dot_dimension_numbers<[1], [0], [0], [1], [0, 0, 1, 1], [], []>, transpose_lhs_hint = false} : vector<1250x128xf32>, vector<128x16xf32>, vector<1250x16xf32> -> vector<1250x16xf32>
    %get3A_43 = arith.constant 0 : index
    %get3A_44 = arith.constant 6 : index
    %get3A_45 = arith.constant 0 : index
    %get3A_46 = vector.load %arg0[%get3A_43, %get3A_44, %get3A_45] : memref<1250x8x128xf32, #tpu.memory_space<vmem>>, vector<1250x1x128xf32>
    %get3A_47 = vector.shape_cast %get3A_46 : vector<1250x1x128xf32> to vector<1250x128xf32>
    %dot_general3A_48 = arith.constant dense<0.000000e+00> : vector<1250x16xf32>
    %dot_general3A_49 = tpu.matmul %get3A_47, %get3A_1, %dot_general3A_48 {dimension_numbers = #tpu.dot_dimension_numbers<[1], [0], [0], [1], [0, 0, 1, 1], [], []>, transpose_lhs_hint = false} : vector<1250x128xf32>, vector<128x16xf32>, vector<1250x16xf32> -> vector<1250x16xf32>
    %get3A_50 = arith.constant 0 : index
    %get3A_51 = arith.constant 7 : index
    %get3A_52 = arith.constant 0 : index
    %get3A_53 = vector.load %arg0[%get3A_50, %get3A_51, %get3A_52] : memref<1250x8x128xf32, #tpu.memory_space<vmem>>, vector<1250x1x128xf32>
    %get3A_54 = vector.shape_cast %get3A_53 : vector<1250x1x128xf32> to vector<1250x128xf32>
    %dot_general3A_55 = arith.constant dense<0.000000e+00> : vector<1250x16xf32>
    %dot_general3A_56 = tpu.matmul %get3A_54, %get3A_1, %dot_general3A_55 {dimension_numbers = #tpu.dot_dimension_numbers<[1], [0], [0], [1], [0, 0, 1, 1], [], []>, transpose_lhs_hint = false} : vector<1250x128xf32>, vector<128x16xf32>, vector<1250x16xf32> -> vector<1250x16xf32>
    %concatenate3A = tpu.concatenate %dot_general3A_7, %dot_general3A_14, %dot_general3A_21, %dot_general3A_28, %dot_general3A_35, %dot_general3A_42, %dot_general3A_49, %dot_general3A_56 in 1 : vector<1250x16xf32>, vector<1250x16xf32>, vector<1250x16xf32>, vector<1250x16xf32>, vector<1250x16xf32>, vector<1250x16xf32>, vector<1250x16xf32>, vector<1250x16xf32> -> vector<1250x128xf32>
    %get3A_57 = arith.constant 0 : index
    %get3A_58 = arith.constant 0 : index
    %get3A_59 = vector.load %arg2[%get3A_57, %get3A_58] : memref<1x128xf32, #tpu.memory_space<vmem>>, vector<1x128xf32>
    %add3A = vector.broadcast %get3A_59 : vector<1x128xf32> to vector<1250x128xf32>
    %add3A_60 = arith.addf %concatenate3A, %add3A : vector<1250x128xf32>
    %swap3A = arith.constant 0 : index
    %swap3A_61 = arith.constant 0 : index
    %swap3A_62 = vector.load %arg3[%swap3A, %swap3A_61] : memref<1250x128xf32, #tpu.memory_space<vmem>>, vector<1250x128xf32>
    tpu.vector_store %arg3[%swap3A, %swap3A_61], %add3A_60 {strides = array<i32>} : memref<1250x128xf32, #tpu.memory_space<vmem>>, vector<1250x128xf32>,
    return
  }
}

module attributes {stable_mosaic.version = 14 : i64} {
  func.func @_tc1b_body(%arg0: memref<2x1250x128xf32, #tpu.memory_space<vmem>>, %arg1: memref<1250x128xf32, #tpu.memory_space<vmem>>, %arg2: memref<1250x128xf32, #tpu.memory_space<vmem>>, %arg3: memref<1250x128xf32, #tpu.memory_space<vmem>>) attributes {dimension_semantics = [], scalar_prefetch = 0 : i64, scratch_operands = 0 : i64, tpu.core_type = #tpu.core_type<tc>} {
    %get3A = arith.constant 0 : index
    %get3A_0 = arith.constant 0 : index
    %get3A_1 = arith.constant 0 : index
    %get3A_2 = vector.load %arg0[%get3A, %get3A_0, %get3A_1] : memref<2x1250x128xf32, #tpu.memory_space<vmem>>, vector<1x1250x128xf32>
    %get3A_3 = vector.shape_cast %get3A_2 : vector<1x1250x128xf32> to vector<1250x128xf32>
    %get3A_4 = arith.constant 1 : index
    %get3A_5 = arith.constant 0 : index
    %get3A_6 = arith.constant 0 : index
    %get3A_7 = vector.load %arg0[%get3A_4, %get3A_5, %get3A_6] : memref<2x1250x128xf32, #tpu.memory_space<vmem>>, vector<1x1250x128xf32>
    %get3A_8 = vector.shape_cast %get3A_7 : vector<1x1250x128xf32> to vector<1250x128xf32>
    %add3A = arith.addf %get3A_3, %get3A_8 : vector<1250x128xf32>
    %sub3A = arith.constant 1.000000e+00 : f32
    %sub3A_9 = vector.broadcast %sub3A : f32 to vector<1250x128xf32>
    %sub3A_10 = arith.subf %add3A, %sub3A_9 : vector<1250x128xf32>
    %rsqrt3A = math.rsqrt %sub3A_10 : vector<1250x128xf32>
    %get3A_11 = arith.constant 0 : index
    %get3A_12 = arith.constant 0 : index
    %get3A_13 = vector.load %arg1[%get3A_11, %get3A_12] : memref<1250x128xf32, #tpu.memory_space<vmem>>, vector<1250x128xf32>
    %mul3A = arith.mulf %get3A_13, %rsqrt3A : vector<1250x128xf32>
    %swap3A = arith.constant 0 : index
    %swap3A_14 = arith.constant 0 : index
    %swap3A_15 = vector.load %arg2[%swap3A, %swap3A_14] : memref<1250x128xf32, #tpu.memory_space<vmem>>, vector<1250x128xf32>
    tpu.vector_store %arg2[%swap3A, %swap3A_14], %mul3A {strides = array<i32>} : memref<1250x128xf32, #tpu.memory_space<vmem>>, vector<1250x128xf32>,
    %swap3A_16 = arith.constant 0 : index
    %swap3A_17 = arith.constant 0 : index
    %swap3A_18 = vector.load %arg3[%swap3A_16, %swap3A_17] : memref<1250x128xf32, #tpu.memory_space<vmem>>, vector<1250x128xf32>
    tpu.vector_store %arg3[%swap3A_16, %swap3A_17], %rsqrt3A {strides = array<i32>} : memref<1250x128xf32, #tpu.memory_space<vmem>>, vector<1250x128xf32>,
    return
  }
}

module attributes {stable_mosaic.version = 14 : i64} {
  func.func @_tc2_body(%arg0: memref<2x1250x128xf32, #tpu.memory_space<vmem>>, %arg1: memref<1250x128xf32, #tpu.memory_space<vmem>>, %arg2: memref<1250x128xf32, #tpu.memory_space<vmem>>, %arg3: memref<128x128xf32, #tpu.memory_space<vmem>>, %arg4: memref<1x128xf32, #tpu.memory_space<vmem>>, %arg5: memref<1250x128xf32, #tpu.memory_space<vmem>>) attributes {dimension_semantics = [], scalar_prefetch = 0 : i64, scratch_operands = 0 : i64, tpu.core_type = #tpu.core_type<tc>} {
    %get3A = arith.constant 0 : index
    %get3A_0 = arith.constant 0 : index
    %get3A_1 = arith.constant 0 : index
    %get3A_2 = vector.load %arg0[%get3A, %get3A_0, %get3A_1] : memref<2x1250x128xf32, #tpu.memory_space<vmem>>, vector<1x1250x128xf32>
    %get3A_3 = vector.shape_cast %get3A_2 : vector<1x1250x128xf32> to vector<1250x128xf32>
    %get3A_4 = arith.constant 1 : index
    %get3A_5 = arith.constant 0 : index
    %get3A_6 = arith.constant 0 : index
    %get3A_7 = vector.load %arg0[%get3A_4, %get3A_5, %get3A_6] : memref<2x1250x128xf32, #tpu.memory_space<vmem>>, vector<1x1250x128xf32>
    %get3A_8 = vector.shape_cast %get3A_7 : vector<1x1250x128xf32> to vector<1250x128xf32>
    %add3A = arith.addf %get3A_3, %get3A_8 : vector<1250x128xf32>
    %get3A_9 = arith.constant 0 : index
    %get3A_10 = arith.constant 0 : index
    %get3A_11 = vector.load %arg1[%get3A_9, %get3A_10] : memref<1250x128xf32, #tpu.memory_space<vmem>>, vector<1250x128xf32>
    %sub3A = arith.subf %add3A, %get3A_11 : vector<1250x128xf32>
    %get3A_12 = arith.constant 0 : index
    %get3A_13 = arith.constant 0 : index
    %get3A_14 = vector.load %arg2[%get3A_12, %get3A_13] : memref<1250x128xf32, #tpu.memory_space<vmem>>, vector<1250x128xf32>
    %mul3A = arith.mulf %get3A_14, %sub3A : vector<1250x128xf32>
    %max3A = arith.constant 0.000000e+00 : f32
    %max3A_15 = vector.broadcast %max3A : f32 to vector<1250x128xf32>
    %max3A_16 = arith.maximumf %mul3A, %max3A_15 : vector<1250x128xf32>
    %get3A_17 = arith.constant 0 : index
    %get3A_18 = arith.constant 0 : index
    %get3A_19 = vector.load %arg3[%get3A_17, %get3A_18] : memref<128x128xf32, #tpu.memory_space<vmem>>, vector<128x128xf32>
    %dot_general3A = arith.constant dense<0.000000e+00> : vector<1250x128xf32>
    %dot_general3A_20 = tpu.matmul %max3A_16, %get3A_19, %dot_general3A {dimension_numbers = #tpu.dot_dimension_numbers<[1], [0], [0], [1], [0, 0, 1, 1], [], []>, transpose_lhs_hint = false} : vector<1250x128xf32>, vector<128x128xf32>, vector<1250x128xf32> -> vector<1250x128xf32>
    %get3A_21 = arith.constant 0 : index
    %get3A_22 = arith.constant 0 : index
    %get3A_23 = vector.load %arg4[%get3A_21, %get3A_22] : memref<1x128xf32, #tpu.memory_space<vmem>>, vector<1x128xf32>
    %add3A_24 = vector.broadcast %get3A_23 : vector<1x128xf32> to vector<1250x128xf32>
    %add3A_25 = arith.addf %dot_general3A_20, %add3A_24 : vector<1250x128xf32>
    %get3A_26 = arith.constant 0 : index
    %get3A_27 = arith.constant 0 : index
    %get3A_28 = vector.load %arg2[%get3A_26, %get3A_27] : memref<1250x128xf32, #tpu.memory_space<vmem>>, vector<1250x128xf32>
    %mul3A_29 = arith.mulf %add3A_25, %get3A_28 : vector<1250x128xf32>
    %swap3A = arith.constant 0 : index
    %swap3A_30 = arith.constant 0 : index
    %swap3A_31 = vector.load %arg5[%swap3A, %swap3A_30] : memref<1250x128xf32, #tpu.memory_space<vmem>>, vector<1250x128xf32>
    tpu.vector_store %arg5[%swap3A, %swap3A_30], %mul3A_29 {strides = array<i32>} : memref<1250x128xf32, #tpu.memory_space<vmem>>, vector<1250x128xf32>,
    return
  }
}

module attributes {stable_mosaic.version = 14 : i64} {
  func.func @_tc3_body(%arg0: memref<2x1250x128xf32, #tpu.memory_space<vmem>>, %arg1: memref<1250x128xf32, #tpu.memory_space<vmem>>, %arg2: memref<1250x128xf32, #tpu.memory_space<vmem>>, %arg3: memref<128x128xf32, #tpu.memory_space<vmem>>, %arg4: memref<1250x128xf32, #tpu.memory_space<vmem>>) attributes {dimension_semantics = [], scalar_prefetch = 0 : i64, scratch_operands = 0 : i64, tpu.core_type = #tpu.core_type<tc>} {
    %get3A = arith.constant 0 : index
    %get3A_0 = arith.constant 0 : index
    %get3A_1 = vector.load %arg2[%get3A, %get3A_0] : memref<1250x128xf32, #tpu.memory_space<vmem>>, vector<1250x128xf32>
    %get3A_2 = arith.constant 0 : index
    %get3A_3 = arith.constant 0 : index
    %get3A_4 = arith.constant 0 : index
    %get3A_5 = vector.load %arg0[%get3A_2, %get3A_3, %get3A_4] : memref<2x1250x128xf32, #tpu.memory_space<vmem>>, vector<1x1250x128xf32>
    %get3A_6 = vector.shape_cast %get3A_5 : vector<1x1250x128xf32> to vector<1250x128xf32>
    %get3A_7 = arith.constant 1 : index
    %get3A_8 = arith.constant 0 : index
    %get3A_9 = arith.constant 0 : index
    %get3A_10 = vector.load %arg0[%get3A_7, %get3A_8, %get3A_9] : memref<2x1250x128xf32, #tpu.memory_space<vmem>>, vector<1x1250x128xf32>
    %get3A_11 = vector.shape_cast %get3A_10 : vector<1x1250x128xf32> to vector<1250x128xf32>
    %add3A = arith.addf %get3A_6, %get3A_11 : vector<1250x128xf32>
    %get3A_12 = arith.constant 0 : index
    %get3A_13 = arith.constant 0 : index
    %get3A_14 = vector.load %arg1[%get3A_12, %get3A_13] : memref<1250x128xf32, #tpu.memory_space<vmem>>, vector<1250x128xf32>
    %sub3A = arith.subf %add3A, %get3A_14 : vector<1250x128xf32>
    %mul3A = arith.mulf %get3A_1, %sub3A : vector<1250x128xf32>
    %iota3A = tpu.iota {dimensions = array<i32: 1>} : vector<1250x128xi32>
    %jit3A = arith.constant 16 : i32
    %eq3A = arith.constant 0 : i32
    %eq3A_15 = arith.cmpi eq, %jit3A, %eq3A : i32
    %jit3A_16 = arith.constant 1 : i32
    %select_n3A = arith.select %eq3A_15, %jit3A_16, %jit3A : i32
    %rem3A = vector.broadcast %select_n3A : i32 to vector<1250x128xi32>
    %rem3A_17 = arith.remsi %iota3A, %rem3A : vector<1250x128xi32>
    %ne3A = arith.constant 0 : i32
    %ne3A_18 = vector.broadcast %ne3A : i32 to vector<1250x128xi32>
    %ne3A_19 = arith.cmpi ne, %rem3A_17, %ne3A_18 : vector<1250x128xi32>
    %lt3A = arith.constant 0 : i32
    %lt3A_20 = vector.broadcast %lt3A : i32 to vector<1250x128xi32>
    %lt3A_21 = arith.cmpi slt, %rem3A_17, %lt3A_20 : vector<1250x128xi32>
    %lt3A_22 = arith.constant 0 : i32
    %lt3A_23 = arith.cmpi slt, %select_n3A, %lt3A_22 : i32
    %ne3A_24 = vector.broadcast %lt3A_23 : i1 to vector<1250x128xi1>
    %ne3A_25 = vector.broadcast %ne3A_24 : vector<1250x128xi1> to vector<1250x128xi1>
    %ne3A_26 = arith.xori %lt3A_21, %ne3A_25 : vector<1250x128xi1>
    %and3A = arith.andi %ne3A_26, %ne3A_19 : vector<1250x128xi1>
    %add3A_27 = vector.broadcast %select_n3A : i32 to vector<1250x128xi32>
    %add3A_28 = arith.addi %rem3A_17, %add3A_27 : vector<1250x128xi32>
    %select_n3A_29 = arith.select %and3A, %add3A_28, %rem3A_17 : vector<1250x128xi1>, vector<1250x128xi32>
    %lt3A_30 = arith.constant 10 : i32
    %lt3A_31 = vector.broadcast %lt3A_30 : i32 to vector<1250x128xi32>
    %lt3A_32 = arith.cmpi slt, %select_n3A_29, %lt3A_31 : vector<1250x128xi32>
    %jit3A_33 = arith.constant 0.000000e+00 : f32
    %broadcast_in_dim3A = vector.broadcast %jit3A_33 : f32 to vector<1250x128xf32>
    %select_n3A_34 = arith.select %lt3A_32, %mul3A, %broadcast_in_dim3A : vector<1250x128xi1>, vector<1250x128xf32>
    %get3A_35 = arith.constant 0 : index
    %get3A_36 = arith.constant 0 : index
    %get3A_37 = vector.load %arg3[%get3A_35, %get3A_36] : memref<128x128xf32, #tpu.memory_space<vmem>>, vector<128x128xf32>
    %dot_general3A = arith.constant dense<0.000000e+00> : vector<1250x128xf32>
    %dot_general3A_38 = tpu.matmul %select_n3A_34, %get3A_37, %dot_general3A {dimension_numbers = #tpu.dot_dimension_numbers<[1], [0], [0], [1], [0, 0, 1, 1], [], []>, transpose_lhs_hint = false} : vector<1250x128xf32>, vector<128x128xf32>, vector<1250x128xf32> -> vector<1250x128xf32>
    %mul3A_39 = arith.constant 1.000000e-01 : f32
    %mul3A_40 = vector.broadcast %mul3A_39 : f32 to vector<1250x128xf32>
    %mul3A_41 = arith.mulf %dot_general3A_38, %mul3A_40 : vector<1250x128xf32>
    %sub3A_42 = arith.subf %mul3A, %mul3A_41 : vector<1250x128xf32>
    %exp3A = math.exp %sub3A_42 : vector<1250x128xf32>
    %jit3A_43 = arith.constant 0.000000e+00 : f32
    %broadcast_in_dim3A_44 = vector.broadcast %jit3A_43 : f32 to vector<1250x128xf32>
    %select_n3A_45 = arith.select %lt3A_32, %exp3A, %broadcast_in_dim3A_44 : vector<1250x128xi1>, vector<1250x128xf32>
    %dot_general3A_46 = arith.constant dense<0.000000e+00> : vector<1250x128xf32>
    %dot_general3A_47 = tpu.matmul %select_n3A_45, %get3A_37, %dot_general3A_46 {dimension_numbers = #tpu.dot_dimension_numbers<[1], [0], [0], [1], [0, 0, 1, 1], [], []>, transpose_lhs_hint = false} : vector<1250x128xf32>, vector<128x128xf32>, vector<1250x128xf32> -> vector<1250x128xf32>
    %div3A = arith.divf %select_n3A_45, %dot_general3A_47 : vector<1250x128xf32>
    %swap3A = arith.constant 0 : index
    %swap3A_48 = arith.constant 0 : index
    %swap3A_49 = vector.load %arg4[%swap3A, %swap3A_48] : memref<1250x128xf32, #tpu.memory_space<vmem>>, vector<1250x128xf32>
    tpu.vector_store %arg4[%swap3A, %swap3A_48], %div3A {strides = array<i32>} : memref<1250x128xf32, #tpu.memory_space<vmem>>, vector<1250x128xf32>,
    return
  }
}

</mosaic_0001>

<sc_bundles>
// kernel: kernel.12.cloned.1.call-start
scs
__scs_entry_jumppad:
0x0: {  	(pc) =	sbr.rel $0x88, $3  }
0x1: {  	(tag) =	ssettag $0x0;
	lr =	simm.s32 $0x1  }
0x2: {  	[smem:$0x3F9B] =	sst lr;
	_ =	strace $0xD0000000  }
0x3: {  	_ = 	snop  }
0x4: {  	_ = 	snop  }
0x5: {  	_ = 	snop  }
0x6: {  	_ = 	snop  }
0x7: {  	_ = 	snop  }
__scs_overlays_trampoline_lowered:
0x8: {  	[smem:$0x3FAA] =	sst s0  }
0x9: {  	[smem:$0x3FAB] =	sst s1  }
0xa: {  	[smem:$0x3FAC] =	sst s2  }
0xb: {  	[smem:$0x3FAD] =	sst s3  }
0xc: {  	[smem:$0x3FAE] =	sst s4  }
0xd: {  	[smem:$0x3FAF] =	sst s5  }
0xe: {  	[smem:$0x3FB0] =	sst s6  }
0xf: {  	[smem:$0x3FB1] =	sst s7  }
0x10: {  	[smem:$0x3FB2] =	sst s8  }
0x11: {  	[smem:$0x3FB3] =	sst s9;
	s0 =	simm.s32 @!p0 $0x0  }
0x12: {  	s1 =	sld [smem:$0x3F99];
	s0 =	simm.s32 @p0 $0x1  }
0x13: {  	[smem:$0x3FB4] =	sst s0;
	s0 =	simm.s32 @!p1 $0x0  }
0x14: {  	s2 =	sld [smem:$0x3F98];
	s0 =	simm.s32 @p1 $0x1  }
0x15: {  	[smem:$0x3FB5] =	sst s0;
	s0 =	simm.s32 @!p2 $0x0  }
0x16: {  	s3 =	sld [smem:$0x3FDB];
	s0 =	simm.s32 @p2 $0x1  }
0x17: {  	s4 =	simm.s32 $0x1BF5;
	[smem:$0x3FB7] =	sst s0  }
0x18: {  	s0 =	sld [smem:$0x3F9A];
	_ =	swait.ge [sflag:s4], $0x0  }
0x19: {  	s7 =	sld [smem:$0x3F9B]  }
0x1a: {  	s8 =	sadd.s32 $0xFFFFE003, lr  }
0x1b: {  	s9 =	sadd.s32 $0xFFFFFEF7, lr;
	s5 =	simm.s32 $0xFFFFFFFF;
	p2 =	slt.u32 s8, $0xFFFFF086  }
0x1c: {  	p1 =	slt.u32 s9, $0xF7A;
	s5 =	simm.s32 @!p2 $0x0  }
0x1d: {  	s5 =	simm.s32 @p1 $0x1;
	p0 =	seq.s32 s7, s2  }
0x1e: {  	s7 =	smul.u32 @!p0 $0xF7A, s2;
	p2 =	seq.s32 @!p0 s5, $0x0  }
0x1f: {  	s9 =	smul.u32 $0xF7A, s1;
	s8 =	simm.s32 @!p0 $0x1BF5;
	p2 =	por !p2, p0  }
0x20: {  	[sflag:s8] =	ssyncset.s32 @!p0 $0xFFFFF086;
	s6 =	sadd.s32 @!p0 s3, s7;
	s7 =	simm.s32 @!p0 $0x108  }
0x21: {  	s3 =	sadd.s32 s3, s9;
	s6 =	sadd.s32 @!p0 $0x88, s6;
	s7 =	simm.s32 @p2 $0x1082  }
0x22: {  	[simem:s7], [sflag:s8] =	dma.local @!p0 [hbm:s6], $0xF7A  }
0x23: {  	s9 =	sor.u32 $0xD0000000, s2;
	s6 =	simm.s32 $0x108;
	_ =	swait.ge @!p0 [sflag:s8], $0x0  }
0x24: {  	s3 =	sadd.s32 $0x88, s3;
	s6 =	simm.s32 @!p1 $0x1082;
	[sflag:s4] =	ssyncset.s32 $0xFFFFF086  }
0x25: {  	[simem:s6], [sflag:s4] =	dma.local [hbm:s3], $0xF7A  }
0x26: {  	[smem:$0x3F9B] =	sst s1;
	(tag) =	ssettag s2;
	_ =	strace s9  }
0x27: {  	s1 =	sld [smem:$0x3FAB]  }
0x28: {  	s2 =	sld [smem:$0x3FAC]  }
0x29: {  	s4 =	sld [smem:$0x3FAE]  }
0x2a: {  	p0 =	seq.s32 s5, $0x0;
	s5 =	sld [smem:$0x3FAF]  }
0x2b: {  	s6 =	sld [smem:$0x3FB0]  }
0x2c: {  	s7 =	sld [smem:$0x3FB1]  }
0x2d: {  	s3 =	simm.s32 $0x108;
	s8 =	sld [smem:$0x3FB2]  }
0x2e: {  	s3 =	simm.s32 @!p0 $0x1082;
	s9 =	sld [smem:$0x3FB3]  }
0x2f: {  	lr =	sadd.s32 s0, s3;
	s0 =	sld [smem:$0x3FAA]  }
0x30: {  	s3 =	sld [smem:$0x3FAD]  }
0x31: {  	[smem:$0x3FB6] =	sst s10  }
0x32: {  	s10 =	sld [smem:$0x3FB4];
	_ =	sdelay $0x3  }
0x33: {  	p0 =	seq.s32 s10, $0x1;
	s10 =	sld [smem:$0x3FB6];
	_ =	sdelay $0x3  }
0x34: {  	[smem:$0x3FB6] =	sst s10  }
0x35: {  	s10 =	sld [smem:$0x3FB5];
	_ =	sdelay $0x3  }
0x36: {  	p1 =	seq.s32 s10, $0x1;
	s10 =	sld [smem:$0x3FB6];
	_ =	sdelay $0x3  }
0x37: {  	[smem:$0x3FB6] =	sst s10  }
0x38: {  	s10 =	sld [smem:$0x3FB7]  }
0x39: {  	_ = 	snop;
	(pc) =	sbr.ind lr, $3  }
0x3a: {  	_ = 	snop  }
0x3b: {  	_ = 	snop  }
0x3c: {  	p2 =	seq.s32 s10, $0x1;
	s10 =	sld [smem:$0x3FB6]  }
0x3d: {  	_ =	shalt  }
0x3e: {  	_ =	shalt  }
0x3f: {  	_ =	shalt  }
0x40: {  	_ =	shalt  }
0x41: {  	_ =	shalt  }
0x42: {  	_ =	shalt  }
0x43: {  	_ =	shalt  }
0x44: {  	_ =	shalt  }
0x45: {  	_ =	shalt  }
0x46: {  	_ =	shalt  }
0x47: {  	_ =	shalt  }
0x48: {  	_ =	shalt  }
0x49: {  	_ =	shalt  }
0x4a: {  	_ =	shalt  }
0x4b: {  	_ =	shalt  }
0x4c: {  	_ =	shalt  }
0x4d: {  	_ =	shalt  }
0x4e: {  	_ =	shalt  }
0x4f: {  	_ =	shalt  }
0x50: {  	_ =	shalt  }
0x51: {  	_ =	shalt  }
0x52: {  	_ =	shalt  }
0x53: {  	_ =	shalt  }
0x54: {  	_ =	shalt  }
0x55: {  	_ =	shalt  }
0x56: {  	_ =	shalt  }
0x57: {  	_ =	shalt  }
0x58: {  	_ =	shalt  }
0x59: {  	_ =	shalt  }
0x5a: {  	_ =	shalt  }
0x5b: {  	_ =	shalt  }
0x5c: {  	_ =	shalt  }
0x5d: {  	_ =	shalt  }
0x5e: {  	_ =	shalt  }
0x5f: {  	_ =	shalt  }
0x60: {  	_ =	shalt  }
0x61: {  	_ =	shalt  }
0x62: {  	_ =	shalt  }
0x63: {  	_ =	shalt  }
0x64: {  	_ =	shalt  }
0x65: {  	_ =	shalt  }
0x66: {  	_ =	shalt  }
0x67: {  	_ =	shalt  }
0x68: {  	_ =	shalt  }
0x69: {  	_ =	shalt  }
0x6a: {  	_ =	shalt  }
0x6b: {  	_ =	shalt  }
0x6c: {  	_ =	shalt  }
0x6d: {  	_ =	shalt  }
0x6e: {  	_ =	shalt  }
0x6f: {  	_ =	shalt  }
0x70: {  	_ =	shalt  }
0x71: {  	_ =	shalt  }
0x72: {  	_ =	shalt  }
0x73: {  	_ =	shalt  }
0x74: {  	_ =	shalt  }
0x75: {  	_ =	shalt  }
0x76: {  	_ =	shalt  }
0x77: {  	_ =	shalt  }
0x78: {  	_ =	shalt  }
0x79: {  	_ =	shalt  }
0x7a: {  	_ =	shalt  }
0x7b: {  	_ =	shalt  }
0x7c: {  	_ =	shalt  }
0x7d: {  	_ =	shalt  }
0x7e: {  	_ =	shalt  }
0x7f: {  	_ =	shalt  }
0x80: {  	_ =	shalt  }
0x81: {  	_ =	shalt  }
0x82: {  	_ =	shalt  }
0x83: {  	_ =	shalt  }
0x84: {  	_ =	shalt  }
0x85: {  	_ =	shalt  }
0x86: {  	_ =	shalt  }
0x87: {  	_ =	shalt  }
.Lfunc_end0:
.L_simem_size_0:
called_computation.1_lowered:
.L_overlay_start_0:
0x88: {  	s2 =	sld [smem:$0x3FD9]  }
0x89: {  	s3 =	sld [smem:$0x3FFE];
	_ =	sdelay $0x1  }
0x8a: {  	s1 =	srdreg.scid  }
0x8b: {  	s0 =	sand.u32 $0x1, s1  }
0x8c: {  	s17 =	sshll.u32 s0, $0xA;
	s2 =	sadd.s32 s3, s2  }
0x8d: {  	s2 =	sadd.s32 s2, s17  }
0x8e: {  	[smem:$0x3FC2] =	sst s2  }
0x8f: {  	_ = 	snop  }
0x90: {  	s2 =	sld [smem:$0x3FD0];
	(tm) =	ssettm $0x1  }
0x91: {  	s18 =	sld [smem:$0x3FFB];
	_ =	sdelay $0x3  }
0x92: {  	_ =	strace s18  }
0x93: {  	s3 =	sld [smem:$0x3FFC];
	_ =	sdelay $0x3  }
0x94: {  	_ =	strace s3  }
0x95: {  	s3 =	sld [smem:$0x3FFD];
	_ =	sdelay $0x3  }
0x96: {  	_ =	strace s3  }
0x97: {  	_ =	strace $0x8FFFFFFF  }
0x98: {  	s19 =	sld [smem:$0x3FDB];
	_ =	sdelay $0x1  }
0x99: {  	s4 =	simm.s32 $_scs_section_size  }
0x9a: {  	s5 =	simm.s32 $_size__tile_overlayer_lowered;
	s6 =	simm.s32 $_tile_overlayer_lowered  }
0x9b: {  	s22 =	simm.s32 $0x1BFF;
	s21 =	sshll.u32 s6, $0x1;
	s3 =	sadd.s32 s4, s19  }
0x9c: {  	s7 =	simm.s32 $0x0;
	s20 =	sshll.u32 s5, $0x1;
	s5 =	sadd.s32 s21, s3  }
0x9d: {  	[timem:s7], [sflag:s22] =	dma.local [hbm:s5], s20  }
0x9e: {  	_ =	swait.ge [sflag:s22], s20  }
0x9f: {  	s4 =	ssub.s32 $0x0, s20;
	[sflag:s22] =	ssyncset.done $0x0  }
0xa0: {  	[sflag:s22] =	ssyncadd.s32 s4;
	_ =	sdelay $0x1  }
0xa1: {  	s23 =	simm.s32 $0x1B8B  }
0xa2: {  	_ =	swait.ge [sflag:s23], $0x1  }
0xa3: {  	[sflag:s23] =	ssyncset.done $0x0  }
0xa4: {  	s25 =	simm.s32 $0x1B8E;
	s24 =	sld [smem:$0x3FFE];
	[sflag:s23] =	ssyncadd.s32 $0xFFFFFFFF  }
0xa5: {  	s26 =	simm.s32 $execute0_lowered;
	[smem:$0x3FD2] =	sst s25  }
0xa6: {  	s5 =	sshll.u32 s26, $0x1;
	_ =	strace $0x80000049;
	[dreg:$0x1] =	wrdreg $0xFFFFFFFF  }
0xa7: {  	s28 =	simm.s32 $_size_execute0_lowered;
	s3 =	sadd.s32 s3, s5;
	[dreg:$0x0] =	wrdreg $0x0  }
0xa8: {  	s5 =	sshll.u32 s28, $0x1;
	[dreg:$0x2] =	wrdreg s3  }
0xa9: {  	[dreg:$0x3] =	wrdreg s5  }
0xaa: {  	[dreg:$0x4] =	wrdreg $0xC0  }
0xab: {  	_ =	task [dreg:s7], $0x5FFFF  }
0xac: {  	[dreg:$0x1] =	wrdreg $0xFFFFFFFF  }
0xad: {  	[dreg:$0x0] =	wrdreg $0x60  }
0xae: {  	[dreg:$0x2] =	wrdreg s2  }
0xaf: {  	[dreg:$0x3] =	wrdreg s24  }
0xb0: {  	[dreg:$0x4] =	wrdreg $0x8E800  }
0xb1: {  	[dreg:$0x5] =	wrdreg $0x9  }
0xb2: {  	_ =	task.clear_ibuf [dreg:s7], $0x6FFFF;
	_ =	strace $0x90000049  }
0xb3: {  	s29 =	simm.s32 $0x9;
	_ =	strace $0x8000004B  }
0xb4: {  	_ =	swait.ge [sflag:s29], $0x1  }
0xb5: {  	[sflag:s29] =	ssyncadd.s32 $0xFFFFFFFF  }
0xb6: {  	_ =	strace $0x9000004B  }
0xb7: {  	_ =	sfence  }
0xb8: {  	s30 =	sld [smem:$0x0];
	_ =	sdelay $0x2  }
0xb9: {  	s31 =	sshll.u32 s1, $0xD;
	s1 =	sshrl.u32 s1, $0x2  }
0xba: {  	s3 =	sand.u32 $0x4000, s31;
	s1 =	sadd.s32 s1, s30  }
0xbb: {  	s0 =	sor.u32 s3, s0;
	s1 =	sshll.u32 s1, $0x11  }
0xbc: {  	s0 =	sor.u32 s1, s0  }
0xbd: {  	s0 =	sadd.s32 $0x8F2B, s0  }
0xbe: {  	[sflag:s0] =	ssyncadd.remote.s32 $0x1  }
0xbf: {  	_ =	sfence.sel $0xFFFF  }
0xc0: {  	[dreg:$0x0] =	wrdreg $0xFFFFFFFF;
	(pc) =	sbr.abs _section_cstart, $3  }
0xc1: {  	[dreg:$0x1] =	wrdreg $0xFFFFFFFF  }
0xc2: {  	_ =	task.clear_ibuf [dreg:s7], $0x2FFFF;
	_ =	strace $0x9FFFFFFF  }
0xc3: {  	(tm) =	ssettm $0x7FFFFFFF  }
tec
execute0_lowered:
.L_overlay_start_1:
0x0: {  	(tag) =	ssettag $0x1  }
0x1: {  	s1 =	rddreg [dreg:$0x0]  }
0x2: {  	s0 =	srdreg.scid;
	s2 =	rddreg [dreg:$0x1]  }
0x3: {  	s10 =	stileid.u32;
	s3 =	rddreg [dreg:$0x2]  }
0x4: {  	s5 =	simm.s32 $0x0;
	s14 =	simm.s32 $0x9;
	s17 =	simm.s32 $0x7D  }
0x5: {  	s22 =	simm.s32 $0x5FA0;
	s31 =	simm.s32 $0x7EE0;
	s16 =	simm.s32 $0x2  }
0x6: {  	s19 =	simm.s32 $0x4;
	s20 =	simm.s32 $0x6;
	s21 =	simm.s32 $0x8  }
0x7: {  	s0 =	sand.u32 $0x1, s0;
	s4 =	sshll.u32 s10, $0x1;
	[smem:$0x7FF] =	sst s5  }
0x8: {  	s7 =	smul.u32 $0x2700, s10;
	s9 =	sshll.u32 s10, $0x6;
	s11 =	sadd.s32 $0x4E00, s1  }
0x9: {  	p0 =	sne.s32 s10, $0xF;
	s4 =	sor.u32 s0, s4;
	s26 =	ssub.s32 $0x2, s0  }
0xa: {  	_ =	strace $0x8000004A;
	s0 =	smul.u32 $0x27100, s0;
	[dreg:$0x6] =	wrdreg s11  }
0xb: {  	s11 =	simm.s32 $0x5000;
	s4 =	smul.u32 $0x2800, s4;
	s6 =	sshrl.u32 s26, $0x1  }
0xc: {  	s8 =	sadd.s32 s7, s3;
	s28 =	sshrl.u32 s7, $0x3;
	s5 =	ssub.s32 s26, s6  }
0xd: {  	s6 =	sadd.s32 s1, s28;
	s7 =	sadd.s32 s7, s0;
	s0 =	sshrl.u32 s0, $0x3  }
0xe: {  	s4 =	sshrl.u32 s4, $0x3;
	[dreg:$0x4] =	wrdreg s6;
	s30 =	smax.u32 s5, $0x1  }
0xf: {  	s6 =	sor.u32 $0x1C09, s9;
	s4 =	sadd.s32 s4, s2;
	[dreg:$0xb] =	wrdreg s30  }
0x10: {  	s7 =	sshrl.u32 s7, $0x3;
	[dreg:$0x5] =	wrdreg s6;
	s29 =	sadd.s32 $0x2200, s4  }
0x11: {  	s2 =	sadd.s32 $0x16200, s2;
	s4 =	sadd.s32 $0xC200, s4;
	[dreg:$0x7] =	wrdreg s29  }
0x12: {  	s0 =	sadd.s32 s2, s0;
	s2 =	sadd.s32 s2, s7;
	[dreg:$0x8] =	wrdreg s4  }
0x13: {  	s9 =	sadd.s32 $0x27000, s3;
	s7 =	sshrl.u32 s8, $0x3;
	[dreg:$0x9] =	wrdreg s2  }
0x14: {  	s26 =	simm.s32 $0x6F40;
	s8 =	sshrl.u32 @!p0 s9, $0x3;
	[dreg:$0xc] =	wrdreg s7  }
0x15: {  	s9 =	simm.s32 $0x0;
	s0 =	sadd.s32 $0x4E00, s0;
	[dreg:$0xd] =	wrdreg s8  }
0x16: {  	s2 =	simm.s32 $0x1;
	[dreg:$0xa] =	wrdreg s0;
	s0 =	simm.s32 $0x86B0  }
.LBB2_1:
0x17: {  	[dreg:$0xe] =	wrdreg s9  }
0x18: {  	s4 =	rddreg [dreg:$0x4]  }
0x19: {  	[spmem:s7], [sflag:s6] =	dma.local [hbm:s4], $0x4E0  }
0x1a: {  	_ =	swait.ge [sflag:s14], $0x4E0  }
0x1b: {  	[sflag:s14] =	ssyncset.done $0x0  }
0x1c: {  	s4 =	rddreg [dreg:$0x6];
	[sflag:s14] =	ssyncadd.s32 $0xFFFFFB20  }
0x1d: {  	[spmem:s8], [sflag:s6] =	dma.local @!p0 [hbm:s4], $0x20  }
0x1e: {  	s4 =	simm.s32 @!p0 $0x9  }
0x1f: {  	_ =	swait.ge @!p0 [sflag:s4], $0x20  }
0x20: {  	[sflag:s4] =	ssyncset.done @!p0 $0x0  }
0x21: {  	s28 =	simm.s32 $0x0;
	s5 =	rddreg [dreg:$0x7];
	[sflag:s4] =	ssyncadd.s32 @!p0 $0xFFFFFFE0  }
0x22: {  	[tilespmem:s28], [sflag:$0x9] =	stream.linear.gather [hbm4b:s5+s28], $0x2800, $0x38;
	[tilespmem:$0xB590] =	vst v63  }
0x23: {  	_ =	swait.ge [sflag:s14], $0x2800  }
0x24: {  	[sflag:s14] =	ssyncset.done $0x0  }
0x25: {  	s30 =	simm.s32 $0x2800;
	s29 =	rddreg [dreg:$0x8];
	[sflag:s14] =	ssyncadd.s32 $0xFFFFD800  }
0x26: {  	[tilespmem:s30], [sflag:$0x9] =	stream.linear.gather [hbm4b:s29+s28], $0x2800, $0x38;
	[tilespmem:$0xB590] =	vst v63  }
0x27: {  	_ =	swait.ge [sflag:s14], $0x2800  }
0x28: {  	[sflag:s14] =	ssyncset.done $0x0  }
0x29: {  	[sflag:s14] =	ssyncadd.s32 $0xFFFFD800  }
0x2a: {  	[bflag:$0x0] =	sbarrier.arrive $0xFFFF  }
0x2b: {  	[tilespmem:s11], [sflag:$0x1] =	stream.indirect.gather [hbm4b:s1+s17], $0x10, s28, s17, $0xb8;
	[tilespmem:$0xB590] =	vst v63  }
0x2c: {  	s7 =	simm.s32 $0x57D0;
	s6 =	simm.s32 $0x80  }
0x2d: {  	[tilespmem:s7], [sflag:$0x2] =	stream.indirect.gather [hbm4b:s1+s17], $0x10, s6, s17, $0xb8;
	[tilespmem:$0xB590] =	vst v63  }
0x2e: {  	s8 =	simm.s32 $0x100  }
0x2f: {  	[tilespmem:s22], [sflag:$0x3] =	stream.indirect.gather [hbm4b:s1+s17], $0x10, s8, s17, $0xb8;
	[tilespmem:$0xB590] =	vst v63  }
0x30: {  	s9 =	simm.s32 $0x180;
	s10 =	simm.s32 $0x6770  }
0x31: {  	[tilespmem:s10], [sflag:$0x4] =	stream.indirect.gather [hbm4b:s1+s17], $0x10, s9, s17, $0xb8;
	[tilespmem:$0xB590] =	vst v63  }
0x32: {  	s12 =	simm.s32 $0x200  }
0x33: {  	[tilespmem:s26], [sflag:$0x5] =	stream.indirect.gather [hbm4b:s1+s17], $0x10, s12, s17, $0xb8;
	[tilespmem:$0xB590] =	vst v63  }
0x34: {  	s13 =	simm.s32 $0x280;
	s15 =	simm.s32 $0x7710  }
0x35: {  	[tilespmem:s15], [sflag:$0x6] =	stream.indirect.gather [hbm4b:s1+s17], $0x10, s13, s17, $0xb8;
	[tilespmem:$0xB590] =	vst v63  }
0x36: {  	s18 =	simm.s32 $0x300  }
0x37: {  	[tilespmem:s31], [sflag:$0x7] =	stream.indirect.gather [hbm4b:s1+s17], $0x10, s18, s17, $0xb8;
	[tilespmem:$0xB590] =	vst v63  }
0x38: {  	_ =	swait.ge [sflag:s2], $0x7D0  }
0x39: {  	[sflag:s2] =	ssyncset.done $0x0  }
0x3a: {  	s23 =	simm.s32 $0x380;
	[sflag:s2] =	ssyncadd.s32 $0xFFFFF830  }
0x3b: {  	[tilespmem:s0], [sflag:$0x8] =	stream.indirect.gather [hbm4b:s1+s17], $0x10, s23, s17, $0xb8;
	[tilespmem:$0xB590] =	vst v63  }
0x3c: {  	s24 =	simm.s32 $0x2800  }
0x3d: {  	[spmem:s3] =	stream.indirect.scatter.add.f32 [tilespmem:s11], [sflag:$0x9], $0x10, s24, s17, $0xb8;
	[tilespmem:$0xB590] =	vst v63  }
0x3e: {  	_ =	swait.ge [sflag:s14], $0x7D0  }
0x3f: {  	[sflag:s14] =	ssyncset.done $0x0  }
0x40: {  	[sflag:s14] =	ssyncadd.s32 $0xFFFFF830  }
0x41: {  	p1 =	por $0x0, $0x0;
	_ =	swait.ge [sflag:s16], $0x7D0  }
0x42: {  	s4 =	simm.s32 @p1 $0x7D;
	[sflag:s16] =	ssyncset.done $0x0  }
0x43: {  	s5 =	simm.s32 @p1 $0x2880;
	s7 =	simm.s32 @p1 $0x57D0;
	[sflag:s16] =	ssyncadd.s32 $0xFFFFF830  }
0x44: {  	[spmem:s3] =	stream.indirect.scatter.add.f32 @p1 [tilespmem:s7], [sflag:$0x9], $0x10, s5, s4, $0xb8;
	[tilespmem:$0xB590] =	vst v63  }
0x45: {  	s7 =	simm.s32 @p1 $0x9  }
0x46: {  	_ =	swait.ge @p1 [sflag:s7], $0x7D0  }
0x47: {  	[sflag:s7] =	ssyncset.done @p1 $0x0  }
0x48: {  	s8 =	simm.s32 @p1 $0x3;
	[sflag:s7] =	ssyncadd.s32 @p1 $0xFFFFF830  }
0x49: {  	_ =	swait.ge @p1 [sflag:s8], $0x7D0  }
0x4a: {  	s9 =	simm.s32 @!p1 $0x400;
	[sflag:s8] =	ssyncset.done @p1 $0x0  }
0x4b: {  	s10 =	simm.s32 @!p1 $0x5000;
	s5 =	simm.s32 @!p1 $0x7D;
	[sflag:s8] =	ssyncadd.s32 @p1 $0xFFFFF830  }
0x4c: {  	[tilespmem:s10], [sflag:$0x1] =	stream.indirect.gather @!p1 [hbm4b:s1+s5], $0x10, s9, s5, $0xb8;
	[tilespmem:$0xB590] =	vst v63  }
0x4d: {  	s8 =	simm.s32 @!p1 $0x9;
	s9 =	simm.s32 @!p1 $0x2880;
	s10 =	simm.s32 @!p1 $0x57D0  }
0x4e: {  	[spmem:s3] =	stream.indirect.scatter.add.f32 @!p1 [tilespmem:s10], [sflag:$0x9], $0x10, s9, s5, $0xb8;
	[tilespmem:$0xB590] =	vst v63  }
0x4f: {  	_ =	swait.ge @!p1 [sflag:s8], $0x7D0  }
0x50: {  	[sflag:s8] =	ssyncset.done @!p1 $0x0  }
0x51: {  	s9 =	simm.s32 @!p1 $0x3;
	[sflag:s8] =	ssyncadd.s32 @!p1 $0xFFFFF830  }
0x52: {  	_ =	swait.ge @!p1 [sflag:s9], $0x7D0  }
0x53: {  	[sflag:s9] =	ssyncset.done @!p1 $0x0  }
0x54: {  	[sflag:s9] =	ssyncadd.s32 @!p1 $0xFFFFF830;
	s9 =	simm.s32 @!p1 $0x480  }
0x55: {  	[tilespmem:s10], [sflag:$0x2] =	stream.indirect.gather @!p1 [hbm4b:s1+s5], $0x10, s9, s5, $0xb8;
	[tilespmem:$0xB590] =	vst v63  }
0x56: {  	s25 =	simm.s32 $0x2900  }
0x57: {  	[spmem:s3] =	stream.indirect.scatter.add.f32 [tilespmem:s22], [sflag:$0x9], $0x10, s25, s17, $0xb8;
	[tilespmem:$0xB590] =	vst v63  }
0x58: {  	_ =	swait.ge [sflag:s14], $0x7D0  }
0x59: {  	[sflag:s14] =	ssyncset.done $0x0  }
0x5a: {  	[sflag:s14] =	ssyncadd.s32 $0xFFFFF830  }
0x5b: {  	_ =	swait.ge [sflag:s19], $0x7D0  }
0x5c: {  	[sflag:s19] =	ssyncset.done $0x0  }
0x5d: {  	s9 =	simm.s32 @p1 $0x2980;
	s10 =	simm.s32 @p1 $0x6770;
	[sflag:s19] =	ssyncadd.s32 $0xFFFFF830  }
0x5e: {  	[spmem:s3] =	stream.indirect.scatter.add.f32 @p1 [tilespmem:s10], [sflag:$0x9], $0x10, s9, s4, $0xb8;
	[tilespmem:$0xB590] =	vst v63  }
0x5f: {  	_ =	swait.ge @p1 [sflag:s7], $0x7D0  }
0x60: {  	[sflag:s7] =	ssyncset.done @p1 $0x0  }
0x61: {  	s9 =	simm.s32 @p1 $0x5;
	[sflag:s7] =	ssyncadd.s32 @p1 $0xFFFFF830  }
0x62: {  	_ =	swait.ge @p1 [sflag:s9], $0x7D0  }
0x63: {  	[sflag:s9] =	ssyncset.done @p1 $0x0  }
0x64: {  	s10 =	simm.s32 @!p1 $0x500;
	[sflag:s9] =	ssyncadd.s32 @p1 $0xFFFFF830;
	s9 =	simm.s32 @!p1 $0x5FA0  }
0x65: {  	[tilespmem:s9], [sflag:$0x3] =	stream.indirect.gather @!p1 [hbm4b:s1+s5], $0x10, s10, s5, $0xb8;
	[tilespmem:$0xB590] =	vst v63  }
0x66: {  	s9 =	simm.s32 @!p1 $0x2980;
	s10 =	simm.s32 @!p1 $0x6770  }
0x67: {  	[spmem:s3] =	stream.indirect.scatter.add.f32 @!p1 [tilespmem:s10], [sflag:$0x9], $0x10, s9, s5, $0xb8;
	[tilespmem:$0xB590] =	vst v63  }
0x68: {  	_ =	swait.ge @!p1 [sflag:s8], $0x7D0  }
0x69: {  	[sflag:s8] =	ssyncset.done @!p1 $0x0  }
0x6a: {  	s9 =	simm.s32 @!p1 $0x5;
	[sflag:s8] =	ssyncadd.s32 @!p1 $0xFFFFF830  }
0x6b: {  	_ =	swait.ge @!p1 [sflag:s9], $0x7D0  }
0x6c: {  	[sflag:s9] =	ssyncset.done @!p1 $0x0  }
0x6d: {  	[sflag:s9] =	ssyncadd.s32 @!p1 $0xFFFFF830;
	s9 =	simm.s32 @!p1 $0x580  }
0x6e: {  	[tilespmem:s10], [sflag:$0x4] =	stream.indirect.gather @!p1 [hbm4b:s1+s5], $0x10, s9, s5, $0xb8;
	[tilespmem:$0xB590] =	vst v63  }
0x6f: {  	s28 =	simm.s32 $0x2A00  }
0x70: {  	[spmem:s3] =	stream.indirect.scatter.add.f32 [tilespmem:s26], [sflag:$0x9], $0x10, s28, s17, $0xb8;
	[tilespmem:$0xB590] =	vst v63  }
0x71: {  	_ =	swait.ge [sflag:s14], $0x7D0  }
0x72: {  	[sflag:s14] =	ssyncset.done $0x0  }
0x73: {  	[sflag:s14] =	ssyncadd.s32 $0xFFFFF830  }
0x74: {  	_ =	swait.ge [sflag:s20], $0x7D0  }
0x75: {  	[sflag:s20] =	ssyncset.done $0x0  }
0x76: {  	s9 =	simm.s32 @p1 $0x2A80;
	s10 =	simm.s32 @p1 $0x7710;
	[sflag:s20] =	ssyncadd.s32 $0xFFFFF830  }
0x77: {  	[spmem:s3] =	stream.indirect.scatter.add.f32 @p1 [tilespmem:s10], [sflag:$0x9], $0x10, s9, s4, $0xb8;
	[tilespmem:$0xB590] =	vst v63  }
0x78: {  	_ =	swait.ge @p1 [sflag:s7], $0x7D0  }
0x79: {  	[sflag:s7] =	ssyncset.done @p1 $0x0  }
0x7a: {  	s4 =	simm.s32 @p1 $0x7;
	[sflag:s7] =	ssyncadd.s32 @p1 $0xFFFFF830  }
0x7b: {  	_ =	swait.ge @p1 [sflag:s4], $0x7D0  }
0x7c: {  	[sflag:s4] =	ssyncset.done @p1 $0x0  }
0x7d: {  	s7 =	simm.s32 @!p1 $0x600;
	[sflag:s4] =	ssyncadd.s32 @p1 $0xFFFFF830;
	s4 =	simm.s32 @!p1 $0x6F40  }
0x7e: {  	[tilespmem:s4], [sflag:$0x5] =	stream.indirect.gather @!p1 [hbm4b:s1+s5], $0x10, s7, s5, $0xb8;
	[tilespmem:$0xB590] =	vst v63  }
0x7f: {  	s4 =	simm.s32 @!p1 $0x2A80;
	s7 =	simm.s32 @!p1 $0x7710  }
0x80: {  	[spmem:s3] =	stream.indirect.scatter.add.f32 @!p1 [tilespmem:s7], [sflag:$0x9], $0x10, s4, s5, $0xb8;
	[tilespmem:$0xB590] =	vst v63  }
0x81: {  	_ =	swait.ge @!p1 [sflag:s8], $0x7D0  }
0x82: {  	[sflag:s8] =	ssyncset.done @!p1 $0x0  }
0x83: {  	s4 =	simm.s32 @!p1 $0x7;
	[sflag:s8] =	ssyncadd.s32 @!p1 $0xFFFFF830  }
0x84: {  	_ =	swait.ge @!p1 [sflag:s4], $0x7D0  }
0x85: {  	[sflag:s4] =	ssyncset.done @!p1 $0x0  }
0x86: {  	[sflag:s4] =	ssyncadd.s32 @!p1 $0xFFFFF830;
	s4 =	simm.s32 @!p1 $0x680  }
0x87: {  	[tilespmem:s7], [sflag:$0x6] =	stream.indirect.gather @!p1 [hbm4b:s1+s5], $0x10, s4, s5, $0xb8;
	[tilespmem:$0xB590] =	vst v63  }
0x88: {  	s29 =	simm.s32 $0x2B00  }
0x89: {  	[spmem:s3] =	stream.indirect.scatter.add.f32 [tilespmem:s31], [sflag:$0x9], $0x10, s29, s17, $0xb8;
	[tilespmem:$0xB590] =	vst v63  }
0x8a: {  	_ =	swait.ge [sflag:s14], $0x7D0  }
0x8b: {  	[sflag:s14] =	ssyncset.done $0x0  }
0x8c: {  	[sflag:s14] =	ssyncadd.s32 $0xFFFFF830  }
0x8d: {  	_ =	swait.ge [sflag:s21], $0x7D0  }
0x8e: {  	[sflag:s21] =	ssyncset.done $0x0  }
0x8f: {  	s4 =	simm.s32 @!p1 $0x700;
	s7 =	simm.s32 @!p1 $0x7EE0;
	[sflag:s21] =	ssyncadd.s32 $0xFFFFF830  }
0x90: {  	[tilespmem:s7], [sflag:$0x7] =	stream.indirect.gather @!p1 [hbm4b:s1+s5], $0x10, s4, s5, $0xb8;
	[tilespmem:$0xB590] =	vst v63  }
0x91: {  	s30 =	simm.s32 $0x2B80  }
0x92: {  	[spmem:s3] =	stream.indirect.scatter.add.f32 [tilespmem:s0], [sflag:$0x9], $0x10, s30, s17, $0xb8;
	[tilespmem:$0xB590] =	vst v63  }
0x93: {  	s24 =	simm.s32 $0x1000;
	_ =	swait.ge [sflag:s14], $0x7D0  }
.LBB2_2:
0x94: {  	[sflag:s14] =	ssyncset.done $0x0;
	s4 =	smov.u32 s24;
	s24 =	sadd.s32 $0x1000, s24  }
0x95: {  	p1 =	sne.s32 s24, $0xA000;
	[sflag:s14] =	ssyncadd.s32 $0xFFFFF830  }
0x96: {  	_ =	swait.ge [sflag:s2], $0x7D0  }
0x97: {  	s25 =	sshra.s32 s4, $0x2;
	[sflag:s2] =	ssyncset.done $0x0  }
0x98: {  	s5 =	sadd.s32 $0x380, s25;
	[sflag:s2] =	ssyncadd.s32 $0xFFFFF830  }
0x99: {  	[tilespmem:s0], [sflag:$0x8] =	stream.indirect.gather [hbm4b:s1+s17], $0x10, s5, s17, $0xb8;
	[tilespmem:$0xB590] =	vst v63  }
0x9a: {  	s5 =	sadd.s32 $0x2800, s25  }
0x9b: {  	[spmem:s3] =	stream.indirect.scatter.add.f32 [tilespmem:s11], [sflag:$0x9], $0x10, s5, s17, $0xb8;
	[tilespmem:$0xB590] =	vst v63  }
0x9c: {  	_ =	swait.ge [sflag:s14], $0x7D0  }
0x9d: {  	[sflag:s14] =	ssyncset.done $0x0  }
0x9e: {  	[sflag:s14] =	ssyncadd.s32 $0xFFFFF830  }
0x9f: {  	p2 =	seq.s32 s4, $0x9000;
	_ =	swait.ge [sflag:s16], $0x7D0  }
0xa0: {  	s7 =	sshra.s32 @p2 s4, $0x2;
	s30 =	simm.s32 @p2 $0x7D;
	[sflag:s16] =	ssyncset.done $0x0  }
0xa1: {  	s8 =	simm.s32 @p2 $0x57D0;
	s5 =	sadd.s32 @p2 $0x2880, s7;
	[sflag:s16] =	ssyncadd.s32 $0xFFFFF830  }
0xa2: {  	[spmem:s3] =	stream.indirect.scatter.add.f32 @p2 [tilespmem:s8], [sflag:$0x9], $0x10, s5, s30, $0xb8;
	[tilespmem:$0xB590] =	vst v63  }
0xa3: {  	s29 =	sshra.s32 @!p2 s4, $0x2;
	s15 =	sadd.s32 @p2 $0x2980, s7;
	s5 =	simm.s32 @p2 $0x9  }
0xa4: {  	s6 =	sadd.s32 @!p2 $0x2880, s29;
	s8 =	sadd.s32 @!p2 $0x400, s29;
	_ =	swait.ge @p2 [sflag:s5], $0x7D0  }
0xa5: {  	s9 =	simm.s32 @p2 $0x3;
	s23 =	sadd.s32 @!p2 $0x480, s29;
	[sflag:s5] =	ssyncset.done @p2 $0x0  }
0xa6: {  	s13 =	sadd.s32 @!p2 $0x500, s29;
	s4 =	sadd.s32 @!p2 $0x2980, s29;
	[sflag:s5] =	ssyncadd.s32 @p2 $0xFFFFF830  }
0xa7: {  	s12 =	sadd.s32 @!p2 $0x580, s29;
	s11 =	sadd.s32 @p2 $0x2A80, s7;
	_ =	swait.ge @p2 [sflag:s9], $0x7D0  }
0xa8: {  	s28 =	simm.s32 @!p2 $0x7D;
	s7 =	simm.s32 @!p2 $0x5000;
	[sflag:s9] =	ssyncset.done @p2 $0x0  }
0xa9: {  	s18 =	simm.s32 @!p2 $0x57D0;
	[sflag:s9] =	ssyncadd.s32 @p2 $0xFFFFF830;
	s9 =	sadd.s32 @!p2 $0x600, s29  }
0xaa: {  	[tilespmem:s7], [sflag:$0x1] =	stream.indirect.gather @!p2 [hbm4b:s1+s28], $0x10, s8, s28, $0xb8;
	[tilespmem:$0xB590] =	vst v63  }
0xab: {  	s10 =	sadd.s32 @!p2 $0x2A80, s29;
	s8 =	simm.s32 @!p2 $0x9;
	s7 =	sadd.s32 @!p2 $0x680, s29  }
0xac: {  	[spmem:s3] =	stream.indirect.scatter.add.f32 @!p2 [tilespmem:s18], [sflag:$0x9], $0x10, s6, s28, $0xb8;
	[tilespmem:$0xB590] =	vst v63  }
0xad: {  	s29 =	sadd.s32 @!p2 $0x700, s29;
	_ =	swait.ge @!p2 [sflag:s8], $0x7D0  }
0xae: {  	s6 =	simm.s32 @!p2 $0x3;
	[sflag:s8] =	ssyncset.done @!p2 $0x0  }
0xaf: {  	[sflag:s8] =	ssyncadd.s32 @!p2 $0xFFFFF830  }
0xb0: {  	_ =	swait.ge @!p2 [sflag:s6], $0x7D0  }
0xb1: {  	[sflag:s6] =	ssyncset.done @!p2 $0x0  }
0xb2: {  	[sflag:s6] =	ssyncadd.s32 @!p2 $0xFFFFF830;
	s6 =	sadd.s32 $0x2900, s25  }
0xb3: {  	[tilespmem:s18], [sflag:$0x2] =	stream.indirect.gather @!p2 [hbm4b:s1+s28], $0x10, s23, s28, $0xb8;
	[tilespmem:$0xB590] =	vst v63  }
0xb4: {  	_ = 	snop  }
0xb5: {  	[spmem:s3] =	stream.indirect.scatter.add.f32 [tilespmem:s22], [sflag:$0x9], $0x10, s6, s17, $0xb8;
	[tilespmem:$0xB590] =	vst v63  }
0xb6: {  	_ =	swait.ge [sflag:s14], $0x7D0  }
0xb7: {  	[sflag:s14] =	ssyncset.done $0x0  }
0xb8: {  	[sflag:s14] =	ssyncadd.s32 $0xFFFFF830  }
0xb9: {  	_ =	swait.ge [sflag:s19], $0x7D0  }
0xba: {  	s6 =	simm.s32 @p2 $0x6770;
	[sflag:s19] =	ssyncset.done $0x0  }
0xbb: {  	[sflag:s19] =	ssyncadd.s32 $0xFFFFF830  }
0xbc: {  	[spmem:s3] =	stream.indirect.scatter.add.f32 @p2 [tilespmem:s6], [sflag:$0x9], $0x10, s15, s30, $0xb8;
	[tilespmem:$0xB590] =	vst v63  }
0xbd: {  	_ =	swait.ge @p2 [sflag:s5], $0x7D0  }
0xbe: {  	s6 =	simm.s32 @p2 $0x5;
	[sflag:s5] =	ssyncset.done @p2 $0x0  }
0xbf: {  	[sflag:s5] =	ssyncadd.s32 @p2 $0xFFFFF830  }
0xc0: {  	_ =	swait.ge @p2 [sflag:s6], $0x7D0  }
0xc1: {  	s15 =	simm.s32 @!p2 $0x5FA0;
	[sflag:s6] =	ssyncset.done @p2 $0x0  }
0xc2: {  	[sflag:s6] =	ssyncadd.s32 @p2 $0xFFFFF830;
	s6 =	simm.s32 @!p2 $0x6770  }
0xc3: {  	[tilespmem:s15], [sflag:$0x3] =	stream.indirect.gather @!p2 [hbm4b:s1+s28], $0x10, s13, s28, $0xb8;
	[tilespmem:$0xB590] =	vst v63  }
0xc4: {  	_ = 	snop  }
0xc5: {  	[spmem:s3] =	stream.indirect.scatter.add.f32 @!p2 [tilespmem:s6], [sflag:$0x9], $0x10, s4, s28, $0xb8;
	[tilespmem:$0xB590] =	vst v63  }
0xc6: {  	_ =	swait.ge @!p2 [sflag:s8], $0x7D0  }
0xc7: {  	s4 =	simm.s32 @!p2 $0x5;
	[sflag:s8] =	ssyncset.done @!p2 $0x0  }
0xc8: {  	[sflag:s8] =	ssyncadd.s32 @!p2 $0xFFFFF830  }
0xc9: {  	_ =	swait.ge @!p2 [sflag:s4], $0x7D0  }
0xca: {  	[sflag:s4] =	ssyncset.done @!p2 $0x0  }
0xcb: {  	[sflag:s4] =	ssyncadd.s32 @!p2 $0xFFFFF830;
	s4 =	sadd.s32 $0x2A00, s25  }
0xcc: {  	[tilespmem:s6], [sflag:$0x4] =	stream.indirect.gather @!p2 [hbm4b:s1+s28], $0x10, s12, s28, $0xb8;
	[tilespmem:$0xB590] =	vst v63  }
0xcd: {  	_ = 	snop  }
0xce: {  	[spmem:s3] =	stream.indirect.scatter.add.f32 [tilespmem:s26], [sflag:$0x9], $0x10, s4, s17, $0xb8;
	[tilespmem:$0xB590] =	vst v63  }
0xcf: {  	_ =	swait.ge [sflag:s14], $0x7D0  }
0xd0: {  	[sflag:s14] =	ssyncset.done $0x0  }
0xd1: {  	[sflag:s14] =	ssyncadd.s32 $0xFFFFF830  }
0xd2: {  	_ =	swait.ge [sflag:s20], $0x7D0  }
0xd3: {  	s4 =	simm.s32 @p2 $0x7710;
	[sflag:s20] =	ssyncset.done $0x0  }
0xd4: {  	[sflag:s20] =	ssyncadd.s32 $0xFFFFF830  }
0xd5: {  	[spmem:s3] =	stream.indirect.scatter.add.f32 @p2 [tilespmem:s4], [sflag:$0x9], $0x10, s11, s30, $0xb8;
	[tilespmem:$0xB590] =	vst v63  }
0xd6: {  	s11 =	simm.s32 $0x5000  }
0xd7: {  	_ =	swait.ge @p2 [sflag:s5], $0x7D0  }
0xd8: {  	s4 =	simm.s32 @p2 $0x7;
	[sflag:s5] =	ssyncset.done @p2 $0x0  }
0xd9: {  	[sflag:s5] =	ssyncadd.s32 @p2 $0xFFFFF830  }
0xda: {  	_ =	swait.ge @p2 [sflag:s4], $0x7D0  }
0xdb: {  	s5 =	simm.s32 @!p2 $0x6F40;
	[sflag:s4] =	ssyncset.done @p2 $0x0  }
0xdc: {  	[sflag:s4] =	ssyncadd.s32 @p2 $0xFFFFF830;
	s4 =	simm.s32 @!p2 $0x7710  }
0xdd: {  	[tilespmem:s5], [sflag:$0x5] =	stream.indirect.gather @!p2 [hbm4b:s1+s28], $0x10, s9, s28, $0xb8;
	[tilespmem:$0xB590] =	vst v63  }
0xde: {  	_ = 	snop  }
0xdf: {  	[spmem:s3] =	stream.indirect.scatter.add.f32 @!p2 [tilespmem:s4], [sflag:$0x9], $0x10, s10, s28, $0xb8;
	[tilespmem:$0xB590] =	vst v63  }
0xe0: {  	_ =	swait.ge @!p2 [sflag:s8], $0x7D0  }
0xe1: {  	s5 =	simm.s32 @!p2 $0x7;
	[sflag:s8] =	ssyncset.done @!p2 $0x0  }
0xe2: {  	[sflag:s8] =	ssyncadd.s32 @!p2 $0xFFFFF830  }
0xe3: {  	_ =	swait.ge @!p2 [sflag:s5], $0x7D0  }
0xe4: {  	[sflag:s5] =	ssyncset.done @!p2 $0x0  }
0xe5: {  	[sflag:s5] =	ssyncadd.s32 @!p2 $0xFFFFF830;
	s5 =	sadd.s32 $0x2B00, s25  }
0xe6: {  	[tilespmem:s4], [sflag:$0x6] =	stream.indirect.gather @!p2 [hbm4b:s1+s28], $0x10, s7, s28, $0xb8;
	[tilespmem:$0xB590] =	vst v63  }
0xe7: {  	_ = 	snop  }
0xe8: {  	[spmem:s3] =	stream.indirect.scatter.add.f32 [tilespmem:s31], [sflag:$0x9], $0x10, s5, s17, $0xb8;
	[tilespmem:$0xB590] =	vst v63  }
0xe9: {  	_ =	swait.ge [sflag:s14], $0x7D0  }
0xea: {  	[sflag:s14] =	ssyncset.done $0x0  }
0xeb: {  	[sflag:s14] =	ssyncadd.s32 $0xFFFFF830  }
0xec: {  	_ =	swait.ge [sflag:s21], $0x7D0  }
0xed: {  	s4 =	simm.s32 @!p2 $0x7EE0;
	[sflag:s21] =	ssyncset.done $0x0  }
.Ltmp0:
0xee: {  	s5 =	sadd.s32 $0x2B80, s25;
	[sflag:s21] =	ssyncadd.s32 $0xFFFFF830;
	(pc) =	sbr.rel @p1 .LBB2_2-.Ltmp0, $4  }
0xef: {  	[tilespmem:s4], [sflag:$0x7] =	stream.indirect.gather @!p2 [hbm4b:s1+s28], $0x10, s29, s28, $0xb8;
	[tilespmem:$0xB590] =	vst v63  }
0xf0: {  	_ = 	snop  }
0xf1: {  	[spmem:s3] =	stream.indirect.scatter.add.f32 [tilespmem:s0], [sflag:$0x9], $0x10, s5, s17, $0xb8;
	[tilespmem:$0xB590] =	vst v63  }
0xf2: {  	_ =	swait.ge [sflag:s14], $0x7D0  }
0xf3: {  	[sflag:s14] =	ssyncset.done $0x0  }
0xf4: {  	[sflag:s14] =	ssyncadd.s32 $0xFFFFF830  }
0xf5: {  	[bflag:$0x0] =	sbarrier.arrive $0xFFFF  }
0xf6: {  	s6 =	rddreg [dreg:$0x5]  }
0xf7: {  	s4 =	rddreg [dreg:$0x9]  }
0xf8: {  	s7 =	rddreg [dreg:$0xc]  }
0xf9: {  	[hbm:s4], [sflag:s6] =	dma.local [spmem:s7], $0x4E0  }
0xfa: {  	_ =	swait.ge [sflag:s14], $0x4E0  }
0xfb: {  	[sflag:s14] =	ssyncset.done $0x0;
	s4 =	rddreg [dreg:$0xa]  }
0xfc: {  	s8 =	rddreg [dreg:$0xd];
	[sflag:s14] =	ssyncadd.s32 $0xFFFFFB20  }
0xfd: {  	[hbm:s4], [sflag:s6] =	dma.local @!p0 [spmem:s8], $0x20  }
0xfe: {  	s4 =	simm.s32 @!p0 $0x9  }
0xff: {  	_ =	swait.ge @!p0 [sflag:s4], $0x20  }
0x100: {  	s9 =	rddreg [dreg:$0xe]  }
0x101: {  	s5 =	rddreg [dreg:$0xb];
	s9 =	sadd.s32 $0x1, s9  }
0x102: {  	p1 =	sne.s32 s9, s5  }
.Ltmp1:
0x103: {  	_ = 	snop;
	(pc) =	sbr.rel @p1 .LBB2_1-.Ltmp1, $3  }
0x104: {  	_ =	sdelay $0x1  }
0x105: {  	[sflag:s4] =	ssyncset.done @!p0 $0x0  }
0x106: {  	[sflag:s4] =	ssyncadd.s32 @!p0 $0xFFFFFFE0  }
0x107: {  	_ =	sfence.sel $0x180000  }
0x108: {  	[bflag:$0x0] =	sbarrier.arrive $0xFFFF  }
0x109: {  	_ =	strace $0x9000004A  }
0x10a: {  	s0 =	stileid.u32;
	[bflag:$0x2] =	sbarrier.arrive $0xFFFF  }
0x10b: {  	p0 =	sne.s32 s0, $0x0;
	s0 =	rddreg [dreg:$0x3]  }
0x10c: {  	s0 =	sadd.s32 @!p0 $0x100000, s0  }
0x10d: {  	[sflag:s0] =	ssyncadd.tile.s32 @!p0 $0x1;
	_ =	shalt  }
.Lfunc_end2:
_tile_overlayer_lowered:
.L_overlay_start_2:
0x10e: {  	(tag) =	ssettag $0x2  }
0x10f: {  	s0 =	rddreg [dreg:$0x0];
	s2 =	stileid.u32  }
0x110: {  	s1 =	rddreg [dreg:$0x1];
	p0 =	sne.s32 s2, $0x0  }
0x111: {  	s3 =	rddreg [dreg:$0x2];
	[bflag:$0x3] =	sbarrier.arrive $0xFFFF;
	s2 =	simm.s32 @!p0 $0x1C09  }
0x112: {  	[timem:s3], [sflag:s2] =	dma.local @!p0 [hbm:s0], s1  }
0x113: {  	s0 =	simm.s32 @!p0 $0x9  }
0x114: {  	_ =	swait.ge @!p0 [sflag:s0], s1  }
0x115: {  	s1 =	ssub.s32 @!p0 $0x0, s1;
	[sflag:s0] =	ssyncset.done @!p0 $0x0  }
0x116: {  	[sflag:s0] =	ssyncadd.s32 @!p0 s1  }
0x117: {  	[bflag:$0x3] =	sbarrier.arrive $0xFFFF  }
0x118: {  	_ =	shalt  }

// kernel: kernel.15.cloned.1.call-start
scs
__scs_entry_jumppad:
0x0: {  	(pc) =	sbr.rel $0x88, $3  }
0x1: {  	(tag) =	ssettag $0x0;
	lr =	simm.s32 $0x1  }
0x2: {  	[smem:$0x3F9B] =	sst lr;
	_ =	strace $0xD0000000  }
0x3: {  	_ = 	snop  }
0x4: {  	_ = 	snop  }
0x5: {  	_ = 	snop  }
0x6: {  	_ = 	snop  }
0x7: {  	_ = 	snop  }
__scs_overlays_trampoline_lowered:
0x8: {  	[smem:$0x3FAA] =	sst s0  }
0x9: {  	[smem:$0x3FAB] =	sst s1  }
0xa: {  	[smem:$0x3FAC] =	sst s2  }
0xb: {  	[smem:$0x3FAD] =	sst s3  }
0xc: {  	[smem:$0x3FAE] =	sst s4  }
0xd: {  	[smem:$0x3FAF] =	sst s5  }
0xe: {  	[smem:$0x3FB0] =	sst s6  }
0xf: {  	[smem:$0x3FB1] =	sst s7  }
0x10: {  	[smem:$0x3FB2] =	sst s8  }
0x11: {  	[smem:$0x3FB3] =	sst s9;
	s0 =	simm.s32 @!p0 $0x0  }
0x12: {  	s1 =	sld [smem:$0x3F99];
	s0 =	simm.s32 @p0 $0x1  }
0x13: {  	[smem:$0x3FB4] =	sst s0;
	s0 =	simm.s32 @!p1 $0x0  }
0x14: {  	s2 =	sld [smem:$0x3F98];
	s0 =	simm.s32 @p1 $0x1  }
0x15: {  	[smem:$0x3FB5] =	sst s0;
	s0 =	simm.s32 @!p2 $0x0  }
0x16: {  	s3 =	sld [smem:$0x3FDB];
	s0 =	simm.s32 @p2 $0x1  }
0x17: {  	s4 =	simm.s32 $0x1BF5;
	[smem:$0x3FB7] =	sst s0  }
0x18: {  	s0 =	sld [smem:$0x3F9A];
	_ =	swait.ge [sflag:s4], $0x0  }
0x19: {  	s7 =	sld [smem:$0x3F9B]  }
0x1a: {  	s8 =	sadd.s32 $0xFFFFE003, lr  }
0x1b: {  	s9 =	sadd.s32 $0xFFFFFEF7, lr;
	s5 =	simm.s32 $0xFFFFFFFF;
	p2 =	slt.u32 s8, $0xFFFFF086  }
0x1c: {  	p1 =	slt.u32 s9, $0xF7A;
	s5 =	simm.s32 @!p2 $0x0  }
0x1d: {  	s5 =	simm.s32 @p1 $0x1;
	p0 =	seq.s32 s7, s2  }
0x1e: {  	s7 =	smul.u32 @!p0 $0xF7A, s2;
	p2 =	seq.s32 @!p0 s5, $0x0  }
0x1f: {  	s9 =	smul.u32 $0xF7A, s1;
	s8 =	simm.s32 @!p0 $0x1BF5;
	p2 =	por !p2, p0  }
0x20: {  	[sflag:s8] =	ssyncset.s32 @!p0 $0xFFFFF086;
	s6 =	sadd.s32 @!p0 s3, s7;
	s7 =	simm.s32 @!p0 $0x108  }
0x21: {  	s3 =	sadd.s32 s3, s9;
	s6 =	sadd.s32 @!p0 $0x88, s6;
	s7 =	simm.s32 @p2 $0x1082  }
0x22: {  	[simem:s7], [sflag:s8] =	dma.local @!p0 [hbm:s6], $0xF7A  }
0x23: {  	s9 =	sor.u32 $0xD0000000, s2;
	s6 =	simm.s32 $0x108;
	_ =	swait.ge @!p0 [sflag:s8], $0x0  }
0x24: {  	s3 =	sadd.s32 $0x88, s3;
	s6 =	simm.s32 @!p1 $0x1082;
	[sflag:s4] =	ssyncset.s32 $0xFFFFF086  }
0x25: {  	[simem:s6], [sflag:s4] =	dma.local [hbm:s3], $0xF7A  }
0x26: {  	[smem:$0x3F9B] =	sst s1;
	(tag) =	ssettag s2;
	_ =	strace s9  }
0x27: {  	s1 =	sld [smem:$0x3FAB]  }
0x28: {  	s2 =	sld [smem:$0x3FAC]  }
0x29: {  	s4 =	sld [smem:$0x3FAE]  }
0x2a: {  	p0 =	seq.s32 s5, $0x0;
	s5 =	sld [smem:$0x3FAF]  }
0x2b: {  	s6 =	sld [smem:$0x3FB0]  }
0x2c: {  	s7 =	sld [smem:$0x3FB1]  }
0x2d: {  	s3 =	simm.s32 $0x108;
	s8 =	sld [smem:$0x3FB2]  }
0x2e: {  	s3 =	simm.s32 @!p0 $0x1082;
	s9 =	sld [smem:$0x3FB3]  }
0x2f: {  	lr =	sadd.s32 s0, s3;
	s0 =	sld [smem:$0x3FAA]  }
0x30: {  	s3 =	sld [smem:$0x3FAD]  }
0x31: {  	[smem:$0x3FB6] =	sst s10  }
0x32: {  	s10 =	sld [smem:$0x3FB4];
	_ =	sdelay $0x3  }
0x33: {  	p0 =	seq.s32 s10, $0x1;
	s10 =	sld [smem:$0x3FB6];
	_ =	sdelay $0x3  }
0x34: {  	[smem:$0x3FB6] =	sst s10  }
0x35: {  	s10 =	sld [smem:$0x3FB5];
	_ =	sdelay $0x3  }
0x36: {  	p1 =	seq.s32 s10, $0x1;
	s10 =	sld [smem:$0x3FB6];
	_ =	sdelay $0x3  }
0x37: {  	[smem:$0x3FB6] =	sst s10  }
0x38: {  	s10 =	sld [smem:$0x3FB7]  }
0x39: {  	_ = 	snop;
	(pc) =	sbr.ind lr, $3  }
0x3a: {  	_ = 	snop  }
0x3b: {  	_ = 	snop  }
0x3c: {  	p2 =	seq.s32 s10, $0x1;
	s10 =	sld [smem:$0x3FB6]  }
0x3d: {  	_ =	shalt  }
0x3e: {  	_ =	shalt  }
0x3f: {  	_ =	shalt  }
0x40: {  	_ =	shalt  }
0x41: {  	_ =	shalt  }
0x42: {  	_ =	shalt  }
0x43: {  	_ =	shalt  }
0x44: {  	_ =	shalt  }
0x45: {  	_ =	shalt  }
0x46: {  	_ =	shalt  }
0x47: {  	_ =	shalt  }
0x48: {  	_ =	shalt  }
0x49: {  	_ =	shalt  }
0x4a: {  	_ =	shalt  }
0x4b: {  	_ =	shalt  }
0x4c: {  	_ =	shalt  }
0x4d: {  	_ =	shalt  }
0x4e: {  	_ =	shalt  }
0x4f: {  	_ =	shalt  }
0x50: {  	_ =	shalt  }
0x51: {  	_ =	shalt  }
0x52: {  	_ =	shalt  }
0x53: {  	_ =	shalt  }
0x54: {  	_ =	shalt  }
0x55: {  	_ =	shalt  }
0x56: {  	_ =	shalt  }
0x57: {  	_ =	shalt  }
0x58: {  	_ =	shalt  }
0x59: {  	_ =	shalt  }
0x5a: {  	_ =	shalt  }
0x5b: {  	_ =	shalt  }
0x5c: {  	_ =	shalt  }
0x5d: {  	_ =	shalt  }
0x5e: {  	_ =	shalt  }
0x5f: {  	_ =	shalt  }
0x60: {  	_ =	shalt  }
0x61: {  	_ =	shalt  }
0x62: {  	_ =	shalt  }
0x63: {  	_ =	shalt  }
0x64: {  	_ =	shalt  }
0x65: {  	_ =	shalt  }
0x66: {  	_ =	shalt  }
0x67: {  	_ =	shalt  }
0x68: {  	_ =	shalt  }
0x69: {  	_ =	shalt  }
0x6a: {  	_ =	shalt  }
0x6b: {  	_ =	shalt  }
0x6c: {  	_ =	shalt  }
0x6d: {  	_ =	shalt  }
0x6e: {  	_ =	shalt  }
0x6f: {  	_ =	shalt  }
0x70: {  	_ =	shalt  }
0x71: {  	_ =	shalt  }
0x72: {  	_ =	shalt  }
0x73: {  	_ =	shalt  }
0x74: {  	_ =	shalt  }
0x75: {  	_ =	shalt  }
0x76: {  	_ =	shalt  }
0x77: {  	_ =	shalt  }
0x78: {  	_ =	shalt  }
0x79: {  	_ =	shalt  }
0x7a: {  	_ =	shalt  }
0x7b: {  	_ =	shalt  }
0x7c: {  	_ =	shalt  }
0x7d: {  	_ =	shalt  }
0x7e: {  	_ =	shalt  }
0x7f: {  	_ =	shalt  }
0x80: {  	_ =	shalt  }
0x81: {  	_ =	shalt  }
0x82: {  	_ =	shalt  }
0x83: {  	_ =	shalt  }
0x84: {  	_ =	shalt  }
0x85: {  	_ =	shalt  }
0x86: {  	_ =	shalt  }
0x87: {  	_ =	shalt  }
.Lfunc_end0:
.L_simem_size_0:
called_computation.2_lowered:
.L_overlay_start_0:
0x88: {  	s2 =	sld [smem:$0x3FD9]  }
0x89: {  	s3 =	sld [smem:$0x3FFE];
	_ =	sdelay $0x1  }
0x8a: {  	s1 =	srdreg.scid  }
0x8b: {  	s0 =	sand.u32 $0x1, s1  }
0x8c: {  	s17 =	sshll.u32 s0, $0xA;
	s2 =	sadd.s32 s3, s2  }
0x8d: {  	s2 =	sadd.s32 s2, s17  }
0x8e: {  	[smem:$0x3FC2] =	sst s2  }
0x8f: {  	_ = 	snop  }
0x90: {  	s2 =	sld [smem:$0x3FD0];
	(tm) =	ssettm $0x1  }
0x91: {  	s18 =	sld [smem:$0x3FFB];
	_ =	sdelay $0x3  }
0x92: {  	_ =	strace s18  }
0x93: {  	s3 =	sld [smem:$0x3FFC];
	_ =	sdelay $0x3  }
0x94: {  	_ =	strace s3  }
0x95: {  	s3 =	sld [smem:$0x3FFD];
	_ =	sdelay $0x3  }
0x96: {  	_ =	strace s3  }
0x97: {  	_ =	strace $0x8FFFFFFF  }
0x98: {  	s19 =	sld [smem:$0x3FDB];
	_ =	sdelay $0x1  }
0x99: {  	s4 =	simm.s32 $_scs_section_size  }
0x9a: {  	s5 =	simm.s32 $_size__tile_overlayer_lowered;
	s6 =	simm.s32 $_tile_overlayer_lowered  }
0x9b: {  	s22 =	simm.s32 $0x1BFF;
	s21 =	sshll.u32 s6, $0x1;
	s3 =	sadd.s32 s4, s19  }
0x9c: {  	s7 =	simm.s32 $0x0;
	s20 =	sshll.u32 s5, $0x1;
	s5 =	sadd.s32 s21, s3  }
0x9d: {  	[timem:s7], [sflag:s22] =	dma.local [hbm:s5], s20  }
0x9e: {  	_ =	swait.ge [sflag:s22], s20  }
0x9f: {  	s4 =	ssub.s32 $0x0, s20;
	[sflag:s22] =	ssyncset.done $0x0  }
0xa0: {  	[sflag:s22] =	ssyncadd.s32 s4;
	_ =	sdelay $0x1  }
0xa1: {  	s23 =	simm.s32 $0x1B8B  }
0xa2: {  	_ =	swait.ge [sflag:s23], $0x1  }
0xa3: {  	[sflag:s23] =	ssyncset.done $0x0  }
0xa4: {  	s25 =	simm.s32 $0x1B8E;
	s24 =	sld [smem:$0x3FFE];
	[sflag:s23] =	ssyncadd.s32 $0xFFFFFFFF  }
0xa5: {  	s26 =	simm.s32 $execute0_lowered;
	[smem:$0x3FD2] =	sst s25  }
0xa6: {  	s5 =	sshll.u32 s26, $0x1;
	_ =	strace $0x8000004C;
	[dreg:$0x1] =	wrdreg $0xFFFFFFFF  }
0xa7: {  	s28 =	simm.s32 $_size_execute0_lowered;
	s3 =	sadd.s32 s3, s5;
	[dreg:$0x0] =	wrdreg $0x0  }
0xa8: {  	s5 =	sshll.u32 s28, $0x1;
	[dreg:$0x2] =	wrdreg s3  }
0xa9: {  	[dreg:$0x3] =	wrdreg s5  }
0xaa: {  	[dreg:$0x4] =	wrdreg $0xC0  }
0xab: {  	_ =	task [dreg:s7], $0x5FFFF  }
0xac: {  	[dreg:$0x1] =	wrdreg $0xFFFFFFFF  }
0xad: {  	[dreg:$0x0] =	wrdreg $0x60  }
0xae: {  	[dreg:$0x2] =	wrdreg s2  }
0xaf: {  	[dreg:$0x3] =	wrdreg s24  }
0xb0: {  	[dreg:$0x4] =	wrdreg $0x8E800  }
0xb1: {  	[dreg:$0x5] =	wrdreg $0x9  }
0xb2: {  	_ =	task.clear_ibuf [dreg:s7], $0x6FFFF;
	_ =	strace $0x9000004C  }
0xb3: {  	s29 =	simm.s32 $0x9;
	_ =	strace $0x8000004E  }
0xb4: {  	_ =	swait.ge [sflag:s29], $0x1  }
0xb5: {  	[sflag:s29] =	ssyncadd.s32 $0xFFFFFFFF  }
0xb6: {  	_ =	strace $0x9000004E  }
0xb7: {  	_ =	sfence  }
0xb8: {  	s30 =	sld [smem:$0x0];
	_ =	sdelay $0x2  }
0xb9: {  	s31 =	sshll.u32 s1, $0xD;
	s1 =	sshrl.u32 s1, $0x2  }
0xba: {  	s3 =	sand.u32 $0x4000, s31;
	s1 =	sadd.s32 s1, s30  }
0xbb: {  	s0 =	sor.u32 s3, s0;
	s1 =	sshll.u32 s1, $0x11  }
0xbc: {  	s0 =	sor.u32 s1, s0  }
0xbd: {  	s0 =	sadd.s32 $0x8F2B, s0  }
0xbe: {  	[sflag:s0] =	ssyncadd.remote.s32 $0x1  }
0xbf: {  	_ =	sfence.sel $0xFFFF  }
0xc0: {  	[dreg:$0x0] =	wrdreg $0xFFFFFFFF;
	(pc) =	sbr.abs _section_cstart, $3  }
0xc1: {  	[dreg:$0x1] =	wrdreg $0xFFFFFFFF  }
0xc2: {  	_ =	task.clear_ibuf [dreg:s7], $0x2FFFF;
	_ =	strace $0x9FFFFFFF  }
0xc3: {  	(tm) =	ssettm $0x7FFFFFFF  }
tec
execute0_lowered:
.L_overlay_start_1:
0x0: {  	(tag) =	ssettag $0x1  }
0x1: {  	s1 =	rddreg [dreg:$0x0]  }
0x2: {  	s0 =	srdreg.scid;
	s2 =	rddreg [dreg:$0x1]  }
0x3: {  	s10 =	stileid.u32;
	s3 =	rddreg [dreg:$0x2]  }
0x4: {  	s5 =	simm.s32 $0x0;
	s14 =	simm.s32 $0x9;
	s17 =	simm.s32 $0x7D  }
0x5: {  	s22 =	simm.s32 $0x5FA0;
	s31 =	simm.s32 $0x7EE0;
	s16 =	simm.s32 $0x2  }
0x6: {  	s19 =	simm.s32 $0x4;
	s20 =	simm.s32 $0x6;
	s21 =	simm.s32 $0x8  }
0x7: {  	s0 =	sand.u32 $0x1, s0;
	s4 =	sshll.u32 s10, $0x1;
	[smem:$0x7FF] =	sst s5  }
0x8: {  	s7 =	smul.u32 $0x2700, s10;
	s9 =	sshll.u32 s10, $0x6;
	s11 =	sadd.s32 $0x4E00, s1  }
0x9: {  	p0 =	sne.s32 s10, $0xF;
	s4 =	sor.u32 s0, s4;
	s26 =	ssub.s32 $0x2, s0  }
0xa: {  	_ =	strace $0x8000004D;
	s0 =	smul.u32 $0x27100, s0;
	[dreg:$0x6] =	wrdreg s11  }
0xb: {  	s11 =	simm.s32 $0x5000;
	s4 =	smul.u32 $0x2800, s4;
	s6 =	sshrl.u32 s26, $0x1  }
0xc: {  	s8 =	sadd.s32 s7, s3;
	s28 =	sshrl.u32 s7, $0x3;
	s5 =	ssub.s32 s26, s6  }
0xd: {  	s6 =	sadd.s32 s1, s28;
	s7 =	sadd.s32 s7, s0;
	s0 =	sshrl.u32 s0, $0x3  }
0xe: {  	s4 =	sshrl.u32 s4, $0x3;
	[dreg:$0x4] =	wrdreg s6;
	s30 =	smax.u32 s5, $0x1  }
0xf: {  	s6 =	sor.u32 $0x1C09, s9;
	s4 =	sadd.s32 s4, s2;
	[dreg:$0xb] =	wrdreg s30  }
0x10: {  	s7 =	sshrl.u32 s7, $0x3;
	[dreg:$0x5] =	wrdreg s6;
	s29 =	sadd.s32 $0x2200, s4  }
0x11: {  	s2 =	sadd.s32 $0x16200, s2;
	s4 =	sadd.s32 $0xC200, s4;
	[dreg:$0x7] =	wrdreg s29  }
0x12: {  	s0 =	sadd.s32 s2, s0;
	s2 =	sadd.s32 s2, s7;
	[dreg:$0x8] =	wrdreg s4  }
0x13: {  	s9 =	sadd.s32 $0x27000, s3;
	s7 =	sshrl.u32 s8, $0x3;
	[dreg:$0x9] =	wrdreg s2  }
0x14: {  	s26 =	simm.s32 $0x6F40;
	s8 =	sshrl.u32 @!p0 s9, $0x3;
	[dreg:$0xc] =	wrdreg s7  }
0x15: {  	s9 =	simm.s32 $0x0;
	s0 =	sadd.s32 $0x4E00, s0;
	[dreg:$0xd] =	wrdreg s8  }
0x16: {  	s2 =	simm.s32 $0x1;
	[dreg:$0xa] =	wrdreg s0;
	s0 =	simm.s32 $0x86B0  }
.LBB2_1:
0x17: {  	[dreg:$0xe] =	wrdreg s9  }
0x18: {  	s4 =	rddreg [dreg:$0x4]  }
0x19: {  	[spmem:s7], [sflag:s6] =	dma.local [hbm:s4], $0x4E0  }
0x1a: {  	_ =	swait.ge [sflag:s14], $0x4E0  }
0x1b: {  	[sflag:s14] =	ssyncset.done $0x0  }
0x1c: {  	s4 =	rddreg [dreg:$0x6];
	[sflag:s14] =	ssyncadd.s32 $0xFFFFFB20  }
0x1d: {  	[spmem:s8], [sflag:s6] =	dma.local @!p0 [hbm:s4], $0x20  }
0x1e: {  	s4 =	simm.s32 @!p0 $0x9  }
0x1f: {  	_ =	swait.ge @!p0 [sflag:s4], $0x20  }
0x20: {  	[sflag:s4] =	ssyncset.done @!p0 $0x0  }
0x21: {  	s28 =	simm.s32 $0x0;
	s5 =	rddreg [dreg:$0x7];
	[sflag:s4] =	ssyncadd.s32 @!p0 $0xFFFFFFE0  }
0x22: {  	[tilespmem:s28], [sflag:$0x9] =	stream.linear.gather [hbm4b:s5+s28], $0x2800, $0x38;
	[tilespmem:$0xB590] =	vst v63  }
0x23: {  	_ =	swait.ge [sflag:s14], $0x2800  }
0x24: {  	[sflag:s14] =	ssyncset.done $0x0  }
0x25: {  	s30 =	simm.s32 $0x2800;
	s29 =	rddreg [dreg:$0x8];
	[sflag:s14] =	ssyncadd.s32 $0xFFFFD800  }
0x26: {  	[tilespmem:s30], [sflag:$0x9] =	stream.linear.gather [hbm4b:s29+s28], $0x2800, $0x38;
	[tilespmem:$0xB590] =	vst v63  }
0x27: {  	_ =	swait.ge [sflag:s14], $0x2800  }
0x28: {  	[sflag:s14] =	ssyncset.done $0x0  }
0x29: {  	[sflag:s14] =	ssyncadd.s32 $0xFFFFD800  }
0x2a: {  	[bflag:$0x0] =	sbarrier.arrive $0xFFFF  }
0x2b: {  	[tilespmem:s11], [sflag:$0x1] =	stream.indirect.gather [hbm4b:s1+s17], $0x10, s28, s17, $0xb8;
	[tilespmem:$0xB590] =	vst v63  }
0x2c: {  	s7 =	simm.s32 $0x57D0;
	s6 =	simm.s32 $0x80  }
0x2d: {  	[tilespmem:s7], [sflag:$0x2] =	stream.indirect.gather [hbm4b:s1+s17], $0x10, s6, s17, $0xb8;
	[tilespmem:$0xB590] =	vst v63  }
0x2e: {  	s8 =	simm.s32 $0x100  }
0x2f: {  	[tilespmem:s22], [sflag:$0x3] =	stream.indirect.gather [hbm4b:s1+s17], $0x10, s8, s17, $0xb8;
	[tilespmem:$0xB590] =	vst v63  }
0x30: {  	s9 =	simm.s32 $0x180;
	s10 =	simm.s32 $0x6770  }
0x31: {  	[tilespmem:s10], [sflag:$0x4] =	stream.indirect.gather [hbm4b:s1+s17], $0x10, s9, s17, $0xb8;
	[tilespmem:$0xB590] =	vst v63  }
0x32: {  	s12 =	simm.s32 $0x200  }
0x33: {  	[tilespmem:s26], [sflag:$0x5] =	stream.indirect.gather [hbm4b:s1+s17], $0x10, s12, s17, $0xb8;
	[tilespmem:$0xB590] =	vst v63  }
0x34: {  	s13 =	simm.s32 $0x280;
	s15 =	simm.s32 $0x7710  }
0x35: {  	[tilespmem:s15], [sflag:$0x6] =	stream.indirect.gather [hbm4b:s1+s17], $0x10, s13, s17, $0xb8;
	[tilespmem:$0xB590] =	vst v63  }
0x36: {  	s18 =	simm.s32 $0x300  }
0x37: {  	[tilespmem:s31], [sflag:$0x7] =	stream.indirect.gather [hbm4b:s1+s17], $0x10, s18, s17, $0xb8;
	[tilespmem:$0xB590] =	vst v63  }
0x38: {  	_ =	swait.ge [sflag:s2], $0x7D0  }
0x39: {  	[sflag:s2] =	ssyncset.done $0x0  }
0x3a: {  	s23 =	simm.s32 $0x380;
	[sflag:s2] =	ssyncadd.s32 $0xFFFFF830  }
0x3b: {  	[tilespmem:s0], [sflag:$0x8] =	stream.indirect.gather [hbm4b:s1+s17], $0x10, s23, s17, $0xb8;
	[tilespmem:$0xB590] =	vst v63  }
0x3c: {  	s24 =	simm.s32 $0x2800  }
0x3d: {  	[spmem:s3] =	stream.indirect.scatter.add.f32 [tilespmem:s11], [sflag:$0x9], $0x10, s24, s17, $0xb8;
	[tilespmem:$0xB590] =	vst v63  }
0x3e: {  	_ =	swait.ge [sflag:s14], $0x7D0  }
0x3f: {  	[sflag:s14] =	ssyncset.done $0x0  }
0x40: {  	[sflag:s14] =	ssyncadd.s32 $0xFFFFF830  }
0x41: {  	p1 =	por $0x0, $0x0;
	_ =	swait.ge [sflag:s16], $0x7D0  }
0x42: {  	s4 =	simm.s32 @p1 $0x7D;
	[sflag:s16] =	ssyncset.done $0x0  }
0x43: {  	s5 =	simm.s32 @p1 $0x2880;
	s7 =	simm.s32 @p1 $0x57D0;
	[sflag:s16] =	ssyncadd.s32 $0xFFFFF830  }
0x44: {  	[spmem:s3] =	stream.indirect.scatter.add.f32 @p1 [tilespmem:s7], [sflag:$0x9], $0x10, s5, s4, $0xb8;
	[tilespmem:$0xB590] =	vst v63  }
0x45: {  	s7 =	simm.s32 @p1 $0x9  }
0x46: {  	_ =	swait.ge @p1 [sflag:s7], $0x7D0  }
0x47: {  	[sflag:s7] =	ssyncset.done @p1 $0x0  }
0x48: {  	s8 =	simm.s32 @p1 $0x3;
	[sflag:s7] =	ssyncadd.s32 @p1 $0xFFFFF830  }
0x49: {  	_ =	swait.ge @p1 [sflag:s8], $0x7D0  }
0x4a: {  	s9 =	simm.s32 @!p1 $0x400;
	[sflag:s8] =	ssyncset.done @p1 $0x0  }
0x4b: {  	s10 =	simm.s32 @!p1 $0x5000;
	s5 =	simm.s32 @!p1 $0x7D;
	[sflag:s8] =	ssyncadd.s32 @p1 $0xFFFFF830  }
0x4c: {  	[tilespmem:s10], [sflag:$0x1] =	stream.indirect.gather @!p1 [hbm4b:s1+s5], $0x10, s9, s5, $0xb8;
	[tilespmem:$0xB590] =	vst v63  }
0x4d: {  	s8 =	simm.s32 @!p1 $0x9;
	s9 =	simm.s32 @!p1 $0x2880;
	s10 =	simm.s32 @!p1 $0x57D0  }
0x4e: {  	[spmem:s3] =	stream.indirect.scatter.add.f32 @!p1 [tilespmem:s10], [sflag:$0x9], $0x10, s9, s5, $0xb8;
	[tilespmem:$0xB590] =	vst v63  }
0x4f: {  	_ =	swait.ge @!p1 [sflag:s8], $0x7D0  }
0x50: {  	[sflag:s8] =	ssyncset.done @!p1 $0x0  }
0x51: {  	s9 =	simm.s32 @!p1 $0x3;
	[sflag:s8] =	ssyncadd.s32 @!p1 $0xFFFFF830  }
0x52: {  	_ =	swait.ge @!p1 [sflag:s9], $0x7D0  }
0x53: {  	[sflag:s9] =	ssyncset.done @!p1 $0x0  }
0x54: {  	[sflag:s9] =	ssyncadd.s32 @!p1 $0xFFFFF830;
	s9 =	simm.s32 @!p1 $0x480  }
0x55: {  	[tilespmem:s10], [sflag:$0x2] =	stream.indirect.gather @!p1 [hbm4b:s1+s5], $0x10, s9, s5, $0xb8;
	[tilespmem:$0xB590] =	vst v63  }
0x56: {  	s25 =	simm.s32 $0x2900  }
0x57: {  	[spmem:s3] =	stream.indirect.scatter.add.f32 [tilespmem:s22], [sflag:$0x9], $0x10, s25, s17, $0xb8;
	[tilespmem:$0xB590] =	vst v63  }
0x58: {  	_ =	swait.ge [sflag:s14], $0x7D0  }
0x59: {  	[sflag:s14] =	ssyncset.done $0x0  }
0x5a: {  	[sflag:s14] =	ssyncadd.s32 $0xFFFFF830  }
0x5b: {  	_ =	swait.ge [sflag:s19], $0x7D0  }
0x5c: {  	[sflag:s19] =	ssyncset.done $0x0  }
0x5d: {  	s9 =	simm.s32 @p1 $0x2980;
	s10 =	simm.s32 @p1 $0x6770;
	[sflag:s19] =	ssyncadd.s32 $0xFFFFF830  }
0x5e: {  	[spmem:s3] =	stream.indirect.scatter.add.f32 @p1 [tilespmem:s10], [sflag:$0x9], $0x10, s9, s4, $0xb8;
	[tilespmem:$0xB590] =	vst v63  }
0x5f: {  	_ =	swait.ge @p1 [sflag:s7], $0x7D0  }
0x60: {  	[sflag:s7] =	ssyncset.done @p1 $0x0  }
0x61: {  	s9 =	simm.s32 @p1 $0x5;
	[sflag:s7] =	ssyncadd.s32 @p1 $0xFFFFF830  }
0x62: {  	_ =	swait.ge @p1 [sflag:s9], $0x7D0  }
0x63: {  	[sflag:s9] =	ssyncset.done @p1 $0x0  }
0x64: {  	s10 =	simm.s32 @!p1 $0x500;
	[sflag:s9] =	ssyncadd.s32 @p1 $0xFFFFF830;
	s9 =	simm.s32 @!p1 $0x5FA0  }
0x65: {  	[tilespmem:s9], [sflag:$0x3] =	stream.indirect.gather @!p1 [hbm4b:s1+s5], $0x10, s10, s5, $0xb8;
	[tilespmem:$0xB590] =	vst v63  }
0x66: {  	s9 =	simm.s32 @!p1 $0x2980;
	s10 =	simm.s32 @!p1 $0x6770  }
0x67: {  	[spmem:s3] =	stream.indirect.scatter.add.f32 @!p1 [tilespmem:s10], [sflag:$0x9], $0x10, s9, s5, $0xb8;
	[tilespmem:$0xB590] =	vst v63  }
0x68: {  	_ =	swait.ge @!p1 [sflag:s8], $0x7D0  }
0x69: {  	[sflag:s8] =	ssyncset.done @!p1 $0x0  }
0x6a: {  	s9 =	simm.s32 @!p1 $0x5;
	[sflag:s8] =	ssyncadd.s32 @!p1 $0xFFFFF830  }
0x6b: {  	_ =	swait.ge @!p1 [sflag:s9], $0x7D0  }
0x6c: {  	[sflag:s9] =	ssyncset.done @!p1 $0x0  }
0x6d: {  	[sflag:s9] =	ssyncadd.s32 @!p1 $0xFFFFF830;
	s9 =	simm.s32 @!p1 $0x580  }
0x6e: {  	[tilespmem:s10], [sflag:$0x4] =	stream.indirect.gather @!p1 [hbm4b:s1+s5], $0x10, s9, s5, $0xb8;
	[tilespmem:$0xB590] =	vst v63  }
0x6f: {  	s28 =	simm.s32 $0x2A00  }
0x70: {  	[spmem:s3] =	stream.indirect.scatter.add.f32 [tilespmem:s26], [sflag:$0x9], $0x10, s28, s17, $0xb8;
	[tilespmem:$0xB590] =	vst v63  }
0x71: {  	_ =	swait.ge [sflag:s14], $0x7D0  }
0x72: {  	[sflag:s14] =	ssyncset.done $0x0  }
0x73: {  	[sflag:s14] =	ssyncadd.s32 $0xFFFFF830  }
0x74: {  	_ =	swait.ge [sflag:s20], $0x7D0  }
0x75: {  	[sflag:s20] =	ssyncset.done $0x0  }
0x76: {  	s9 =	simm.s32 @p1 $0x2A80;
	s10 =	simm.s32 @p1 $0x7710;
	[sflag:s20] =	ssyncadd.s32 $0xFFFFF830  }
0x77: {  	[spmem:s3] =	stream.indirect.scatter.add.f32 @p1 [tilespmem:s10], [sflag:$0x9], $0x10, s9, s4, $0xb8;
	[tilespmem:$0xB590] =	vst v63  }
0x78: {  	_ =	swait.ge @p1 [sflag:s7], $0x7D0  }
0x79: {  	[sflag:s7] =	ssyncset.done @p1 $0x0  }
0x7a: {  	s4 =	simm.s32 @p1 $0x7;
	[sflag:s7] =	ssyncadd.s32 @p1 $0xFFFFF830  }
0x7b: {  	_ =	swait.ge @p1 [sflag:s4], $0x7D0  }
0x7c: {  	[sflag:s4] =	ssyncset.done @p1 $0x0  }
0x7d: {  	s7 =	simm.s32 @!p1 $0x600;
	[sflag:s4] =	ssyncadd.s32 @p1 $0xFFFFF830;
	s4 =	simm.s32 @!p1 $0x6F40  }
0x7e: {  	[tilespmem:s4], [sflag:$0x5] =	stream.indirect.gather @!p1 [hbm4b:s1+s5], $0x10, s7, s5, $0xb8;
	[tilespmem:$0xB590] =	vst v63  }
0x7f: {  	s4 =	simm.s32 @!p1 $0x2A80;
	s7 =	simm.s32 @!p1 $0x7710  }
0x80: {  	[spmem:s3] =	stream.indirect.scatter.add.f32 @!p1 [tilespmem:s7], [sflag:$0x9], $0x10, s4, s5, $0xb8;
	[tilespmem:$0xB590] =	vst v63  }
0x81: {  	_ =	swait.ge @!p1 [sflag:s8], $0x7D0  }
0x82: {  	[sflag:s8] =	ssyncset.done @!p1 $0x0  }
0x83: {  	s4 =	simm.s32 @!p1 $0x7;
	[sflag:s8] =	ssyncadd.s32 @!p1 $0xFFFFF830  }
0x84: {  	_ =	swait.ge @!p1 [sflag:s4], $0x7D0  }
0x85: {  	[sflag:s4] =	ssyncset.done @!p1 $0x0  }
0x86: {  	[sflag:s4] =	ssyncadd.s32 @!p1 $0xFFFFF830;
	s4 =	simm.s32 @!p1 $0x680  }
0x87: {  	[tilespmem:s7], [sflag:$0x6] =	stream.indirect.gather @!p1 [hbm4b:s1+s5], $0x10, s4, s5, $0xb8;
	[tilespmem:$0xB590] =	vst v63  }
0x88: {  	s29 =	simm.s32 $0x2B00  }
0x89: {  	[spmem:s3] =	stream.indirect.scatter.add.f32 [tilespmem:s31], [sflag:$0x9], $0x10, s29, s17, $0xb8;
	[tilespmem:$0xB590] =	vst v63  }
0x8a: {  	_ =	swait.ge [sflag:s14], $0x7D0  }
0x8b: {  	[sflag:s14] =	ssyncset.done $0x0  }
0x8c: {  	[sflag:s14] =	ssyncadd.s32 $0xFFFFF830  }
0x8d: {  	_ =	swait.ge [sflag:s21], $0x7D0  }
0x8e: {  	[sflag:s21] =	ssyncset.done $0x0  }
0x8f: {  	s4 =	simm.s32 @!p1 $0x700;
	s7 =	simm.s32 @!p1 $0x7EE0;
	[sflag:s21] =	ssyncadd.s32 $0xFFFFF830  }
0x90: {  	[tilespmem:s7], [sflag:$0x7] =	stream.indirect.gather @!p1 [hbm4b:s1+s5], $0x10, s4, s5, $0xb8;
	[tilespmem:$0xB590] =	vst v63  }
0x91: {  	s30 =	simm.s32 $0x2B80  }
0x92: {  	[spmem:s3] =	stream.indirect.scatter.add.f32 [tilespmem:s0], [sflag:$0x9], $0x10, s30, s17, $0xb8;
	[tilespmem:$0xB590] =	vst v63  }
0x93: {  	s24 =	simm.s32 $0x1000;
	_ =	swait.ge [sflag:s14], $0x7D0  }
.LBB2_2:
0x94: {  	[sflag:s14] =	ssyncset.done $0x0;
	s4 =	smov.u32 s24;
	s24 =	sadd.s32 $0x1000, s24  }
0x95: {  	p1 =	sne.s32 s24, $0xA000;
	[sflag:s14] =	ssyncadd.s32 $0xFFFFF830  }
0x96: {  	_ =	swait.ge [sflag:s2], $0x7D0  }
0x97: {  	s25 =	sshra.s32 s4, $0x2;
	[sflag:s2] =	ssyncset.done $0x0  }
0x98: {  	s5 =	sadd.s32 $0x380, s25;
	[sflag:s2] =	ssyncadd.s32 $0xFFFFF830  }
0x99: {  	[tilespmem:s0], [sflag:$0x8] =	stream.indirect.gather [hbm4b:s1+s17], $0x10, s5, s17, $0xb8;
	[tilespmem:$0xB590] =	vst v63  }
0x9a: {  	s5 =	sadd.s32 $0x2800, s25  }
0x9b: {  	[spmem:s3] =	stream.indirect.scatter.add.f32 [tilespmem:s11], [sflag:$0x9], $0x10, s5, s17, $0xb8;
	[tilespmem:$0xB590] =	vst v63  }
0x9c: {  	_ =	swait.ge [sflag:s14], $0x7D0  }
0x9d: {  	[sflag:s14] =	ssyncset.done $0x0  }
0x9e: {  	[sflag:s14] =	ssyncadd.s32 $0xFFFFF830  }
0x9f: {  	p2 =	seq.s32 s4, $0x9000;
	_ =	swait.ge [sflag:s16], $0x7D0  }
0xa0: {  	s7 =	sshra.s32 @p2 s4, $0x2;
	s30 =	simm.s32 @p2 $0x7D;
	[sflag:s16] =	ssyncset.done $0x0  }
0xa1: {  	s8 =	simm.s32 @p2 $0x57D0;
	s5 =	sadd.s32 @p2 $0x2880, s7;
	[sflag:s16] =	ssyncadd.s32 $0xFFFFF830  }
0xa2: {  	[spmem:s3] =	stream.indirect.scatter.add.f32 @p2 [tilespmem:s8], [sflag:$0x9], $0x10, s5, s30, $0xb8;
	[tilespmem:$0xB590] =	vst v63  }
0xa3: {  	s29 =	sshra.s32 @!p2 s4, $0x2;
	s15 =	sadd.s32 @p2 $0x2980, s7;
	s5 =	simm.s32 @p2 $0x9  }
0xa4: {  	s6 =	sadd.s32 @!p2 $0x2880, s29;
	s8 =	sadd.s32 @!p2 $0x400, s29;
	_ =	swait.ge @p2 [sflag:s5], $0x7D0  }
0xa5: {  	s9 =	simm.s32 @p2 $0x3;
	s23 =	sadd.s32 @!p2 $0x480, s29;
	[sflag:s5] =	ssyncset.done @p2 $0x0  }
0xa6: {  	s13 =	sadd.s32 @!p2 $0x500, s29;
	s4 =	sadd.s32 @!p2 $0x2980, s29;
	[sflag:s5] =	ssyncadd.s32 @p2 $0xFFFFF830  }
0xa7: {  	s12 =	sadd.s32 @!p2 $0x580, s29;
	s11 =	sadd.s32 @p2 $0x2A80, s7;
	_ =	swait.ge @p2 [sflag:s9], $0x7D0  }
0xa8: {  	s28 =	simm.s32 @!p2 $0x7D;
	s7 =	simm.s32 @!p2 $0x5000;
	[sflag:s9] =	ssyncset.done @p2 $0x0  }
0xa9: {  	s18 =	simm.s32 @!p2 $0x57D0;
	[sflag:s9] =	ssyncadd.s32 @p2 $0xFFFFF830;
	s9 =	sadd.s32 @!p2 $0x600, s29  }
0xaa: {  	[tilespmem:s7], [sflag:$0x1] =	stream.indirect.gather @!p2 [hbm4b:s1+s28], $0x10, s8, s28, $0xb8;
	[tilespmem:$0xB590] =	vst v63  }
0xab: {  	s10 =	sadd.s32 @!p2 $0x2A80, s29;
	s8 =	simm.s32 @!p2 $0x9;
	s7 =	sadd.s32 @!p2 $0x680, s29  }
0xac: {  	[spmem:s3] =	stream.indirect.scatter.add.f32 @!p2 [tilespmem:s18], [sflag:$0x9], $0x10, s6, s28, $0xb8;
	[tilespmem:$0xB590] =	vst v63  }
0xad: {  	s29 =	sadd.s32 @!p2 $0x700, s29;
	_ =	swait.ge @!p2 [sflag:s8], $0x7D0  }
0xae: {  	s6 =	simm.s32 @!p2 $0x3;
	[sflag:s8] =	ssyncset.done @!p2 $0x0  }
0xaf: {  	[sflag:s8] =	ssyncadd.s32 @!p2 $0xFFFFF830  }
0xb0: {  	_ =	swait.ge @!p2 [sflag:s6], $0x7D0  }
0xb1: {  	[sflag:s6] =	ssyncset.done @!p2 $0x0  }
0xb2: {  	[sflag:s6] =	ssyncadd.s32 @!p2 $0xFFFFF830;
	s6 =	sadd.s32 $0x2900, s25  }
0xb3: {  	[tilespmem:s18], [sflag:$0x2] =	stream.indirect.gather @!p2 [hbm4b:s1+s28], $0x10, s23, s28, $0xb8;
	[tilespmem:$0xB590] =	vst v63  }
0xb4: {  	_ = 	snop  }
0xb5: {  	[spmem:s3] =	stream.indirect.scatter.add.f32 [tilespmem:s22], [sflag:$0x9], $0x10, s6, s17, $0xb8;
	[tilespmem:$0xB590] =	vst v63  }
0xb6: {  	_ =	swait.ge [sflag:s14], $0x7D0  }
0xb7: {  	[sflag:s14] =	ssyncset.done $0x0  }
0xb8: {  	[sflag:s14] =	ssyncadd.s32 $0xFFFFF830  }
0xb9: {  	_ =	swait.ge [sflag:s19], $0x7D0  }
0xba: {  	s6 =	simm.s32 @p2 $0x6770;
	[sflag:s19] =	ssyncset.done $0x0  }
0xbb: {  	[sflag:s19] =	ssyncadd.s32 $0xFFFFF830  }
0xbc: {  	[spmem:s3] =	stream.indirect.scatter.add.f32 @p2 [tilespmem:s6], [sflag:$0x9], $0x10, s15, s30, $0xb8;
	[tilespmem:$0xB590] =	vst v63  }
0xbd: {  	_ =	swait.ge @p2 [sflag:s5], $0x7D0  }
0xbe: {  	s6 =	simm.s32 @p2 $0x5;
	[sflag:s5] =	ssyncset.done @p2 $0x0  }
0xbf: {  	[sflag:s5] =	ssyncadd.s32 @p2 $0xFFFFF830  }
0xc0: {  	_ =	swait.ge @p2 [sflag:s6], $0x7D0  }
0xc1: {  	s15 =	simm.s32 @!p2 $0x5FA0;
	[sflag:s6] =	ssyncset.done @p2 $0x0  }
0xc2: {  	[sflag:s6] =	ssyncadd.s32 @p2 $0xFFFFF830;
	s6 =	simm.s32 @!p2 $0x6770  }
0xc3: {  	[tilespmem:s15], [sflag:$0x3] =	stream.indirect.gather @!p2 [hbm4b:s1+s28], $0x10, s13, s28, $0xb8;
	[tilespmem:$0xB590] =	vst v63  }
0xc4: {  	_ = 	snop  }
0xc5: {  	[spmem:s3] =	stream.indirect.scatter.add.f32 @!p2 [tilespmem:s6], [sflag:$0x9], $0x10, s4, s28, $0xb8;
	[tilespmem:$0xB590] =	vst v63  }
0xc6: {  	_ =	swait.ge @!p2 [sflag:s8], $0x7D0  }
0xc7: {  	s4 =	simm.s32 @!p2 $0x5;
	[sflag:s8] =	ssyncset.done @!p2 $0x0  }
0xc8: {  	[sflag:s8] =	ssyncadd.s32 @!p2 $0xFFFFF830  }
0xc9: {  	_ =	swait.ge @!p2 [sflag:s4], $0x7D0  }
0xca: {  	[sflag:s4] =	ssyncset.done @!p2 $0x0  }
0xcb: {  	[sflag:s4] =	ssyncadd.s32 @!p2 $0xFFFFF830;
	s4 =	sadd.s32 $0x2A00, s25  }
0xcc: {  	[tilespmem:s6], [sflag:$0x4] =	stream.indirect.gather @!p2 [hbm4b:s1+s28], $0x10, s12, s28, $0xb8;
	[tilespmem:$0xB590] =	vst v63  }
0xcd: {  	_ = 	snop  }
0xce: {  	[spmem:s3] =	stream.indirect.scatter.add.f32 [tilespmem:s26], [sflag:$0x9], $0x10, s4, s17, $0xb8;
	[tilespmem:$0xB590] =	vst v63  }
0xcf: {  	_ =	swait.ge [sflag:s14], $0x7D0  }
0xd0: {  	[sflag:s14] =	ssyncset.done $0x0  }
0xd1: {  	[sflag:s14] =	ssyncadd.s32 $0xFFFFF830  }
0xd2: {  	_ =	swait.ge [sflag:s20], $0x7D0  }
0xd3: {  	s4 =	simm.s32 @p2 $0x7710;
	[sflag:s20] =	ssyncset.done $0x0  }
0xd4: {  	[sflag:s20] =	ssyncadd.s32 $0xFFFFF830  }
0xd5: {  	[spmem:s3] =	stream.indirect.scatter.add.f32 @p2 [tilespmem:s4], [sflag:$0x9], $0x10, s11, s30, $0xb8;
	[tilespmem:$0xB590] =	vst v63  }
0xd6: {  	s11 =	simm.s32 $0x5000  }
0xd7: {  	_ =	swait.ge @p2 [sflag:s5], $0x7D0  }
0xd8: {  	s4 =	simm.s32 @p2 $0x7;
	[sflag:s5] =	ssyncset.done @p2 $0x0  }
0xd9: {  	[sflag:s5] =	ssyncadd.s32 @p2 $0xFFFFF830  }
0xda: {  	_ =	swait.ge @p2 [sflag:s4], $0x7D0  }
0xdb: {  	s5 =	simm.s32 @!p2 $0x6F40;
	[sflag:s4] =	ssyncset.done @p2 $0x0  }
0xdc: {  	[sflag:s4] =	ssyncadd.s32 @p2 $0xFFFFF830;
	s4 =	simm.s32 @!p2 $0x7710  }
0xdd: {  	[tilespmem:s5], [sflag:$0x5] =	stream.indirect.gather @!p2 [hbm4b:s1+s28], $0x10, s9, s28, $0xb8;
	[tilespmem:$0xB590] =	vst v63  }
0xde: {  	_ = 	snop  }
0xdf: {  	[spmem:s3] =	stream.indirect.scatter.add.f32 @!p2 [tilespmem:s4], [sflag:$0x9], $0x10, s10, s28, $0xb8;
	[tilespmem:$0xB590] =	vst v63  }
0xe0: {  	_ =	swait.ge @!p2 [sflag:s8], $0x7D0  }
0xe1: {  	s5 =	simm.s32 @!p2 $0x7;
	[sflag:s8] =	ssyncset.done @!p2 $0x0  }
0xe2: {  	[sflag:s8] =	ssyncadd.s32 @!p2 $0xFFFFF830  }
0xe3: {  	_ =	swait.ge @!p2 [sflag:s5], $0x7D0  }
0xe4: {  	[sflag:s5] =	ssyncset.done @!p2 $0x0  }
0xe5: {  	[sflag:s5] =	ssyncadd.s32 @!p2 $0xFFFFF830;
	s5 =	sadd.s32 $0x2B00, s25  }
0xe6: {  	[tilespmem:s4], [sflag:$0x6] =	stream.indirect.gather @!p2 [hbm4b:s1+s28], $0x10, s7, s28, $0xb8;
	[tilespmem:$0xB590] =	vst v63  }
0xe7: {  	_ = 	snop  }
0xe8: {  	[spmem:s3] =	stream.indirect.scatter.add.f32 [tilespmem:s31], [sflag:$0x9], $0x10, s5, s17, $0xb8;
	[tilespmem:$0xB590] =	vst v63  }
0xe9: {  	_ =	swait.ge [sflag:s14], $0x7D0  }
0xea: {  	[sflag:s14] =	ssyncset.done $0x0  }
0xeb: {  	[sflag:s14] =	ssyncadd.s32 $0xFFFFF830  }
0xec: {  	_ =	swait.ge [sflag:s21], $0x7D0  }
0xed: {  	s4 =	simm.s32 @!p2 $0x7EE0;
	[sflag:s21] =	ssyncset.done $0x0  }
.Ltmp0:
0xee: {  	s5 =	sadd.s32 $0x2B80, s25;
	[sflag:s21] =	ssyncadd.s32 $0xFFFFF830;
	(pc) =	sbr.rel @p1 .LBB2_2-.Ltmp0, $4  }
0xef: {  	[tilespmem:s4], [sflag:$0x7] =	stream.indirect.gather @!p2 [hbm4b:s1+s28], $0x10, s29, s28, $0xb8;
	[tilespmem:$0xB590] =	vst v63  }
0xf0: {  	_ = 	snop  }
0xf1: {  	[spmem:s3] =	stream.indirect.scatter.add.f32 [tilespmem:s0], [sflag:$0x9], $0x10, s5, s17, $0xb8;
	[tilespmem:$0xB590] =	vst v63  }
0xf2: {  	_ =	swait.ge [sflag:s14], $0x7D0  }
0xf3: {  	[sflag:s14] =	ssyncset.done $0x0  }
0xf4: {  	[sflag:s14] =	ssyncadd.s32 $0xFFFFF830  }
0xf5: {  	[bflag:$0x0] =	sbarrier.arrive $0xFFFF  }
0xf6: {  	s6 =	rddreg [dreg:$0x5]  }
0xf7: {  	s4 =	rddreg [dreg:$0x9]  }
0xf8: {  	s7 =	rddreg [dreg:$0xc]  }
0xf9: {  	[hbm:s4], [sflag:s6] =	dma.local [spmem:s7], $0x4E0  }
0xfa: {  	_ =	swait.ge [sflag:s14], $0x4E0  }
0xfb: {  	[sflag:s14] =	ssyncset.done $0x0;
	s4 =	rddreg [dreg:$0xa]  }
0xfc: {  	s8 =	rddreg [dreg:$0xd];
	[sflag:s14] =	ssyncadd.s32 $0xFFFFFB20  }
0xfd: {  	[hbm:s4], [sflag:s6] =	dma.local @!p0 [spmem:s8], $0x20  }
0xfe: {  	s4 =	simm.s32 @!p0 $0x9  }
0xff: {  	_ =	swait.ge @!p0 [sflag:s4], $0x20  }
0x100: {  	s9 =	rddreg [dreg:$0xe]  }
0x101: {  	s5 =	rddreg [dreg:$0xb];
	s9 =	sadd.s32 $0x1, s9  }
0x102: {  	p1 =	sne.s32 s9, s5  }
.Ltmp1:
0x103: {  	_ = 	snop;
	(pc) =	sbr.rel @p1 .LBB2_1-.Ltmp1, $3  }
0x104: {  	_ =	sdelay $0x1  }
0x105: {  	[sflag:s4] =	ssyncset.done @!p0 $0x0  }
0x106: {  	[sflag:s4] =	ssyncadd.s32 @!p0 $0xFFFFFFE0  }
0x107: {  	_ =	sfence.sel $0x180000  }
0x108: {  	[bflag:$0x0] =	sbarrier.arrive $0xFFFF  }
0x109: {  	_ =	strace $0x9000004D  }
0x10a: {  	s0 =	stileid.u32;
	[bflag:$0x2] =	sbarrier.arrive $0xFFFF  }
0x10b: {  	p0 =	sne.s32 s0, $0x0;
	s0 =	rddreg [dreg:$0x3]  }
0x10c: {  	s0 =	sadd.s32 @!p0 $0x100000, s0  }
0x10d: {  	[sflag:s0] =	ssyncadd.tile.s32 @!p0 $0x1;
	_ =	shalt  }
.Lfunc_end2:
_tile_overlayer_lowered:
.L_overlay_start_2:
0x10e: {  	(tag) =	ssettag $0x2  }
0x10f: {  	s0 =	rddreg [dreg:$0x0];
	s2 =	stileid.u32  }
0x110: {  	s1 =	rddreg [dreg:$0x1];
	p0 =	sne.s32 s2, $0x0  }
0x111: {  	s3 =	rddreg [dreg:$0x2];
	[bflag:$0x3] =	sbarrier.arrive $0xFFFF;
	s2 =	simm.s32 @!p0 $0x1C09  }
0x112: {  	[timem:s3], [sflag:s2] =	dma.local @!p0 [hbm:s0], s1  }
0x113: {  	s0 =	simm.s32 @!p0 $0x9  }
0x114: {  	_ =	swait.ge @!p0 [sflag:s0], s1  }
0x115: {  	s1 =	ssub.s32 @!p0 $0x0, s1;
	[sflag:s0] =	ssyncset.done @!p0 $0x0  }
0x116: {  	[sflag:s0] =	ssyncadd.s32 @!p0 s1  }
0x117: {  	[bflag:$0x3] =	sbarrier.arrive $0xFFFF  }
0x118: {  	_ =	shalt  }

// kernel: kernel.9.cloned.1.call-start
scs
__scs_entry_jumppad:
0x0: {  	(pc) =	sbr.rel $0x88, $3  }
0x1: {  	(tag) =	ssettag $0x0;
	lr =	simm.s32 $0x1  }
0x2: {  	[smem:$0x3F9B] =	sst lr;
	_ =	strace $0xD0000000  }
0x3: {  	_ = 	snop  }
0x4: {  	_ = 	snop  }
0x5: {  	_ = 	snop  }
0x6: {  	_ = 	snop  }
0x7: {  	_ = 	snop  }
__scs_overlays_trampoline_lowered:
0x8: {  	[smem:$0x3FAA] =	sst s0  }
0x9: {  	[smem:$0x3FAB] =	sst s1  }
0xa: {  	[smem:$0x3FAC] =	sst s2  }
0xb: {  	[smem:$0x3FAD] =	sst s3  }
0xc: {  	[smem:$0x3FAE] =	sst s4  }
0xd: {  	[smem:$0x3FAF] =	sst s5  }
0xe: {  	[smem:$0x3FB0] =	sst s6  }
0xf: {  	[smem:$0x3FB1] =	sst s7  }
0x10: {  	[smem:$0x3FB2] =	sst s8  }
0x11: {  	[smem:$0x3FB3] =	sst s9;
	s0 =	simm.s32 @!p0 $0x0  }
0x12: {  	s1 =	sld [smem:$0x3F99];
	s0 =	simm.s32 @p0 $0x1  }
0x13: {  	[smem:$0x3FB4] =	sst s0;
	s0 =	simm.s32 @!p1 $0x0  }
0x14: {  	s2 =	sld [smem:$0x3F98];
	s0 =	simm.s32 @p1 $0x1  }
0x15: {  	[smem:$0x3FB5] =	sst s0;
	s0 =	simm.s32 @!p2 $0x0  }
0x16: {  	s3 =	sld [smem:$0x3FDB];
	s0 =	simm.s32 @p2 $0x1  }
0x17: {  	s4 =	simm.s32 $0x1BF5;
	[smem:$0x3FB7] =	sst s0  }
0x18: {  	s0 =	sld [smem:$0x3F9A];
	_ =	swait.ge [sflag:s4], $0x0  }
0x19: {  	s7 =	sld [smem:$0x3F9B]  }
0x1a: {  	s8 =	sadd.s32 $0xFFFFE003, lr  }
0x1b: {  	s9 =	sadd.s32 $0xFFFFFEF7, lr;
	s5 =	simm.s32 $0xFFFFFFFF;
	p2 =	slt.u32 s8, $0xFFFFF086  }
0x1c: {  	p1 =	slt.u32 s9, $0xF7A;
	s5 =	simm.s32 @!p2 $0x0  }
0x1d: {  	s5 =	simm.s32 @p1 $0x1;
	p0 =	seq.s32 s7, s2  }
0x1e: {  	s7 =	smul.u32 @!p0 $0xF7A, s2;
	p2 =	seq.s32 @!p0 s5, $0x0  }
0x1f: {  	s9 =	smul.u32 $0xF7A, s1;
	s8 =	simm.s32 @!p0 $0x1BF5;
	p2 =	por !p2, p0  }
0x20: {  	[sflag:s8] =	ssyncset.s32 @!p0 $0xFFFFF086;
	s6 =	sadd.s32 @!p0 s3, s7;
	s7 =	simm.s32 @!p0 $0x108  }
0x21: {  	s3 =	sadd.s32 s3, s9;
	s6 =	sadd.s32 @!p0 $0x88, s6;
	s7 =	simm.s32 @p2 $0x1082  }
0x22: {  	[simem:s7], [sflag:s8] =	dma.local @!p0 [hbm:s6], $0xF7A  }
0x23: {  	s9 =	sor.u32 $0xD0000000, s2;
	s6 =	simm.s32 $0x108;
	_ =	swait.ge @!p0 [sflag:s8], $0x0  }
0x24: {  	s3 =	sadd.s32 $0x88, s3;
	s6 =	simm.s32 @!p1 $0x1082;
	[sflag:s4] =	ssyncset.s32 $0xFFFFF086  }
0x25: {  	[simem:s6], [sflag:s4] =	dma.local [hbm:s3], $0xF7A  }
0x26: {  	[smem:$0x3F9B] =	sst s1;
	(tag) =	ssettag s2;
	_ =	strace s9  }
0x27: {  	s1 =	sld [smem:$0x3FAB]  }
0x28: {  	s2 =	sld [smem:$0x3FAC]  }
0x29: {  	s4 =	sld [smem:$0x3FAE]  }
0x2a: {  	p0 =	seq.s32 s5, $0x0;
	s5 =	sld [smem:$0x3FAF]  }
0x2b: {  	s6 =	sld [smem:$0x3FB0]  }
0x2c: {  	s7 =	sld [smem:$0x3FB1]  }
0x2d: {  	s3 =	simm.s32 $0x108;
	s8 =	sld [smem:$0x3FB2]  }
0x2e: {  	s3 =	simm.s32 @!p0 $0x1082;
	s9 =	sld [smem:$0x3FB3]  }
0x2f: {  	lr =	sadd.s32 s0, s3;
	s0 =	sld [smem:$0x3FAA]  }
0x30: {  	s3 =	sld [smem:$0x3FAD]  }
0x31: {  	[smem:$0x3FB6] =	sst s10  }
0x32: {  	s10 =	sld [smem:$0x3FB4];
	_ =	sdelay $0x3  }
0x33: {  	p0 =	seq.s32 s10, $0x1;
	s10 =	sld [smem:$0x3FB6];
	_ =	sdelay $0x3  }
0x34: {  	[smem:$0x3FB6] =	sst s10  }
0x35: {  	s10 =	sld [smem:$0x3FB5];
	_ =	sdelay $0x3  }
0x36: {  	p1 =	seq.s32 s10, $0x1;
	s10 =	sld [smem:$0x3FB6];
	_ =	sdelay $0x3  }
0x37: {  	[smem:$0x3FB6] =	sst s10  }
0x38: {  	s10 =	sld [smem:$0x3FB7]  }
0x39: {  	_ = 	snop;
	(pc) =	sbr.ind lr, $3  }
0x3a: {  	_ = 	snop  }
0x3b: {  	_ = 	snop  }
0x3c: {  	p2 =	seq.s32 s10, $0x1;
	s10 =	sld [smem:$0x3FB6]  }
0x3d: {  	_ =	shalt  }
0x3e: {  	_ =	shalt  }
0x3f: {  	_ =	shalt  }
0x40: {  	_ =	shalt  }
0x41: {  	_ =	shalt  }
0x42: {  	_ =	shalt  }
0x43: {  	_ =	shalt  }
0x44: {  	_ =	shalt  }
0x45: {  	_ =	shalt  }
0x46: {  	_ =	shalt  }
0x47: {  	_ =	shalt  }
0x48: {  	_ =	shalt  }
0x49: {  	_ =	shalt  }
0x4a: {  	_ =	shalt  }
0x4b: {  	_ =	shalt  }
0x4c: {  	_ =	shalt  }
0x4d: {  	_ =	shalt  }
0x4e: {  	_ =	shalt  }
0x4f: {  	_ =	shalt  }
0x50: {  	_ =	shalt  }
0x51: {  	_ =	shalt  }
0x52: {  	_ =	shalt  }
0x53: {  	_ =	shalt  }
0x54: {  	_ =	shalt  }
0x55: {  	_ =	shalt  }
0x56: {  	_ =	shalt  }
0x57: {  	_ =	shalt  }
0x58: {  	_ =	shalt  }
0x59: {  	_ =	shalt  }
0x5a: {  	_ =	shalt  }
0x5b: {  	_ =	shalt  }
0x5c: {  	_ =	shalt  }
0x5d: {  	_ =	shalt  }
0x5e: {  	_ =	shalt  }
0x5f: {  	_ =	shalt  }
0x60: {  	_ =	shalt  }
0x61: {  	_ =	shalt  }
0x62: {  	_ =	shalt  }
0x63: {  	_ =	shalt  }
0x64: {  	_ =	shalt  }
0x65: {  	_ =	shalt  }
0x66: {  	_ =	shalt  }
0x67: {  	_ =	shalt  }
0x68: {  	_ =	shalt  }
0x69: {  	_ =	shalt  }
0x6a: {  	_ =	shalt  }
0x6b: {  	_ =	shalt  }
0x6c: {  	_ =	shalt  }
0x6d: {  	_ =	shalt  }
0x6e: {  	_ =	shalt  }
0x6f: {  	_ =	shalt  }
0x70: {  	_ =	shalt  }
0x71: {  	_ =	shalt  }
0x72: {  	_ =	shalt  }
0x73: {  	_ =	shalt  }
0x74: {  	_ =	shalt  }
0x75: {  	_ =	shalt  }
0x76: {  	_ =	shalt  }
0x77: {  	_ =	shalt  }
0x78: {  	_ =	shalt  }
0x79: {  	_ =	shalt  }
0x7a: {  	_ =	shalt  }
0x7b: {  	_ =	shalt  }
0x7c: {  	_ =	shalt  }
0x7d: {  	_ =	shalt  }
0x7e: {  	_ =	shalt  }
0x7f: {  	_ =	shalt  }
0x80: {  	_ =	shalt  }
0x81: {  	_ =	shalt  }
0x82: {  	_ =	shalt  }
0x83: {  	_ =	shalt  }
0x84: {  	_ =	shalt  }
0x85: {  	_ =	shalt  }
0x86: {  	_ =	shalt  }
0x87: {  	_ =	shalt  }
.Lfunc_end0:
.L_simem_size_0:
called_computation_lowered:
.L_overlay_start_0:
0x88: {  	s2 =	sld [smem:$0x3FD9]  }
0x89: {  	s3 =	sld [smem:$0x3FFE];
	_ =	sdelay $0x1  }
0x8a: {  	s1 =	srdreg.scid  }
0x8b: {  	s0 =	sand.u32 $0x1, s1  }
0x8c: {  	s17 =	sshll.u32 s0, $0xA;
	s2 =	sadd.s32 s3, s2  }
0x8d: {  	s2 =	sadd.s32 s2, s17  }
0x8e: {  	[smem:$0x3FC2] =	sst s2  }
0x8f: {  	_ = 	snop  }
0x90: {  	s2 =	sld [smem:$0x3FD0];
	(tm) =	ssettm $0x1  }
0x91: {  	s18 =	sld [smem:$0x3FFB];
	_ =	sdelay $0x3  }
0x92: {  	_ =	strace s18  }
0x93: {  	s3 =	sld [smem:$0x3FFC];
	_ =	sdelay $0x3  }
0x94: {  	_ =	strace s3  }
0x95: {  	s3 =	sld [smem:$0x3FFD];
	_ =	sdelay $0x3  }
0x96: {  	_ =	strace s3  }
0x97: {  	_ =	strace $0x8FFFFFFF  }
0x98: {  	s19 =	sld [smem:$0x3FDB];
	_ =	sdelay $0x1  }
0x99: {  	s4 =	simm.s32 $_scs_section_size  }
0x9a: {  	s5 =	simm.s32 $_size__tile_overlayer_lowered;
	s6 =	simm.s32 $_tile_overlayer_lowered  }
0x9b: {  	s22 =	simm.s32 $0x1BFF;
	s21 =	sshll.u32 s6, $0x1;
	s3 =	sadd.s32 s4, s19  }
0x9c: {  	s7 =	simm.s32 $0x0;
	s20 =	sshll.u32 s5, $0x1;
	s5 =	sadd.s32 s21, s3  }
0x9d: {  	[timem:s7], [sflag:s22] =	dma.local [hbm:s5], s20  }
0x9e: {  	_ =	swait.ge [sflag:s22], s20  }
0x9f: {  	s4 =	ssub.s32 $0x0, s20;
	[sflag:s22] =	ssyncset.done $0x0  }
0xa0: {  	[sflag:s22] =	ssyncadd.s32 s4;
	_ =	sdelay $0x1  }
0xa1: {  	s23 =	simm.s32 $0x1B8B  }
0xa2: {  	_ =	swait.ge [sflag:s23], $0x1  }
0xa3: {  	[sflag:s23] =	ssyncset.done $0x0  }
0xa4: {  	s25 =	simm.s32 $0x1B8E;
	s24 =	sld [smem:$0x3FFE];
	[sflag:s23] =	ssyncadd.s32 $0xFFFFFFFF  }
0xa5: {  	s26 =	simm.s32 $execute0_lowered;
	[smem:$0x3FD2] =	sst s25  }
0xa6: {  	s5 =	sshll.u32 s26, $0x1;
	_ =	strace $0x80000046;
	[dreg:$0x1] =	wrdreg $0xFFFFFFFF  }
0xa7: {  	s28 =	simm.s32 $_size_execute0_lowered;
	s3 =	sadd.s32 s3, s5;
	[dreg:$0x0] =	wrdreg $0x0  }
0xa8: {  	s5 =	sshll.u32 s28, $0x1;
	[dreg:$0x2] =	wrdreg s3  }
0xa9: {  	[dreg:$0x3] =	wrdreg s5  }
0xaa: {  	[dreg:$0x4] =	wrdreg $0xC0  }
0xab: {  	_ =	task [dreg:s7], $0x5FFFF  }
0xac: {  	[dreg:$0x1] =	wrdreg $0xFFFFFFFF  }
0xad: {  	[dreg:$0x0] =	wrdreg $0x60  }
0xae: {  	[dreg:$0x2] =	wrdreg s24  }
0xaf: {  	[dreg:$0x3] =	wrdreg s2  }
0xb0: {  	[dreg:$0x4] =	wrdreg $0x2FD00  }
0xb1: {  	[dreg:$0x5] =	wrdreg $0x9  }
0xb2: {  	_ =	task.clear_ibuf [dreg:s7], $0x6FFFF;
	_ =	strace $0x90000046  }
0xb3: {  	s29 =	simm.s32 $0x9;
	_ =	strace $0x80000048  }
0xb4: {  	_ =	swait.ge [sflag:s29], $0x1  }
0xb5: {  	[sflag:s29] =	ssyncadd.s32 $0xFFFFFFFF  }
0xb6: {  	_ =	strace $0x90000048  }
0xb7: {  	_ =	sfence  }
0xb8: {  	s30 =	sld [smem:$0x0];
	_ =	sdelay $0x2  }
0xb9: {  	s31 =	sshll.u32 s1, $0xD;
	s1 =	sshrl.u32 s1, $0x2  }
0xba: {  	s3 =	sand.u32 $0x4000, s31;
	s1 =	sadd.s32 s1, s30  }
0xbb: {  	s0 =	sor.u32 s3, s0;
	s1 =	sshll.u32 s1, $0x11  }
0xbc: {  	s0 =	sor.u32 s1, s0  }
0xbd: {  	s0 =	sadd.s32 $0x8F2B, s0  }
0xbe: {  	[sflag:s0] =	ssyncadd.remote.s32 $0x1  }
0xbf: {  	_ =	sfence.sel $0xFFFF  }
0xc0: {  	[dreg:$0x0] =	wrdreg $0xFFFFFFFF;
	(pc) =	sbr.abs _section_cstart, $3  }
0xc1: {  	[dreg:$0x1] =	wrdreg $0xFFFFFFFF  }
0xc2: {  	_ =	task.clear_ibuf [dreg:s7], $0x2FFFF;
	_ =	strace $0x9FFFFFFF  }
0xc3: {  	(tm) =	ssettm $0x7FFFFFFF  }
tec
execute0_lowered:
.L_overlay_start_1:
0x0: {  	(tag) =	ssettag $0x1  }
0x1: {  	s8 =	rddreg [dreg:$0x0]  }
0x2: {  	s1 =	rddreg [dreg:$0x1]  }
0x3: {  	s2 =	rddreg [dreg:$0x2]  }
0x4: {  	s0 =	rddreg [dreg:$0x3]  }
0x5: {  	s4 =	simm.s32 $0x0;
	s5 =	srdreg.scid;
	s3 =	stileid.u32  }
0x6: {  	s16 =	simm.s32 $0x7D;
	s17 =	simm.s32 $0x0;
	[smem:$0x7FF] =	sst s4  }
0x7: {  	s5 =	sand.u32 $0x1, s5;
	s7 =	sshll.u32 s3, $0x1;
	s9 =	smul.u32 $0x2700, s3  }
0x8: {  	s10 =	sadd.s32 $0x16200, s8;
	s30 =	sshll.u32 s3, $0x6;
	s15 =	sadd.s32 $0x27000, s2  }
0x9: {  	p0 =	sne.s32 s3, $0xF;
	_ =	strace $0x80000047;
	s6 =	ssub.s32 $0x2, s5  }
0xa: {  	s7 =	sor.u32 s5, s7;
	s14 =	smul.u32 $0x27100, s5;
	s11 =	sshrl.u32 s6, $0x1  }
0xb: {  	s12 =	sadd.s32 s9, s2;
	s13 =	smul.u32 $0x2800, s7;
	s29 =	sshrl.u32 s9, $0x3  }
0xc: {  	s7 =	sadd.s32 $0x4E00, s1;
	s11 =	ssub.s32 s6, s11;
	s5 =	sadd.s32 s1, s29  }
0xd: {  	s6 =	sor.u32 $0x1C01, s30;
	s9 =	sadd.s32 s9, s14;
	s31 =	sshrl.u32 s14, $0x3  }
0xe: {  	s12 =	sshrl.u32 s12, $0x3;
	s14 =	sshrl.u32 @!p0 s15, $0x3;
	s15 =	simm.s32 $0x2800  }
0xf: {  	s13 =	sshrl.u32 s13, $0x3;
	s9 =	sshrl.u32 s9, $0x3;
	s11 =	smax.u32 s11, $0x1  }
0x10: {  	s8 =	sadd.s32 s8, s13;
	s9 =	sadd.s32 s10, s9;
	s10 =	sadd.s32 s10, s31  }
0x11: {  	s13 =	simm.s32 $0x1;
	s8 =	sadd.s32 $0xC200, s8;
	s10 =	sadd.s32 $0x4E00, s10  }
.LBB2_1:
0x12: {  	[spmem:s12], [sflag:s6] =	dma.local [hbm:s5], $0x4E0  }
0x13: {  	_ =	swait.ge [sflag:s13], $0x4E0  }
0x14: {  	[sflag:s13] =	ssyncset.done $0x0  }
0x15: {  	s18 =	simm.s32 @!p0 $0x1;
	[sflag:s13] =	ssyncadd.s32 $0xFFFFFB20  }
0x16: {  	[spmem:s14], [sflag:s6] =	dma.local @!p0 [hbm:s7], $0x20  }
0x17: {  	_ =	swait.ge @!p0 [sflag:s18], $0x20  }
0x18: {  	[sflag:s18] =	ssyncset.done @!p0 $0x0  }
0x19: {  	[sflag:s18] =	ssyncadd.s32 @!p0 $0xFFFFFFE0  }
0x1a: {  	[tilespmem:s15], [sflag:$0x1] =	stream.linear.gather [hbm4b:s1+s4], $0x7D0, $0x38;
	[tilespmem:$0x56E0] =	vst v63  }
0x1b: {  	_ =	swait.ge [sflag:s13], $0x7D0  }
0x1c: {  	[sflag:s13] =	ssyncset.done $0x0  }
0x1d: {  	[sflag:s13] =	ssyncadd.s32 $0xFFFFF830  }
0x1e: {  	[tilespmem:s4], [sflag:$0x1] =	stream.linear.gather [hbm4b:s8+s4], $0x2800, $0x38;
	[tilespmem:$0x56E0] =	vst v63  }
0x1f: {  	_ =	swait.ge [sflag:s13], $0x2800  }
0x20: {  	[sflag:s13] =	ssyncset.done $0x0  }
0x21: {  	[sflag:s13] =	ssyncadd.s32 $0xFFFFD800  }
0x22: {  	s31 =	simm.s32 $0x0;
	[bflag:$0x0] =	sbarrier.arrive $0xFFFF  }
0x23: {  	[spmem:s2] =	stream.indirect.scatter.add.f32 [tilespmem:s15], [sflag:$0x1], $0x10, s31, s16, $0xb8;
	[tilespmem:$0x56E0] =	vst v63  }
0x24: {  	_ =	swait.ge [sflag:s13], $0x7D0  }
0x25: {  	s18 =	simm.s32 $0x200;
	[sflag:s13] =	ssyncset.done $0x0  }
.LBB2_2:
0x26: {  	s19 =	sshra.s32 s18, $0x2;
	[sflag:s13] =	ssyncadd.s32 $0xFFFFF830;
	p1 =	sne.s32 s18, $0x9E00  }
0x27: {  	[spmem:s2] =	stream.indirect.scatter.add.f32 [tilespmem:s15], [sflag:$0x1], $0x10, s19, s16, $0xb8;
	[tilespmem:$0x56E0] =	vst v63  }
.Ltmp0:
0x28: {  	_ = 	snop;
	(pc) =	sbr.rel @p1 .LBB2_2-.Ltmp0, $4  }
0x29: {  	_ = 	snop  }
0x2a: {  	s18 =	sadd.s32 $0x200, s18  }
0x2b: {  	_ =	swait.ge [sflag:s13], $0x7D0  }
0x2c: {  	[sflag:s13] =	ssyncset.done $0x0  }
0x2d: {  	[sflag:s13] =	ssyncadd.s32 $0xFFFFF830  }
0x2e: {  	[bflag:$0x0] =	sbarrier.arrive $0xFFFF  }
0x2f: {  	[hbm:s9], [sflag:s6] =	dma.local [spmem:s12], $0x4E0  }
0x30: {  	s17 =	sadd.s32 $0x1, s17;
	_ =	swait.ge [sflag:s13], $0x4E0  }
0x31: {  	p1 =	sne.s32 s17, s11;
	[sflag:s13] =	ssyncset.done $0x0  }
.Ltmp1:
0x32: {  	s18 =	simm.s32 @!p0 $0x1;
	[sflag:s13] =	ssyncadd.s32 $0xFFFFFB20;
	(pc) =	sbr.rel @p1 .LBB2_1-.Ltmp1, $4  }
0x33: {  	[hbm:s10], [sflag:s6] =	dma.local @!p0 [spmem:s14], $0x20  }
0x34: {  	_ =	swait.ge @!p0 [sflag:s18], $0x20  }
0x35: {  	[sflag:s18] =	ssyncset.done @!p0 $0x0  }
0x36: {  	[sflag:s18] =	ssyncadd.s32 @!p0 $0xFFFFFFE0  }
0x37: {  	_ =	sfence.sel $0x180000  }
0x38: {  	[bflag:$0x0] =	sbarrier.arrive $0xFFFF  }
0x39: {  	p0 =	sne.s32 s3, $0x0;
	_ =	strace $0x90000047  }
0x3a: {  	s0 =	sadd.s32 @!p0 $0x100000, s0;
	[bflag:$0x2] =	sbarrier.arrive $0xFFFF  }
0x3b: {  	[sflag:s0] =	ssyncadd.tile.s32 @!p0 $0x1;
	_ =	shalt  }
.Lfunc_end2:
_tile_overlayer_lowered:
.L_overlay_start_2:
0x3c: {  	(tag) =	ssettag $0x2  }
0x3d: {  	s0 =	rddreg [dreg:$0x0];
	s2 =	stileid.u32  }
0x3e: {  	s1 =	rddreg [dreg:$0x1];
	p0 =	sne.s32 s2, $0x0  }
0x3f: {  	s3 =	rddreg [dreg:$0x2];
	[bflag:$0x3] =	sbarrier.arrive $0xFFFF;
	s2 =	simm.s32 @!p0 $0x1C01  }
0x40: {  	[timem:s3], [sflag:s2] =	dma.local @!p0 [hbm:s0], s1  }
0x41: {  	s0 =	simm.s32 @!p0 $0x1  }
0x42: {  	_ =	swait.ge @!p0 [sflag:s0], s1  }
0x43: {  	s1 =	ssub.s32 @!p0 $0x0, s1;
	[sflag:s0] =	ssyncset.done @!p0 $0x0  }
0x44: {  	[sflag:s0] =	ssyncadd.s32 @!p0 s1  }
0x45: {  	[bflag:$0x3] =	sbarrier.arrive $0xFFFF  }
0x46: {  	_ =	shalt  }

</sc_bundles>
